<compile_context>
chip_gen: v7x
topology: tpu7x:2x2x1
jax: 0.10.2.dev20260603
libtpu: 0.0.44.dev20260713+nightly
codegen_flags: <defaults>
</compile_context>

<pallas_src>
import functools

import jax
import jax.numpy as jnp
from jax import lax
from jax.experimental import pallas as pl
from jax.experimental.pallas import tpu as pltpu
from jax.experimental.pallas import tpu_sc as plsc

N = 10000
E = 320000
DIM = 128
G = 128
BN_EPS = 1e-5

NC = 2
NS = 16
NW = NC * NS
CHUNK = 80
NCHUNK = 128
NSTAGE = 2
SCHUNK = NCHUNK // NSTAGE
EPAD = NW * NCHUNK * CHUNK
NPAD = 10240
ROWS_PER_S = NPAD // NS
NBUF = 3


def _sc_segment_sum(x, e4, zrows):
    mesh = plsc.VectorSubcoreMesh(core_axis_name="c", subcore_axis_name="s")

    @functools.partial(
        pl.kernel,
        mesh=mesh,
        out_type=jax.ShapeDtypeStruct((NC, NPAD, DIM), jnp.float32),
        scratch_types=[
            pltpu.VMEM((SCHUNK, CHUNK), jnp.int32),
            pltpu.VMEM((SCHUNK, CHUNK), jnp.int32),
            *[pltpu.VMEM((CHUNK, DIM), jnp.float32) for _ in range(NBUF)],
            pltpu.VMEM_SHARED((NPAD, DIM), jnp.float32),
            *[pltpu.SemaphoreType.DMA for _ in range(NBUF)],
        ],
    )
    def k(x_hbm, e_hbm, z_hbm, out_hbm, src_v, dst_v, *rest):
        rows = rest[:NBUF]
        acc = rest[NBUF]
        sems = rest[NBUF + 1:]
        c = lax.axis_index("c")
        s = lax.axis_index("s")
        wid = s * NC + c

        pltpu.sync_copy(z_hbm, acc.at[pl.ds(s * ROWS_PER_S, ROWS_PER_S)])

        plsc.subcore_barrier()

        for st in range(NSTAGE):
            pltpu.sync_copy(e_hbm.at[0, wid, pl.ds(st * SCHUNK, SCHUNK)], src_v)
            pltpu.sync_copy(e_hbm.at[1, wid, pl.ds(st * SCHUNK, SCHUNK)], dst_v)

            for b in range(NBUF):
                pltpu.async_copy(x_hbm.at[src_v.at[b]], rows[b], sems[b])

            FULL = SCHUNK // NBUF

            @pl.loop(0, FULL)
            def _(jj):
                j0 = jj * NBUF
                for b in range(NBUF):
                    j = j0 + b
                    pltpu.make_async_copy(x_hbm.at[src_v.at[j]], rows[b], sems[b]).wait()
                    pltpu.sync_copy(rows[b], acc.at[dst_v.at[j]], add=True)

                    @pl.when(j + NBUF < SCHUNK)
                    def _():
                        pltpu.async_copy(x_hbm.at[src_v.at[j + NBUF]], rows[b], sems[b])

            for b in range(SCHUNK - FULL * NBUF):
                j = FULL * NBUF + b
                pltpu.make_async_copy(x_hbm.at[src_v.at[j]], rows[b], sems[b]).wait()
                pltpu.sync_copy(rows[b], acc.at[dst_v.at[j]], add=True)

        plsc.subcore_barrier()

        pltpu.sync_copy(
            acc.at[pl.ds(s * ROWS_PER_S, ROWS_PER_S)],
            out_hbm.at[c, pl.ds(s * ROWS_PER_S, ROWS_PER_S)],
        )

    return k(x, e4, zrows)


def _tc_layer(x, agg, w1, b1, w2, b2, gamma, beta):
    def body(x_ref, a_ref, w1_ref, b1_ref, w2_ref, b2_ref, g_ref, bt_ref, o_ref):
        h = x_ref[...] + a_ref[0, :N] + a_ref[1, :N]
        h = jnp.dot(h, w1_ref[...], preferred_element_type=jnp.float32) + b1_ref[...]
        h = jnp.maximum(h, 0.0)
        h = jnp.dot(h, w2_ref[...], preferred_element_type=jnp.float32) + b2_ref[...]
        a = jnp.maximum(h, 0.0)
        mean = jnp.mean(a, axis=0, keepdims=True)
        var = jnp.mean((a - mean) ** 2, axis=0, keepdims=True)
        o_ref[...] = (a - mean) * lax.rsqrt(var + BN_EPS) * g_ref[...] + bt_ref[...]

    return pl.pallas_call(
        body,
        out_shape=jax.ShapeDtypeStruct((N, DIM), jnp.float32),
    )(x, agg, w1, b1, w2, b2, gamma, beta)


def _bn_in_kernel(a, g, bt):
    mean = jnp.mean(a, axis=0, keepdims=True)
    var = jnp.mean((a - mean) ** 2, axis=0, keepdims=True)
    return (a - mean) * lax.rsqrt(var + BN_EPS) * g + bt


def _tc_final(x, batch2d, sw, sb, heads):
    def body(x_ref, b_ref, sw_ref, sb_ref,
             nmw, nmb, nmg, nmbt, nlw, nlb, nlg, nlbt,
             gmw, gmb, gmg, gmbt, glw, glb, glg, glbt,
             o_nm, o_nl, o_gm, o_gl):
        x_ = x_ref[...]
        logit = jnp.sum(x_ * sw_ref[...], axis=1, keepdims=True) + sb_ref[...]
        w = jax.nn.sigmoid(logit)
        summary = w * x_
        noisy = x_ - summary

        ids = b_ref[...]
        row = lax.broadcasted_iota(jnp.int32, (G, N), 0)
        onehot = (row == ids).astype(jnp.float32)
        slots = jnp.dot(onehot, summary, preferred_element_type=jnp.float32,
                        precision=lax.Precision.HIGHEST)

        nm = jnp.maximum(jnp.dot(noisy, nmw[...], preferred_element_type=jnp.float32) + nmb[...], 0.0)
        o_nm[...] = _bn_in_kernel(nm, nmg[...], nmbt[...])
        nl = jnp.maximum(jnp.dot(noisy, nlw[...], preferred_element_type=jnp.float32) + nlb[...], 0.0)
        o_nl[...] = _bn_in_kernel(nl, nlg[...], nlbt[...])
        gm = jnp.maximum(jnp.dot(slots, gmw[...], preferred_element_type=jnp.float32) + gmb[...], 0.0)
        o_gm[...] = _bn_in_kernel(gm, gmg[...], gmbt[...])
        gl = jnp.maximum(jnp.dot(slots, glw[...], preferred_element_type=jnp.float32) + glb[...], 0.0)
        o_gl[...] = _bn_in_kernel(gl, glg[...], glbt[...])

    flat_heads = [t for h in heads for t in h]
    return pl.pallas_call(
        body,
        out_shape=(
            jax.ShapeDtypeStruct((N, DIM), jnp.float32),
            jax.ShapeDtypeStruct((N, DIM), jnp.float32),
            jax.ShapeDtypeStruct((G, DIM), jnp.float32),
            jax.ShapeDtypeStruct((G, DIM), jnp.float32),
        ),
    )(x, batch2d, sw, sb, *flat_heads)


def _row(v):
    return v.reshape(1, -1)


def kernel(x, edge_index, batch, params):
    npad_e = EPAD - E
    ar = jnp.arange(npad_e, dtype=jnp.int32)
    pad = jnp.stack([ar % N, N + ar % (NPAD - N)])
    e4 = jnp.concatenate([edge_index, pad], axis=1).reshape(2, NW, NCHUNK, CHUNK)
    zrows = jnp.zeros((ROWS_PER_S, DIM), jnp.float32)

    for i in range(3):
        c = params["convs"][i]
        bn = params["bns"][i]
        agg = _sc_segment_sum(x, e4, zrows)
        x = _tc_layer(x, agg, c["W1"], _row(c["b1"]), c["W2"], _row(c["b2"]),
                      _row(bn["gamma"]), _row(bn["beta"]))

    heads = []
    for name in ["node_mu", "node_logvar", "graph_mu", "graph_logvar"]:
        heads.append((params[name + "_W"], _row(params[name + "_b"]),
                      _row(params[name + "_gamma"]), _row(params[name + "_beta"])))

    return _tc_final(x, _row(batch), _row(params["summary_W"][:, 0]),
                     _row(params["summary_b"]), heads)

# --- scband reference (transcript-rebuilt; emitter-appended) ---
"""Pipeline reference for scband-encoder-simple-18305150616328 (READ-ONLY COPY).

The authoritative reference and input builder live on the scoring server;
editing this copy changes nothing except your own understanding.
"""

import jax, jax.numpy as jnp
import numpy as np

N = 10000
E = 320000
F_IN = 128
DIM = 128
L = 3
G = 128
BN_EPS = 1e-5

def _linear_init(k, fi, fo):
    return jax.random.normal(k, (fi, fo), dtype=jnp.float32) / np.sqrt(fi)

def setup_inputs(seed: int = 0):
    key = jax.random.key(seed)
    ks = jax.random.split(key, 64)
    x = jax.random.normal(ks[0], (N, F_IN), dtype=jnp.float32)
    edge_index = jax.random.randint(ks[1], (2, E), 0, N, dtype=jnp.int32)
    batch = jnp.sort(jax.random.randint(ks[2], (N,), 0, G, dtype=jnp.int32))
    params = {"convs": [], "bns": []}
    ki = 3
    for i in range(L):
        fi = F_IN if i == 0 else DIM
        params["convs"].append({
            "W1": _linear_init(ks[ki], fi, DIM), "b1": jnp.zeros((DIM,), jnp.float32),
            "W2": _linear_init(ks[ki + 1], DIM, DIM), "b2": jnp.zeros((DIM,), jnp.float32)})
        params["bns"].append({"gamma": jnp.ones((DIM,), jnp.float32), "beta": jnp.zeros((DIM,), jnp.float32)})
        ki += 2
    params["summary_W"] = _linear_init(ks[ki], DIM, 1); ki += 1
    params["summary_b"] = jnp.zeros((1,), jnp.float32)
    for name in ["node_mu", "node_logvar", "graph_mu", "graph_logvar"]:
        params[name + "_W"] = _linear_init(ks[ki], DIM, DIM); ki += 1
        params[name + "_b"] = jnp.zeros((DIM,), jnp.float32)
        params[name + "_gamma"] = jnp.ones((DIM,), jnp.float32)
        params[name + "_beta"] = jnp.zeros((DIM,), jnp.float32)
    return {"x": x, "edge_index": edge_index, "batch": batch, "params": params}

def _bn(h, gamma, beta):
    mean = h.mean(axis=0)
    var = h.var(axis=0)
    return (h - mean) / jnp.sqrt(var + BN_EPS) * gamma + beta

def _forward(x, params, edge_index, batch):
    src = edge_index[0]
    dst = edge_index[1]
    for i in range(L):
        c = params["convs"][i]
        bn = params["bns"][i]
        agg = jax.ops.segment_sum(x[src], dst, num_segments=N)
        h = x + agg  # GINConv with eps=0: (1+eps)*x + sum_neighbors
        h = jnp.maximum(h @ c["W1"] + c["b1"], 0.0)
        h = h @ c["W2"] + c["b2"]
        a = jnp.maximum(h, 0.0)
        x = _bn(a, bn["gamma"], bn["beta"])
    w = jax.nn.sigmoid(x @ params["summary_W"] + params["summary_b"])
    summary = w * x
    noisy = (1.0 - w) * x
    slots = jax.ops.segment_sum(summary, batch, num_segments=G)
    node_mu = _bn(jnp.maximum(noisy @ params["node_mu_W"] + params["node_mu_b"], 0.0), params["node_mu_gamma"], params["node_mu_beta"])
    node_lv = _bn(jnp.maximum(noisy @ params["node_logvar_W"] + params["node_logvar_b"], 0.0), params["node_logvar_gamma"], params["node_logvar_beta"])
    graph_mu = _bn(jnp.maximum(slots @ params["graph_mu_W"] + params["graph_mu_b"], 0.0), params["graph_mu_gamma"], params["graph_mu_beta"])
    graph_lv = _bn(jnp.maximum(slots @ params["graph_logvar_W"] + params["graph_logvar_b"], 0.0), params["graph_logvar_gamma"], params["graph_logvar_beta"])
    return (node_mu, node_lv, graph_mu, graph_lv)

def reference(x, edge_index, batch, params):
    return _forward(x, params, edge_index, batch)

if __name__ == "__main__":
    import jax
    _d = setup_inputs()
    print(jax.jit(kernel)(*tuple(_d.values())))

</pallas_src>

<mosaic_0001>
#map = affine_map<(d0, d1) -> (0, 0)>
#map1 = affine_map<(d0, d1) -> (0, 0, 0, 0)>
#map2 = affine_map<(d0, d1) -> (0, 0, 0)>
module attributes {stable_mosaic.version = 14 : i64} {
  func.func @k(%arg0: i32, %arg1: i32, %arg2: memref<10000x128xf32, #tpu.memory_space<hbm>>, %arg3: memref<2x32x128x80xi32, #tpu.memory_space<hbm>>, %arg4: memref<640x128xf32, #tpu.memory_space<hbm>>, %arg5: memref<2x10240x128xf32, #tpu.memory_space<hbm>>, %arg6: memref<64x80xi32, #tpu.memory_space<vmem>>, %arg7: memref<64x80xi32, #tpu.memory_space<vmem>>, %arg8: memref<80x128xf32, #tpu.memory_space<vmem>>, %arg9: memref<80x128xf32, #tpu.memory_space<vmem>>, %arg10: memref<80x128xf32, #tpu.memory_space<vmem>>, %arg11: memref<10240x128xf32, #tpu.memory_space<vmem_shared>>, %arg12: memref<!tpu.dma_semaphore, #tpu.memory_space<semaphore_mem>>, %arg13: memref<!tpu.dma_semaphore, #tpu.memory_space<semaphore_mem>>, %arg14: memref<!tpu.dma_semaphore, #tpu.memory_space<semaphore_mem>>) attributes {dimension_semantics = [#tpu.dimension_semantics<core_parallel>, #tpu.dimension_semantics<subcore_parallel>], iteration_bounds = array<i64: 2, 16>, scalar_prefetch = 0 : i64, scratch_operands = 9 : i64, tpu.core_type = #tpu.core_type<sc_vector_subcore>, window_params = [{transform_indices = #map}, {transform_indices = #map1}, {transform_indices = #map}, {transform_indices = #map2}]} {
    %mul3A = arith.constant 2 : i32
    %mul3A_0 = arith.muli %arg1, %mul3A : i32
    %add3A = arith.addi %mul3A_0, %arg0 : i32
    %mul3A_1 = arith.constant 640 : i32
    %mul3A_2 = arith.muli %arg1, %mul3A_1 : i32
    "tpu.region"() ({
      %run_scoped3A_76 = tpu.sem_alloc : memref<!tpu.dma_semaphore, #tpu.memory_space<semaphore_mem>>
      %dma_start3A_77 = arith.constant 0 : i32
      %dma_start3A_78 = tpu.memref_slice %arg11[%mul3A_2, %dma_start3A_77] : memref<10240x128xf32, #tpu.memory_space<vmem_shared>> -> memref<640x128xf32, #tpu.memory_space<vmem_shared>>
      tpu.enqueue_dma source(%arg4 : memref<640x128xf32, #tpu.memory_space<hbm>>) target(%dma_start3A_78 : memref<640x128xf32, #tpu.memory_space<vmem_shared>>) target_semaphore(%run_scoped3A_76 : memref<!tpu.dma_semaphore, #tpu.memory_space<semaphore_mem>>)
      %dma_wait3A_79 = arith.constant 0 : i32
      %dma_wait3A_80 = tpu.memref_slice %arg11[%mul3A_2, %dma_wait3A_79] : memref<10240x128xf32, #tpu.memory_space<vmem_shared>> -> memref<640x128xf32, #tpu.memory_space<vmem_shared>>
      tpu.wait_dma2 semaphore(%run_scoped3A_76 : memref<!tpu.dma_semaphore, #tpu.memory_space<semaphore_mem>>) src(%arg4 : memref<640x128xf32, #tpu.memory_space<hbm>>) dst(%dma_wait3A_80 : memref<640x128xf32, #tpu.memory_space<vmem_shared>>)
      tpu.yield
    }) : () -> ()
    %barrier3A = arith.constant 0 : index
    tpu.barrier barrier_id(%barrier3A)
    %run_scoped3A = arith.constant 0 : i32
    "tpu.region"() ({
      %run_scoped3A_76 = tpu.sem_alloc : memref<!tpu.dma_semaphore, #tpu.memory_space<semaphore_mem>>
      %dma_start3A_77 = arith.constant 0 : i32
      %dma_start3A_78 = arith.constant 0 : i32
      %dma_start3A_79 = tpu.memref_slice %arg3[%run_scoped3A, %add3A, %dma_start3A_77, %dma_start3A_78] : memref<2x32x128x80xi32, #tpu.memory_space<hbm>> -> memref<1x1x64x80xi32, #tpu.memory_space<hbm>>
      %dma_start3A_80 = tpu.memref_squeeze %dma_start3A_79 : memref<1x1x64x80xi32, #tpu.memory_space<hbm>> -> memref<64x80xi32, #tpu.memory_space<hbm>>
      %dma_start3A_81 = arith.constant 0 : i32
      %dma_start3A_82 = arith.constant 0 : i32
      %dma_start3A_83 = tpu.memref_slice %arg3[%run_scoped3A, %add3A, %dma_start3A_81, %dma_start3A_82] : memref<2x32x128x80xi32, #tpu.memory_space<hbm>> -> memref<1x1x64x80xi32, #tpu.memory_space<hbm>>
      %dma_start3A_84 = tpu.memref_squeeze %dma_start3A_83 : memref<1x1x64x80xi32, #tpu.memory_space<hbm>> -> memref<64x80xi32, #tpu.memory_space<hbm>>
      tpu.enqueue_dma source(%dma_start3A_84 : memref<64x80xi32, #tpu.memory_space<hbm>>) target(%arg6 : memref<64x80xi32, #tpu.memory_space<vmem>>) target_semaphore(%run_scoped3A_76 : memref<!tpu.dma_semaphore, #tpu.memory_space<semaphore_mem>>)
      %dma_wait3A_85 = arith.constant 0 : i32
      %dma_wait3A_86 = arith.constant 0 : i32
      %dma_wait3A_87 = tpu.memref_slice %arg3[%run_scoped3A, %add3A, %dma_wait3A_85, %dma_wait3A_86] : memref<2x32x128x80xi32, #tpu.memory_space<hbm>> -> memref<1x1x64x80xi32, #tpu.memory_space<hbm>>
      %dma_wait3A_88 = tpu.memref_squeeze %dma_wait3A_87 : memref<1x1x64x80xi32, #tpu.memory_space<hbm>> -> memref<64x80xi32, #tpu.memory_space<hbm>>
      %dma_wait3A_89 = arith.constant 0 : i32
      %dma_wait3A_90 = arith.constant 0 : i32
      %dma_wait3A_91 = tpu.memref_slice %arg3[%run_scoped3A, %add3A, %dma_wait3A_89, %dma_wait3A_90] : memref<2x32x128x80xi32, #tpu.memory_space<hbm>> -> memref<1x1x64x80xi32, #tpu.memory_space<hbm>>
      %dma_wait3A_92 = tpu.memref_squeeze %dma_wait3A_91 : memref<1x1x64x80xi32, #tpu.memory_space<hbm>> -> memref<64x80xi32, #tpu.memory_space<hbm>>
      tpu.wait_dma2 semaphore(%run_scoped3A_76 : memref<!tpu.dma_semaphore, #tpu.memory_space<semaphore_mem>>) src(%dma_wait3A_92 : memref<64x80xi32, #tpu.memory_space<hbm>>) dst(%arg6 : memref<64x80xi32, #tpu.memory_space<vmem>>)
      tpu.yield
    }) : () -> ()
    %run_scoped3A_3 = arith.constant 1 : i32
    "tpu.region"() ({
      %run_scoped3A_76 = tpu.sem_alloc : memref<!tpu.dma_semaphore, #tpu.memory_space<semaphore_mem>>
      %dma_start3A_77 = arith.constant 0 : i32
      %dma_start3A_78 = arith.constant 0 : i32
      %dma_start3A_79 = tpu.memref_slice %arg3[%run_scoped3A_3, %add3A, %dma_start3A_77, %dma_start3A_78] : memref<2x32x128x80xi32, #tpu.memory_space<hbm>> -> memref<1x1x64x80xi32, #tpu.memory_space<hbm>>
      %dma_start3A_80 = tpu.memref_squeeze %dma_start3A_79 : memref<1x1x64x80xi32, #tpu.memory_space<hbm>> -> memref<64x80xi32, #tpu.memory_space<hbm>>
      %dma_start3A_81 = arith.constant 0 : i32
      %dma_start3A_82 = arith.constant 0 : i32
      %dma_start3A_83 = tpu.memref_slice %arg3[%run_scoped3A_3, %add3A, %dma_start3A_81, %dma_start3A_82] : memref<2x32x128x80xi32, #tpu.memory_space<hbm>> -> memref<1x1x64x80xi32, #tpu.memory_space<hbm>>
      %dma_start3A_84 = tpu.memref_squeeze %dma_start3A_83 : memref<1x1x64x80xi32, #tpu.memory_space<hbm>> -> memref<64x80xi32, #tpu.memory_space<hbm>>
      tpu.enqueue_dma source(%dma_start3A_84 : memref<64x80xi32, #tpu.memory_space<hbm>>) target(%arg7 : memref<64x80xi32, #tpu.memory_space<vmem>>) target_semaphore(%run_scoped3A_76 : memref<!tpu.dma_semaphore, #tpu.memory_space<semaphore_mem>>)
      %dma_wait3A_85 = arith.constant 0 : i32
      %dma_wait3A_86 = arith.constant 0 : i32
      %dma_wait3A_87 = tpu.memref_slice %arg3[%run_scoped3A_3, %add3A, %dma_wait3A_85, %dma_wait3A_86] : memref<2x32x128x80xi32, #tpu.memory_space<hbm>> -> memref<1x1x64x80xi32, #tpu.memory_space<hbm>>
      %dma_wait3A_88 = tpu.memref_squeeze %dma_wait3A_87 : memref<1x1x64x80xi32, #tpu.memory_space<hbm>> -> memref<64x80xi32, #tpu.memory_space<hbm>>
      %dma_wait3A_89 = arith.constant 0 : i32
      %dma_wait3A_90 = arith.constant 0 : i32
      %dma_wait3A_91 = tpu.memref_slice %arg3[%run_scoped3A_3, %add3A, %dma_wait3A_89, %dma_wait3A_90] : memref<2x32x128x80xi32, #tpu.memory_space<hbm>> -> memref<1x1x64x80xi32, #tpu.memory_space<hbm>>
      %dma_wait3A_92 = tpu.memref_squeeze %dma_wait3A_91 : memref<1x1x64x80xi32, #tpu.memory_space<hbm>> -> memref<64x80xi32, #tpu.memory_space<hbm>>
      tpu.wait_dma2 semaphore(%run_scoped3A_76 : memref<!tpu.dma_semaphore, #tpu.memory_space<semaphore_mem>>) src(%dma_wait3A_92 : memref<64x80xi32, #tpu.memory_space<hbm>>) dst(%arg7 : memref<64x80xi32, #tpu.memory_space<vmem>>)
      tpu.yield
    }) : () -> ()
    %dma_start3A = arith.constant 0 : i32
    %dma_start3A_4 = arith.constant 0 : i32
    %dma_start3A_5 = tpu.memref_slice %arg6[%dma_start3A, %dma_start3A_4] : memref<64x80xi32, #tpu.memory_space<vmem>> -> memref<1x80xi32, #tpu.memory_space<vmem>>
    %dma_start3A_6 = tpu.memref_squeeze %dma_start3A_5 : memref<1x80xi32, #tpu.memory_space<vmem>> -> memref<80xi32, #tpu.memory_space<vmem>>
    %dma_start3A_7 = arith.constant 0 : i32
    %dma_start3A_8 = arith.constant 0 : i32
    %dma_start3A_9 = tpu.memref_slice %arg2[%dma_start3A_7, %dma_start3A_8] : memref<10000x128xf32, #tpu.memory_space<hbm>> -> memref<10000x128xf32, #tpu.memory_space<hbm>>
    tpu.enqueue_indirect_dma source(%dma_start3A_9 : memref<10000x128xf32, #tpu.memory_space<hbm>>) target(%arg8 : memref<80x128xf32, #tpu.memory_space<vmem>>) offsets(%dma_start3A_6 : memref<80xi32, #tpu.memory_space<vmem>>) semaphore(%arg12 : memref<!tpu.dma_semaphore, #tpu.memory_space<semaphore_mem>>)
    %dma_start3A_10 = arith.constant 1 : i32
    %dma_start3A_11 = arith.constant 0 : i32
    %dma_start3A_12 = tpu.memref_slice %arg6[%dma_start3A_10, %dma_start3A_11] : memref<64x80xi32, #tpu.memory_space<vmem>> -> memref<1x80xi32, #tpu.memory_space<vmem>>
    %dma_start3A_13 = tpu.memref_squeeze %dma_start3A_12 : memref<1x80xi32, #tpu.memory_space<vmem>> -> memref<80xi32, #tpu.memory_space<vmem>>
    %dma_start3A_14 = arith.constant 0 : i32
    %dma_start3A_15 = arith.constant 0 : i32
    %dma_start3A_16 = tpu.memref_slice %arg2[%dma_start3A_14, %dma_start3A_15] : memref<10000x128xf32, #tpu.memory_space<hbm>> -> memref<10000x128xf32, #tpu.memory_space<hbm>>
    tpu.enqueue_indirect_dma source(%dma_start3A_16 : memref<10000x128xf32, #tpu.memory_space<hbm>>) target(%arg9 : memref<80x128xf32, #tpu.memory_space<vmem>>) offsets(%dma_start3A_13 : memref<80xi32, #tpu.memory_space<vmem>>) semaphore(%arg13 : memref<!tpu.dma_semaphore, #tpu.memory_space<semaphore_mem>>)
    %dma_start3A_17 = arith.constant 2 : i32
    %dma_start3A_18 = arith.constant 0 : i32
    %dma_start3A_19 = tpu.memref_slice %arg6[%dma_start3A_17, %dma_start3A_18] : memref<64x80xi32, #tpu.memory_space<vmem>> -> memref<1x80xi32, #tpu.memory_space<vmem>>
    %dma_start3A_20 = tpu.memref_squeeze %dma_start3A_19 : memref<1x80xi32, #tpu.memory_space<vmem>> -> memref<80xi32, #tpu.memory_space<vmem>>
    %dma_start3A_21 = arith.constant 0 : i32
    %dma_start3A_22 = arith.constant 0 : i32
    %dma_start3A_23 = tpu.memref_slice %arg2[%dma_start3A_21, %dma_start3A_22] : memref<10000x128xf32, #tpu.memory_space<hbm>> -> memref<10000x128xf32, #tpu.memory_space<hbm>>
    tpu.enqueue_indirect_dma source(%dma_start3A_23 : memref<10000x128xf32, #tpu.memory_space<hbm>>) target(%arg10 : memref<80x128xf32, #tpu.memory_space<vmem>>) offsets(%dma_start3A_20 : memref<80xi32, #tpu.memory_space<vmem>>) semaphore(%arg14 : memref<!tpu.dma_semaphore, #tpu.memory_space<semaphore_mem>>)
    %scan3A = arith.constant 0 : i32
    %scan3A_24 = arith.constant 21 : i32
    %scan3A_25 = arith.addi %scan3A, %scan3A_24 : i32
    %scan3A_26 = arith.constant 1 : i32
    scf.for %scan3A_76 = %scan3A to %scan3A_25 step %scan3A_26  : i32 {
      %mul3A_77 = arith.constant 1 : i32
      %mul3A_78 = arith.muli %scan3A_76, %mul3A_77 : i32
      %add3A_79 = arith.constant 0 : i32
      %add3A_80 = arith.addi %add3A_79, %mul3A_78 : i32
      %mul3A_81 = arith.constant 3 : i32
      %mul3A_82 = arith.muli %add3A_80, %mul3A_81 : i32
      %add3A_83 = arith.constant 0 : i32
      %add3A_84 = arith.addi %mul3A_82, %add3A_83 : i32
      %dma_wait3A_85 = arith.constant 0 : i32
      %dma_wait3A_86 = tpu.memref_slice %arg6[%add3A_84, %dma_wait3A_85] : memref<64x80xi32, #tpu.memory_space<vmem>> -> memref<1x80xi32, #tpu.memory_space<vmem>>
      %dma_wait3A_87 = tpu.memref_squeeze %dma_wait3A_86 : memref<1x80xi32, #tpu.memory_space<vmem>> -> memref<80xi32, #tpu.memory_space<vmem>>
      %dma_wait3A_88 = arith.constant 0 : i32
      %dma_wait3A_89 = arith.constant 0 : i32
      %dma_wait3A_90 = tpu.memref_slice %arg2[%dma_wait3A_88, %dma_wait3A_89] : memref<10000x128xf32, #tpu.memory_space<hbm>> -> memref<10000x128xf32, #tpu.memory_space<hbm>>
      tpu.wait_indirect_dma semaphore(%arg12 : memref<!tpu.dma_semaphore, #tpu.memory_space<semaphore_mem>>) src(%dma_wait3A_90 : memref<10000x128xf32, #tpu.memory_space<hbm>>) dst(%arg8 : memref<80x128xf32, #tpu.memory_space<vmem>>)
      "tpu.region"() ({
        %run_scoped3A_125 = tpu.sem_alloc : memref<!tpu.dma_semaphore, #tpu.memory_space<semaphore_mem>>
        %dma_start3A_126 = arith.constant 0 : i32
        %dma_start3A_127 = tpu.memref_slice %arg7[%add3A_84, %dma_start3A_126] : memref<64x80xi32, #tpu.memory_space<vmem>> -> memref<1x80xi32, #tpu.memory_space<vmem>>
        %dma_start3A_128 = tpu.memref_squeeze %dma_start3A_127 : memref<1x80xi32, #tpu.memory_space<vmem>> -> memref<80xi32, #tpu.memory_space<vmem>>
        %dma_start3A_129 = arith.constant 0 : i32
        %dma_start3A_130 = arith.constant 0 : i32
        %dma_start3A_131 = tpu.memref_slice %arg11[%dma_start3A_129, %dma_start3A_130] : memref<10240x128xf32, #tpu.memory_space<vmem_shared>> -> memref<10240x128xf32, #tpu.memory_space<vmem_shared>>
        tpu.enqueue_indirect_dma source(%arg8 : memref<80x128xf32, #tpu.memory_space<vmem>>) target(%dma_start3A_131 : memref<10240x128xf32, #tpu.memory_space<vmem_shared>>) offsets(%dma_start3A_128 : memref<80xi32, #tpu.memory_space<vmem>>) semaphore(%run_scoped3A_125 : memref<!tpu.dma_semaphore, #tpu.memory_space<semaphore_mem>>) {add = true}
        %dma_wait3A_132 = arith.constant 0 : i32
        %dma_wait3A_133 = tpu.memref_slice %arg7[%add3A_84, %dma_wait3A_132] : memref<64x80xi32, #tpu.memory_space<vmem>> -> memref<1x80xi32, #tpu.memory_space<vmem>>
        %dma_wait3A_134 = tpu.memref_squeeze %dma_wait3A_133 : memref<1x80xi32, #tpu.memory_space<vmem>> -> memref<80xi32, #tpu.memory_space<vmem>>
        %dma_wait3A_135 = arith.constant 0 : i32
        %dma_wait3A_136 = arith.constant 0 : i32
        %dma_wait3A_137 = tpu.memref_slice %arg11[%dma_wait3A_135, %dma_wait3A_136] : memref<10240x128xf32, #tpu.memory_space<vmem_shared>> -> memref<10240x128xf32, #tpu.memory_space<vmem_shared>>
        tpu.wait_indirect_dma semaphore(%run_scoped3A_125 : memref<!tpu.dma_semaphore, #tpu.memory_space<semaphore_mem>>) src(%arg8 : memref<80x128xf32, #tpu.memory_space<vmem>>) dst(%dma_wait3A_137 : memref<10240x128xf32, #tpu.memory_space<vmem_shared>>)
        tpu.yield
      }) : () -> ()
      %add3A_91 = arith.constant 3 : i32
      %add3A_92 = arith.addi %add3A_84, %add3A_91 : i32
      %lt3A = arith.constant 64 : i32
      %lt3A_93 = arith.cmpi slt, %add3A_92, %lt3A : i32
      %convert_element_type3A = arith.extui %lt3A_93 : i1 to i32
      %cond3A = arith.constant 0 : i32
      %cond3A_94 = arith.cmpi ne, %convert_element_type3A, %cond3A : i32
      scf.if %cond3A_94 {
        %add3A_125 = arith.constant 3 : i32
        %add3A_126 = arith.addi %add3A_84, %add3A_125 : i32
        %dma_start3A_127 = arith.constant 0 : i32
        %dma_start3A_128 = tpu.memref_slice %arg6[%add3A_126, %dma_start3A_127] : memref<64x80xi32, #tpu.memory_space<vmem>> -> memref<1x80xi32, #tpu.memory_space<vmem>>
        %dma_start3A_129 = tpu.memref_squeeze %dma_start3A_128 : memref<1x80xi32, #tpu.memory_space<vmem>> -> memref<80xi32, #tpu.memory_space<vmem>>
        %dma_start3A_130 = arith.constant 0 : i32
        %dma_start3A_131 = arith.constant 0 : i32
        %dma_start3A_132 = tpu.memref_slice %arg2[%dma_start3A_130, %dma_start3A_131] : memref<10000x128xf32, #tpu.memory_space<hbm>> -> memref<10000x128xf32, #tpu.memory_space<hbm>>
        tpu.enqueue_indirect_dma source(%dma_start3A_132 : memref<10000x128xf32, #tpu.memory_space<hbm>>) target(%arg8 : memref<80x128xf32, #tpu.memory_space<vmem>>) offsets(%dma_start3A_129 : memref<80xi32, #tpu.memory_space<vmem>>) semaphore(%arg12 : memref<!tpu.dma_semaphore, #tpu.memory_space<semaphore_mem>>)
      } else {
      }
      %add3A_95 = arith.constant 1 : i32
      %add3A_96 = arith.addi %mul3A_82, %add3A_95 : i32
      %dma_wait3A_97 = arith.constant 0 : i32
      %dma_wait3A_98 = tpu.memref_slice %arg6[%add3A_96, %dma_wait3A_97] : memref<64x80xi32, #tpu.memory_space<vmem>> -> memref<1x80xi32, #tpu.memory_space<vmem>>
      %dma_wait3A_99 = tpu.memref_squeeze %dma_wait3A_98 : memref<1x80xi32, #tpu.memory_space<vmem>> -> memref<80xi32, #tpu.memory_space<vmem>>
      %dma_wait3A_100 = arith.constant 0 : i32
      %dma_wait3A_101 = arith.constant 0 : i32
      %dma_wait3A_102 = tpu.memref_slice %arg2[%dma_wait3A_100, %dma_wait3A_101] : memref<10000x128xf32, #tpu.memory_space<hbm>> -> memref<10000x128xf32, #tpu.memory_space<hbm>>
      tpu.wait_indirect_dma semaphore(%arg13 : memref<!tpu.dma_semaphore, #tpu.memory_space<semaphore_mem>>) src(%dma_wait3A_102 : memref<10000x128xf32, #tpu.memory_space<hbm>>) dst(%arg9 : memref<80x128xf32, #tpu.memory_space<vmem>>)
      "tpu.region"() ({
        %run_scoped3A_125 = tpu.sem_alloc : memref<!tpu.dma_semaphore, #tpu.memory_space<semaphore_mem>>
        %dma_start3A_126 = arith.constant 0 : i32
        %dma_start3A_127 = tpu.memref_slice %arg7[%add3A_96, %dma_start3A_126] : memref<64x80xi32, #tpu.memory_space<vmem>> -> memref<1x80xi32, #tpu.memory_space<vmem>>
        %dma_start3A_128 = tpu.memref_squeeze %dma_start3A_127 : memref<1x80xi32, #tpu.memory_space<vmem>> -> memref<80xi32, #tpu.memory_space<vmem>>
        %dma_start3A_129 = arith.constant 0 : i32
        %dma_start3A_130 = arith.constant 0 : i32
        %dma_start3A_131 = tpu.memref_slice %arg11[%dma_start3A_129, %dma_start3A_130] : memref<10240x128xf32, #tpu.memory_space<vmem_shared>> -> memref<10240x128xf32, #tpu.memory_space<vmem_shared>>
        tpu.enqueue_indirect_dma source(%arg9 : memref<80x128xf32, #tpu.memory_space<vmem>>) target(%dma_start3A_131 : memref<10240x128xf32, #tpu.memory_space<vmem_shared>>) offsets(%dma_start3A_128 : memref<80xi32, #tpu.memory_space<vmem>>) semaphore(%run_scoped3A_125 : memref<!tpu.dma_semaphore, #tpu.memory_space<semaphore_mem>>) {add = true}
        %dma_wait3A_132 = arith.constant 0 : i32
        %dma_wait3A_133 = tpu.memref_slice %arg7[%add3A_96, %dma_wait3A_132] : memref<64x80xi32, #tpu.memory_space<vmem>> -> memref<1x80xi32, #tpu.memory_space<vmem>>
        %dma_wait3A_134 = tpu.memref_squeeze %dma_wait3A_133 : memref<1x80xi32, #tpu.memory_space<vmem>> -> memref<80xi32, #tpu.memory_space<vmem>>
        %dma_wait3A_135 = arith.constant 0 : i32
        %dma_wait3A_136 = arith.constant 0 : i32
        %dma_wait3A_137 = tpu.memref_slice %arg11[%dma_wait3A_135, %dma_wait3A_136] : memref<10240x128xf32, #tpu.memory_space<vmem_shared>> -> memref<10240x128xf32, #tpu.memory_space<vmem_shared>>
        tpu.wait_indirect_dma semaphore(%run_scoped3A_125 : memref<!tpu.dma_semaphore, #tpu.memory_space<semaphore_mem>>) src(%arg9 : memref<80x128xf32, #tpu.memory_space<vmem>>) dst(%dma_wait3A_137 : memref<10240x128xf32, #tpu.memory_space<vmem_shared>>)
        tpu.yield
      }) : () -> ()
      %add3A_103 = arith.constant 3 : i32
      %add3A_104 = arith.addi %add3A_96, %add3A_103 : i32
      %lt3A_105 = arith.constant 64 : i32
      %lt3A_106 = arith.cmpi slt, %add3A_104, %lt3A_105 : i32
      %convert_element_type3A_107 = arith.extui %lt3A_106 : i1 to i32
      %cond3A_108 = arith.constant 0 : i32
      %cond3A_109 = arith.cmpi ne, %convert_element_type3A_107, %cond3A_108 : i32
      scf.if %cond3A_109 {
        %add3A_125 = arith.constant 3 : i32
        %add3A_126 = arith.addi %add3A_96, %add3A_125 : i32
        %dma_start3A_127 = arith.constant 0 : i32
        %dma_start3A_128 = tpu.memref_slice %arg6[%add3A_126, %dma_start3A_127] : memref<64x80xi32, #tpu.memory_space<vmem>> -> memref<1x80xi32, #tpu.memory_space<vmem>>
        %dma_start3A_129 = tpu.memref_squeeze %dma_start3A_128 : memref<1x80xi32, #tpu.memory_space<vmem>> -> memref<80xi32, #tpu.memory_space<vmem>>
        %dma_start3A_130 = arith.constant 0 : i32
        %dma_start3A_131 = arith.constant 0 : i32
        %dma_start3A_132 = tpu.memref_slice %arg2[%dma_start3A_130, %dma_start3A_131] : memref<10000x128xf32, #tpu.memory_space<hbm>> -> memref<10000x128xf32, #tpu.memory_space<hbm>>
        tpu.enqueue_indirect_dma source(%dma_start3A_132 : memref<10000x128xf32, #tpu.memory_space<hbm>>) target(%arg9 : memref<80x128xf32, #tpu.memory_space<vmem>>) offsets(%dma_start3A_129 : memref<80xi32, #tpu.memory_space<vmem>>) semaphore(%arg13 : memref<!tpu.dma_semaphore, #tpu.memory_space<semaphore_mem>>)
      } else {
      }
      %add3A_110 = arith.constant 2 : i32
      %add3A_111 = arith.addi %mul3A_82, %add3A_110 : i32
      %dma_wait3A_112 = arith.constant 0 : i32
      %dma_wait3A_113 = tpu.memref_slice %arg6[%add3A_111, %dma_wait3A_112] : memref<64x80xi32, #tpu.memory_space<vmem>> -> memref<1x80xi32, #tpu.memory_space<vmem>>
      %dma_wait3A_114 = tpu.memref_squeeze %dma_wait3A_113 : memref<1x80xi32, #tpu.memory_space<vmem>> -> memref<80xi32, #tpu.memory_space<vmem>>
      %dma_wait3A_115 = arith.constant 0 : i32
      %dma_wait3A_116 = arith.constant 0 : i32
      %dma_wait3A_117 = tpu.memref_slice %arg2[%dma_wait3A_115, %dma_wait3A_116] : memref<10000x128xf32, #tpu.memory_space<hbm>> -> memref<10000x128xf32, #tpu.memory_space<hbm>>
      tpu.wait_indirect_dma semaphore(%arg14 : memref<!tpu.dma_semaphore, #tpu.memory_space<semaphore_mem>>) src(%dma_wait3A_117 : memref<10000x128xf32, #tpu.memory_space<hbm>>) dst(%arg10 : memref<80x128xf32, #tpu.memory_space<vmem>>)
      "tpu.region"() ({
        %run_scoped3A_125 = tpu.sem_alloc : memref<!tpu.dma_semaphore, #tpu.memory_space<semaphore_mem>>
        %dma_start3A_126 = arith.constant 0 : i32
        %dma_start3A_127 = tpu.memref_slice %arg7[%add3A_111, %dma_start3A_126] : memref<64x80xi32, #tpu.memory_space<vmem>> -> memref<1x80xi32, #tpu.memory_space<vmem>>
        %dma_start3A_128 = tpu.memref_squeeze %dma_start3A_127 : memref<1x80xi32, #tpu.memory_space<vmem>> -> memref<80xi32, #tpu.memory_space<vmem>>
        %dma_start3A_129 = arith.constant 0 : i32
        %dma_start3A_130 = arith.constant 0 : i32
        %dma_start3A_131 = tpu.memref_slice %arg11[%dma_start3A_129, %dma_start3A_130] : memref<10240x128xf32, #tpu.memory_space<vmem_shared>> -> memref<10240x128xf32, #tpu.memory_space<vmem_shared>>
        tpu.enqueue_indirect_dma source(%arg10 : memref<80x128xf32, #tpu.memory_space<vmem>>) target(%dma_start3A_131 : memref<10240x128xf32, #tpu.memory_space<vmem_shared>>) offsets(%dma_start3A_128 : memref<80xi32, #tpu.memory_space<vmem>>) semaphore(%run_scoped3A_125 : memref<!tpu.dma_semaphore, #tpu.memory_space<semaphore_mem>>) {add = true}
        %dma_wait3A_132 = arith.constant 0 : i32
        %dma_wait3A_133 = tpu.memref_slice %arg7[%add3A_111, %dma_wait3A_132] : memref<64x80xi32, #tpu.memory_space<vmem>> -> memref<1x80xi32, #tpu.memory_space<vmem>>
        %dma_wait3A_134 = tpu.memref_squeeze %dma_wait3A_133 : memref<1x80xi32, #tpu.memory_space<vmem>> -> memref<80xi32, #tpu.memory_space<vmem>>
        %dma_wait3A_135 = arith.constant 0 : i32
        %dma_wait3A_136 = arith.constant 0 : i32
        %dma_wait3A_137 = tpu.memref_slice %arg11[%dma_wait3A_135, %dma_wait3A_136] : memref<10240x128xf32, #tpu.memory_space<vmem_shared>> -> memref<10240x128xf32, #tpu.memory_space<vmem_shared>>
        tpu.wait_indirect_dma semaphore(%run_scoped3A_125 : memref<!tpu.dma_semaphore, #tpu.memory_space<semaphore_mem>>) src(%arg10 : memref<80x128xf32, #tpu.memory_space<vmem>>) dst(%dma_wait3A_137 : memref<10240x128xf32, #tpu.memory_space<vmem_shared>>)
        tpu.yield
      }) : () -> ()
      %add3A_118 = arith.constant 3 : i32
      %add3A_119 = arith.addi %add3A_111, %add3A_118 : i32
      %lt3A_120 = arith.constant 64 : i32
      %lt3A_121 = arith.cmpi slt, %add3A_119, %lt3A_120 : i32
      %convert_element_type3A_122 = arith.extui %lt3A_121 : i1 to i32
      %cond3A_123 = arith.constant 0 : i32
      %cond3A_124 = arith.cmpi ne, %convert_element_type3A_122, %cond3A_123 : i32
      scf.if %cond3A_124 {
        %add3A_125 = arith.constant 3 : i32
        %add3A_126 = arith.addi %add3A_111, %add3A_125 : i32
        %dma_start3A_127 = arith.constant 0 : i32
        %dma_start3A_128 = tpu.memref_slice %arg6[%add3A_126, %dma_start3A_127] : memref<64x80xi32, #tpu.memory_space<vmem>> -> memref<1x80xi32, #tpu.memory_space<vmem>>
        %dma_start3A_129 = tpu.memref_squeeze %dma_start3A_128 : memref<1x80xi32, #tpu.memory_space<vmem>> -> memref<80xi32, #tpu.memory_space<vmem>>
        %dma_start3A_130 = arith.constant 0 : i32
        %dma_start3A_131 = arith.constant 0 : i32
        %dma_start3A_132 = tpu.memref_slice %arg2[%dma_start3A_130, %dma_start3A_131] : memref<10000x128xf32, #tpu.memory_space<hbm>> -> memref<10000x128xf32, #tpu.memory_space<hbm>>
        tpu.enqueue_indirect_dma source(%dma_start3A_132 : memref<10000x128xf32, #tpu.memory_space<hbm>>) target(%arg10 : memref<80x128xf32, #tpu.memory_space<vmem>>) offsets(%dma_start3A_129 : memref<80xi32, #tpu.memory_space<vmem>>) semaphore(%arg14 : memref<!tpu.dma_semaphore, #tpu.memory_space<semaphore_mem>>)
      } else {
      }
    }
    %scan3A_27 = arith.constant 21 : i32
    %dma_wait3A = arith.constant 63 : i32
    %dma_wait3A_28 = arith.constant 0 : i32
    %dma_wait3A_29 = tpu.memref_slice %arg6[%dma_wait3A, %dma_wait3A_28] : memref<64x80xi32, #tpu.memory_space<vmem>> -> memref<1x80xi32, #tpu.memory_space<vmem>>
    %dma_wait3A_30 = tpu.memref_squeeze %dma_wait3A_29 : memref<1x80xi32, #tpu.memory_space<vmem>> -> memref<80xi32, #tpu.memory_space<vmem>>
    %dma_wait3A_31 = arith.constant 0 : i32
    %dma_wait3A_32 = arith.constant 0 : i32
    %dma_wait3A_33 = tpu.memref_slice %arg2[%dma_wait3A_31, %dma_wait3A_32] : memref<10000x128xf32, #tpu.memory_space<hbm>> -> memref<10000x128xf32, #tpu.memory_space<hbm>>
    tpu.wait_indirect_dma semaphore(%arg12 : memref<!tpu.dma_semaphore, #tpu.memory_space<semaphore_mem>>) src(%dma_wait3A_33 : memref<10000x128xf32, #tpu.memory_space<hbm>>) dst(%arg8 : memref<80x128xf32, #tpu.memory_space<vmem>>)
    %run_scoped3A_34 = arith.constant 63 : i32
    "tpu.region"() ({
      %run_scoped3A_76 = tpu.sem_alloc : memref<!tpu.dma_semaphore, #tpu.memory_space<semaphore_mem>>
      %dma_start3A_77 = arith.constant 0 : i32
      %dma_start3A_78 = tpu.memref_slice %arg7[%run_scoped3A_34, %dma_start3A_77] : memref<64x80xi32, #tpu.memory_space<vmem>> -> memref<1x80xi32, #tpu.memory_space<vmem>>
      %dma_start3A_79 = tpu.memref_squeeze %dma_start3A_78 : memref<1x80xi32, #tpu.memory_space<vmem>> -> memref<80xi32, #tpu.memory_space<vmem>>
      %dma_start3A_80 = arith.constant 0 : i32
      %dma_start3A_81 = arith.constant 0 : i32
      %dma_start3A_82 = tpu.memref_slice %arg11[%dma_start3A_80, %dma_start3A_81] : memref<10240x128xf32, #tpu.memory_space<vmem_shared>> -> memref<10240x128xf32, #tpu.memory_space<vmem_shared>>
      tpu.enqueue_indirect_dma source(%arg8 : memref<80x128xf32, #tpu.memory_space<vmem>>) target(%dma_start3A_82 : memref<10240x128xf32, #tpu.memory_space<vmem_shared>>) offsets(%dma_start3A_79 : memref<80xi32, #tpu.memory_space<vmem>>) semaphore(%run_scoped3A_76 : memref<!tpu.dma_semaphore, #tpu.memory_space<semaphore_mem>>) {add = true}
      %dma_wait3A_83 = arith.constant 0 : i32
      %dma_wait3A_84 = tpu.memref_slice %arg7[%run_scoped3A_34, %dma_wait3A_83] : memref<64x80xi32, #tpu.memory_space<vmem>> -> memref<1x80xi32, #tpu.memory_space<vmem>>
      %dma_wait3A_85 = tpu.memref_squeeze %dma_wait3A_84 : memref<1x80xi32, #tpu.memory_space<vmem>> -> memref<80xi32, #tpu.memory_space<vmem>>
      %dma_wait3A_86 = arith.constant 0 : i32
      %dma_wait3A_87 = arith.constant 0 : i32
      %dma_wait3A_88 = tpu.memref_slice %arg11[%dma_wait3A_86, %dma_wait3A_87] : memref<10240x128xf32, #tpu.memory_space<vmem_shared>> -> memref<10240x128xf32, #tpu.memory_space<vmem_shared>>
      tpu.wait_indirect_dma semaphore(%run_scoped3A_76 : memref<!tpu.dma_semaphore, #tpu.memory_space<semaphore_mem>>) src(%arg8 : memref<80x128xf32, #tpu.memory_space<vmem>>) dst(%dma_wait3A_88 : memref<10240x128xf32, #tpu.memory_space<vmem_shared>>)
      tpu.yield
    }) : () -> ()
    %run_scoped3A_35 = arith.constant 0 : i32
    "tpu.region"() ({
      %run_scoped3A_76 = tpu.sem_alloc : memref<!tpu.dma_semaphore, #tpu.memory_space<semaphore_mem>>
      %dma_start3A_77 = arith.constant 64 : i32
      %dma_start3A_78 = arith.constant 0 : i32
      %dma_start3A_79 = tpu.memref_slice %arg3[%run_scoped3A_35, %add3A, %dma_start3A_77, %dma_start3A_78] : memref<2x32x128x80xi32, #tpu.memory_space<hbm>> -> memref<1x1x64x80xi32, #tpu.memory_space<hbm>>
      %dma_start3A_80 = tpu.memref_squeeze %dma_start3A_79 : memref<1x1x64x80xi32, #tpu.memory_space<hbm>> -> memref<64x80xi32, #tpu.memory_space<hbm>>
      %dma_start3A_81 = arith.constant 64 : i32
      %dma_start3A_82 = arith.constant 0 : i32
      %dma_start3A_83 = tpu.memref_slice %arg3[%run_scoped3A_35, %add3A, %dma_start3A_81, %dma_start3A_82] : memref<2x32x128x80xi32, #tpu.memory_space<hbm>> -> memref<1x1x64x80xi32, #tpu.memory_space<hbm>>
      %dma_start3A_84 = tpu.memref_squeeze %dma_start3A_83 : memref<1x1x64x80xi32, #tpu.memory_space<hbm>> -> memref<64x80xi32, #tpu.memory_space<hbm>>
      tpu.enqueue_dma source(%dma_start3A_84 : memref<64x80xi32, #tpu.memory_space<hbm>>) target(%arg6 : memref<64x80xi32, #tpu.memory_space<vmem>>) target_semaphore(%run_scoped3A_76 : memref<!tpu.dma_semaphore, #tpu.memory_space<semaphore_mem>>)
      %dma_wait3A_85 = arith.constant 64 : i32
      %dma_wait3A_86 = arith.constant 0 : i32
      %dma_wait3A_87 = tpu.memref_slice %arg3[%run_scoped3A_35, %add3A, %dma_wait3A_85, %dma_wait3A_86] : memref<2x32x128x80xi32, #tpu.memory_space<hbm>> -> memref<1x1x64x80xi32, #tpu.memory_space<hbm>>
      %dma_wait3A_88 = tpu.memref_squeeze %dma_wait3A_87 : memref<1x1x64x80xi32, #tpu.memory_space<hbm>> -> memref<64x80xi32, #tpu.memory_space<hbm>>
      %dma_wait3A_89 = arith.constant 64 : i32
      %dma_wait3A_90 = arith.constant 0 : i32
      %dma_wait3A_91 = tpu.memref_slice %arg3[%run_scoped3A_35, %add3A, %dma_wait3A_89, %dma_wait3A_90] : memref<2x32x128x80xi32, #tpu.memory_space<hbm>> -> memref<1x1x64x80xi32, #tpu.memory_space<hbm>>
      %dma_wait3A_92 = tpu.memref_squeeze %dma_wait3A_91 : memref<1x1x64x80xi32, #tpu.memory_space<hbm>> -> memref<64x80xi32, #tpu.memory_space<hbm>>
      tpu.wait_dma2 semaphore(%run_scoped3A_76 : memref<!tpu.dma_semaphore, #tpu.memory_space<semaphore_mem>>) src(%dma_wait3A_92 : memref<64x80xi32, #tpu.memory_space<hbm>>) dst(%arg6 : memref<64x80xi32, #tpu.memory_space<vmem>>)
      tpu.yield
    }) : () -> ()
    %run_scoped3A_36 = arith.constant 1 : i32
    "tpu.region"() ({
      %run_scoped3A_76 = tpu.sem_alloc : memref<!tpu.dma_semaphore, #tpu.memory_space<semaphore_mem>>
      %dma_start3A_77 = arith.constant 64 : i32
      %dma_start3A_78 = arith.constant 0 : i32
      %dma_start3A_79 = tpu.memref_slice %arg3[%run_scoped3A_36, %add3A, %dma_start3A_77, %dma_start3A_78] : memref<2x32x128x80xi32, #tpu.memory_space<hbm>> -> memref<1x1x64x80xi32, #tpu.memory_space<hbm>>
      %dma_start3A_80 = tpu.memref_squeeze %dma_start3A_79 : memref<1x1x64x80xi32, #tpu.memory_space<hbm>> -> memref<64x80xi32, #tpu.memory_space<hbm>>
      %dma_start3A_81 = arith.constant 64 : i32
      %dma_start3A_82 = arith.constant 0 : i32
      %dma_start3A_83 = tpu.memref_slice %arg3[%run_scoped3A_36, %add3A, %dma_start3A_81, %dma_start3A_82] : memref<2x32x128x80xi32, #tpu.memory_space<hbm>> -> memref<1x1x64x80xi32, #tpu.memory_space<hbm>>
      %dma_start3A_84 = tpu.memref_squeeze %dma_start3A_83 : memref<1x1x64x80xi32, #tpu.memory_space<hbm>> -> memref<64x80xi32, #tpu.memory_space<hbm>>
      tpu.enqueue_dma source(%dma_start3A_84 : memref<64x80xi32, #tpu.memory_space<hbm>>) target(%arg7 : memref<64x80xi32, #tpu.memory_space<vmem>>) target_semaphore(%run_scoped3A_76 : memref<!tpu.dma_semaphore, #tpu.memory_space<semaphore_mem>>)
      %dma_wait3A_85 = arith.constant 64 : i32
      %dma_wait3A_86 = arith.constant 0 : i32
      %dma_wait3A_87 = tpu.memref_slice %arg3[%run_scoped3A_36, %add3A, %dma_wait3A_85, %dma_wait3A_86] : memref<2x32x128x80xi32, #tpu.memory_space<hbm>> -> memref<1x1x64x80xi32, #tpu.memory_space<hbm>>
      %dma_wait3A_88 = tpu.memref_squeeze %dma_wait3A_87 : memref<1x1x64x80xi32, #tpu.memory_space<hbm>> -> memref<64x80xi32, #tpu.memory_space<hbm>>
      %dma_wait3A_89 = arith.constant 64 : i32
      %dma_wait3A_90 = arith.constant 0 : i32
      %dma_wait3A_91 = tpu.memref_slice %arg3[%run_scoped3A_36, %add3A, %dma_wait3A_89, %dma_wait3A_90] : memref<2x32x128x80xi32, #tpu.memory_space<hbm>> -> memref<1x1x64x80xi32, #tpu.memory_space<hbm>>
      %dma_wait3A_92 = tpu.memref_squeeze %dma_wait3A_91 : memref<1x1x64x80xi32, #tpu.memory_space<hbm>> -> memref<64x80xi32, #tpu.memory_space<hbm>>
      tpu.wait_dma2 semaphore(%run_scoped3A_76 : memref<!tpu.dma_semaphore, #tpu.memory_space<semaphore_mem>>) src(%dma_wait3A_92 : memref<64x80xi32, #tpu.memory_space<hbm>>) dst(%arg7 : memref<64x80xi32, #tpu.memory_space<vmem>>)
      tpu.yield
    }) : () -> ()
    %dma_start3A_37 = arith.constant 0 : i32
    %dma_start3A_38 = arith.constant 0 : i32
    %dma_start3A_39 = tpu.memref_slice %arg6[%dma_start3A_37, %dma_start3A_38] : memref<64x80xi32, #tpu.memory_space<vmem>> -> memref<1x80xi32, #tpu.memory_space<vmem>>
    %dma_start3A_40 = tpu.memref_squeeze %dma_start3A_39 : memref<1x80xi32, #tpu.memory_space<vmem>> -> memref<80xi32, #tpu.memory_space<vmem>>
    %dma_start3A_41 = arith.constant 0 : i32
    %dma_start3A_42 = arith.constant 0 : i32
    %dma_start3A_43 = tpu.memref_slice %arg2[%dma_start3A_41, %dma_start3A_42] : memref<10000x128xf32, #tpu.memory_space<hbm>> -> memref<10000x128xf32, #tpu.memory_space<hbm>>
    tpu.enqueue_indirect_dma source(%dma_start3A_43 : memref<10000x128xf32, #tpu.memory_space<hbm>>) target(%arg8 : memref<80x128xf32, #tpu.memory_space<vmem>>) offsets(%dma_start3A_40 : memref<80xi32, #tpu.memory_space<vmem>>) semaphore(%arg12 : memref<!tpu.dma_semaphore, #tpu.memory_space<semaphore_mem>>)
    %dma_start3A_44 = arith.constant 1 : i32
    %dma_start3A_45 = arith.constant 0 : i32
    %dma_start3A_46 = tpu.memref_slice %arg6[%dma_start3A_44, %dma_start3A_45] : memref<64x80xi32, #tpu.memory_space<vmem>> -> memref<1x80xi32, #tpu.memory_space<vmem>>
    %dma_start3A_47 = tpu.memref_squeeze %dma_start3A_46 : memref<1x80xi32, #tpu.memory_space<vmem>> -> memref<80xi32, #tpu.memory_space<vmem>>
    %dma_start3A_48 = arith.constant 0 : i32
    %dma_start3A_49 = arith.constant 0 : i32
    %dma_start3A_50 = tpu.memref_slice %arg2[%dma_start3A_48, %dma_start3A_49] : memref<10000x128xf32, #tpu.memory_space<hbm>> -> memref<10000x128xf32, #tpu.memory_space<hbm>>
    tpu.enqueue_indirect_dma source(%dma_start3A_50 : memref<10000x128xf32, #tpu.memory_space<hbm>>) target(%arg9 : memref<80x128xf32, #tpu.memory_space<vmem>>) offsets(%dma_start3A_47 : memref<80xi32, #tpu.memory_space<vmem>>) semaphore(%arg13 : memref<!tpu.dma_semaphore, #tpu.memory_space<semaphore_mem>>)
    %dma_start3A_51 = arith.constant 2 : i32
    %dma_start3A_52 = arith.constant 0 : i32
    %dma_start3A_53 = tpu.memref_slice %arg6[%dma_start3A_51, %dma_start3A_52] : memref<64x80xi32, #tpu.memory_space<vmem>> -> memref<1x80xi32, #tpu.memory_space<vmem>>
    %dma_start3A_54 = tpu.memref_squeeze %dma_start3A_53 : memref<1x80xi32, #tpu.memory_space<vmem>> -> memref<80xi32, #tpu.memory_space<vmem>>
    %dma_start3A_55 = arith.constant 0 : i32
    %dma_start3A_56 = arith.constant 0 : i32
    %dma_start3A_57 = tpu.memref_slice %arg2[%dma_start3A_55, %dma_start3A_56] : memref<10000x128xf32, #tpu.memory_space<hbm>> -> memref<10000x128xf32, #tpu.memory_space<hbm>>
    tpu.enqueue_indirect_dma source(%dma_start3A_57 : memref<10000x128xf32, #tpu.memory_space<hbm>>) target(%arg10 : memref<80x128xf32, #tpu.memory_space<vmem>>) offsets(%dma_start3A_54 : memref<80xi32, #tpu.memory_space<vmem>>) semaphore(%arg14 : memref<!tpu.dma_semaphore, #tpu.memory_space<semaphore_mem>>)
    %scan3A_58 = arith.constant 0 : i32
    %scan3A_59 = arith.constant 21 : i32
    %scan3A_60 = arith.addi %scan3A_58, %scan3A_59 : i32
    %scan3A_61 = arith.constant 1 : i32
    scf.for %scan3A_76 = %scan3A_58 to %scan3A_60 step %scan3A_61  : i32 {
      %mul3A_77 = arith.constant 1 : i32
      %mul3A_78 = arith.muli %scan3A_76, %mul3A_77 : i32
      %add3A_79 = arith.constant 0 : i32
      %add3A_80 = arith.addi %add3A_79, %mul3A_78 : i32
      %mul3A_81 = arith.constant 3 : i32
      %mul3A_82 = arith.muli %add3A_80, %mul3A_81 : i32
      %add3A_83 = arith.constant 0 : i32
      %add3A_84 = arith.addi %mul3A_82, %add3A_83 : i32
      %dma_wait3A_85 = arith.constant 0 : i32
      %dma_wait3A_86 = tpu.memref_slice %arg6[%add3A_84, %dma_wait3A_85] : memref<64x80xi32, #tpu.memory_space<vmem>> -> memref<1x80xi32, #tpu.memory_space<vmem>>
      %dma_wait3A_87 = tpu.memref_squeeze %dma_wait3A_86 : memref<1x80xi32, #tpu.memory_space<vmem>> -> memref<80xi32, #tpu.memory_space<vmem>>
      %dma_wait3A_88 = arith.constant 0 : i32
      %dma_wait3A_89 = arith.constant 0 : i32
      %dma_wait3A_90 = tpu.memref_slice %arg2[%dma_wait3A_88, %dma_wait3A_89] : memref<10000x128xf32, #tpu.memory_space<hbm>> -> memref<10000x128xf32, #tpu.memory_space<hbm>>
      tpu.wait_indirect_dma semaphore(%arg12 : memref<!tpu.dma_semaphore, #tpu.memory_space<semaphore_mem>>) src(%dma_wait3A_90 : memref<10000x128xf32, #tpu.memory_space<hbm>>) dst(%arg8 : memref<80x128xf32, #tpu.memory_space<vmem>>)
      "tpu.region"() ({
        %run_scoped3A_125 = tpu.sem_alloc : memref<!tpu.dma_semaphore, #tpu.memory_space<semaphore_mem>>
        %dma_start3A_126 = arith.constant 0 : i32
        %dma_start3A_127 = tpu.memref_slice %arg7[%add3A_84, %dma_start3A_126] : memref<64x80xi32, #tpu.memory_space<vmem>> -> memref<1x80xi32, #tpu.memory_space<vmem>>
        %dma_start3A_128 = tpu.memref_squeeze %dma_start3A_127 : memref<1x80xi32, #tpu.memory_space<vmem>> -> memref<80xi32, #tpu.memory_space<vmem>>
        %dma_start3A_129 = arith.constant 0 : i32
        %dma_start3A_130 = arith.constant 0 : i32
        %dma_start3A_131 = tpu.memref_slice %arg11[%dma_start3A_129, %dma_start3A_130] : memref<10240x128xf32, #tpu.memory_space<vmem_shared>> -> memref<10240x128xf32, #tpu.memory_space<vmem_shared>>
        tpu.enqueue_indirect_dma source(%arg8 : memref<80x128xf32, #tpu.memory_space<vmem>>) target(%dma_start3A_131 : memref<10240x128xf32, #tpu.memory_space<vmem_shared>>) offsets(%dma_start3A_128 : memref<80xi32, #tpu.memory_space<vmem>>) semaphore(%run_scoped3A_125 : memref<!tpu.dma_semaphore, #tpu.memory_space<semaphore_mem>>) {add = true}
        %dma_wait3A_132 = arith.constant 0 : i32
        %dma_wait3A_133 = tpu.memref_slice %arg7[%add3A_84, %dma_wait3A_132] : memref<64x80xi32, #tpu.memory_space<vmem>> -> memref<1x80xi32, #tpu.memory_space<vmem>>
        %dma_wait3A_134 = tpu.memref_squeeze %dma_wait3A_133 : memref<1x80xi32, #tpu.memory_space<vmem>> -> memref<80xi32, #tpu.memory_space<vmem>>
        %dma_wait3A_135 = arith.constant 0 : i32
        %dma_wait3A_136 = arith.constant 0 : i32
        %dma_wait3A_137 = tpu.memref_slice %arg11[%dma_wait3A_135, %dma_wait3A_136] : memref<10240x128xf32, #tpu.memory_space<vmem_shared>> -> memref<10240x128xf32, #tpu.memory_space<vmem_shared>>
        tpu.wait_indirect_dma semaphore(%run_scoped3A_125 : memref<!tpu.dma_semaphore, #tpu.memory_space<semaphore_mem>>) src(%arg8 : memref<80x128xf32, #tpu.memory_space<vmem>>) dst(%dma_wait3A_137 : memref<10240x128xf32, #tpu.memory_space<vmem_shared>>)
        tpu.yield
      }) : () -> ()
      %add3A_91 = arith.constant 3 : i32
      %add3A_92 = arith.addi %add3A_84, %add3A_91 : i32
      %lt3A = arith.constant 64 : i32
      %lt3A_93 = arith.cmpi slt, %add3A_92, %lt3A : i32
      %convert_element_type3A = arith.extui %lt3A_93 : i1 to i32
      %cond3A = arith.constant 0 : i32
      %cond3A_94 = arith.cmpi ne, %convert_element_type3A, %cond3A : i32
      scf.if %cond3A_94 {
        %add3A_125 = arith.constant 3 : i32
        %add3A_126 = arith.addi %add3A_84, %add3A_125 : i32
        %dma_start3A_127 = arith.constant 0 : i32
        %dma_start3A_128 = tpu.memref_slice %arg6[%add3A_126, %dma_start3A_127] : memref<64x80xi32, #tpu.memory_space<vmem>> -> memref<1x80xi32, #tpu.memory_space<vmem>>
        %dma_start3A_129 = tpu.memref_squeeze %dma_start3A_128 : memref<1x80xi32, #tpu.memory_space<vmem>> -> memref<80xi32, #tpu.memory_space<vmem>>
        %dma_start3A_130 = arith.constant 0 : i32
        %dma_start3A_131 = arith.constant 0 : i32
        %dma_start3A_132 = tpu.memref_slice %arg2[%dma_start3A_130, %dma_start3A_131] : memref<10000x128xf32, #tpu.memory_space<hbm>> -> memref<10000x128xf32, #tpu.memory_space<hbm>>
        tpu.enqueue_indirect_dma source(%dma_start3A_132 : memref<10000x128xf32, #tpu.memory_space<hbm>>) target(%arg8 : memref<80x128xf32, #tpu.memory_space<vmem>>) offsets(%dma_start3A_129 : memref<80xi32, #tpu.memory_space<vmem>>) semaphore(%arg12 : memref<!tpu.dma_semaphore, #tpu.memory_space<semaphore_mem>>)
      } else {
      }
      %add3A_95 = arith.constant 1 : i32
      %add3A_96 = arith.addi %mul3A_82, %add3A_95 : i32
      %dma_wait3A_97 = arith.constant 0 : i32
      %dma_wait3A_98 = tpu.memref_slice %arg6[%add3A_96, %dma_wait3A_97] : memref<64x80xi32, #tpu.memory_space<vmem>> -> memref<1x80xi32, #tpu.memory_space<vmem>>
      %dma_wait3A_99 = tpu.memref_squeeze %dma_wait3A_98 : memref<1x80xi32, #tpu.memory_space<vmem>> -> memref<80xi32, #tpu.memory_space<vmem>>
      %dma_wait3A_100 = arith.constant 0 : i32
      %dma_wait3A_101 = arith.constant 0 : i32
      %dma_wait3A_102 = tpu.memref_slice %arg2[%dma_wait3A_100, %dma_wait3A_101] : memref<10000x128xf32, #tpu.memory_space<hbm>> -> memref<10000x128xf32, #tpu.memory_space<hbm>>
      tpu.wait_indirect_dma semaphore(%arg13 : memref<!tpu.dma_semaphore, #tpu.memory_space<semaphore_mem>>) src(%dma_wait3A_102 : memref<10000x128xf32, #tpu.memory_space<hbm>>) dst(%arg9 : memref<80x128xf32, #tpu.memory_space<vmem>>)
      "tpu.region"() ({
        %run_scoped3A_125 = tpu.sem_alloc : memref<!tpu.dma_semaphore, #tpu.memory_space<semaphore_mem>>
        %dma_start3A_126 = arith.constant 0 : i32
        %dma_start3A_127 = tpu.memref_slice %arg7[%add3A_96, %dma_start3A_126] : memref<64x80xi32, #tpu.memory_space<vmem>> -> memref<1x80xi32, #tpu.memory_space<vmem>>
        %dma_start3A_128 = tpu.memref_squeeze %dma_start3A_127 : memref<1x80xi32, #tpu.memory_space<vmem>> -> memref<80xi32, #tpu.memory_space<vmem>>
        %dma_start3A_129 = arith.constant 0 : i32
        %dma_start3A_130 = arith.constant 0 : i32
        %dma_start3A_131 = tpu.memref_slice %arg11[%dma_start3A_129, %dma_start3A_130] : memref<10240x128xf32, #tpu.memory_space<vmem_shared>> -> memref<10240x128xf32, #tpu.memory_space<vmem_shared>>
        tpu.enqueue_indirect_dma source(%arg9 : memref<80x128xf32, #tpu.memory_space<vmem>>) target(%dma_start3A_131 : memref<10240x128xf32, #tpu.memory_space<vmem_shared>>) offsets(%dma_start3A_128 : memref<80xi32, #tpu.memory_space<vmem>>) semaphore(%run_scoped3A_125 : memref<!tpu.dma_semaphore, #tpu.memory_space<semaphore_mem>>) {add = true}
        %dma_wait3A_132 = arith.constant 0 : i32
        %dma_wait3A_133 = tpu.memref_slice %arg7[%add3A_96, %dma_wait3A_132] : memref<64x80xi32, #tpu.memory_space<vmem>> -> memref<1x80xi32, #tpu.memory_space<vmem>>
        %dma_wait3A_134 = tpu.memref_squeeze %dma_wait3A_133 : memref<1x80xi32, #tpu.memory_space<vmem>> -> memref<80xi32, #tpu.memory_space<vmem>>
        %dma_wait3A_135 = arith.constant 0 : i32
        %dma_wait3A_136 = arith.constant 0 : i32
        %dma_wait3A_137 = tpu.memref_slice %arg11[%dma_wait3A_135, %dma_wait3A_136] : memref<10240x128xf32, #tpu.memory_space<vmem_shared>> -> memref<10240x128xf32, #tpu.memory_space<vmem_shared>>
        tpu.wait_indirect_dma semaphore(%run_scoped3A_125 : memref<!tpu.dma_semaphore, #tpu.memory_space<semaphore_mem>>) src(%arg9 : memref<80x128xf32, #tpu.memory_space<vmem>>) dst(%dma_wait3A_137 : memref<10240x128xf32, #tpu.memory_space<vmem_shared>>)
        tpu.yield
      }) : () -> ()
      %add3A_103 = arith.constant 3 : i32
      %add3A_104 = arith.addi %add3A_96, %add3A_103 : i32
      %lt3A_105 = arith.constant 64 : i32
      %lt3A_106 = arith.cmpi slt, %add3A_104, %lt3A_105 : i32
      %convert_element_type3A_107 = arith.extui %lt3A_106 : i1 to i32
      %cond3A_108 = arith.constant 0 : i32
      %cond3A_109 = arith.cmpi ne, %convert_element_type3A_107, %cond3A_108 : i32
      scf.if %cond3A_109 {
        %add3A_125 = arith.constant 3 : i32
        %add3A_126 = arith.addi %add3A_96, %add3A_125 : i32
        %dma_start3A_127 = arith.constant 0 : i32
        %dma_start3A_128 = tpu.memref_slice %arg6[%add3A_126, %dma_start3A_127] : memref<64x80xi32, #tpu.memory_space<vmem>> -> memref<1x80xi32, #tpu.memory_space<vmem>>
        %dma_start3A_129 = tpu.memref_squeeze %dma_start3A_128 : memref<1x80xi32, #tpu.memory_space<vmem>> -> memref<80xi32, #tpu.memory_space<vmem>>
        %dma_start3A_130 = arith.constant 0 : i32
        %dma_start3A_131 = arith.constant 0 : i32
        %dma_start3A_132 = tpu.memref_slice %arg2[%dma_start3A_130, %dma_start3A_131] : memref<10000x128xf32, #tpu.memory_space<hbm>> -> memref<10000x128xf32, #tpu.memory_space<hbm>>
        tpu.enqueue_indirect_dma source(%dma_start3A_132 : memref<10000x128xf32, #tpu.memory_space<hbm>>) target(%arg9 : memref<80x128xf32, #tpu.memory_space<vmem>>) offsets(%dma_start3A_129 : memref<80xi32, #tpu.memory_space<vmem>>) semaphore(%arg13 : memref<!tpu.dma_semaphore, #tpu.memory_space<semaphore_mem>>)
      } else {
      }
      %add3A_110 = arith.constant 2 : i32
      %add3A_111 = arith.addi %mul3A_82, %add3A_110 : i32
      %dma_wait3A_112 = arith.constant 0 : i32
      %dma_wait3A_113 = tpu.memref_slice %arg6[%add3A_111, %dma_wait3A_112] : memref<64x80xi32, #tpu.memory_space<vmem>> -> memref<1x80xi32, #tpu.memory_space<vmem>>
      %dma_wait3A_114 = tpu.memref_squeeze %dma_wait3A_113 : memref<1x80xi32, #tpu.memory_space<vmem>> -> memref<80xi32, #tpu.memory_space<vmem>>
      %dma_wait3A_115 = arith.constant 0 : i32
      %dma_wait3A_116 = arith.constant 0 : i32
      %dma_wait3A_117 = tpu.memref_slice %arg2[%dma_wait3A_115, %dma_wait3A_116] : memref<10000x128xf32, #tpu.memory_space<hbm>> -> memref<10000x128xf32, #tpu.memory_space<hbm>>
      tpu.wait_indirect_dma semaphore(%arg14 : memref<!tpu.dma_semaphore, #tpu.memory_space<semaphore_mem>>) src(%dma_wait3A_117 : memref<10000x128xf32, #tpu.memory_space<hbm>>) dst(%arg10 : memref<80x128xf32, #tpu.memory_space<vmem>>)
      "tpu.region"() ({
        %run_scoped3A_125 = tpu.sem_alloc : memref<!tpu.dma_semaphore, #tpu.memory_space<semaphore_mem>>
        %dma_start3A_126 = arith.constant 0 : i32
        %dma_start3A_127 = tpu.memref_slice %arg7[%add3A_111, %dma_start3A_126] : memref<64x80xi32, #tpu.memory_space<vmem>> -> memref<1x80xi32, #tpu.memory_space<vmem>>
        %dma_start3A_128 = tpu.memref_squeeze %dma_start3A_127 : memref<1x80xi32, #tpu.memory_space<vmem>> -> memref<80xi32, #tpu.memory_space<vmem>>
        %dma_start3A_129 = arith.constant 0 : i32
        %dma_start3A_130 = arith.constant 0 : i32
        %dma_start3A_131 = tpu.memref_slice %arg11[%dma_start3A_129, %dma_start3A_130] : memref<10240x128xf32, #tpu.memory_space<vmem_shared>> -> memref<10240x128xf32, #tpu.memory_space<vmem_shared>>
        tpu.enqueue_indirect_dma source(%arg10 : memref<80x128xf32, #tpu.memory_space<vmem>>) target(%dma_start3A_131 : memref<10240x128xf32, #tpu.memory_space<vmem_shared>>) offsets(%dma_start3A_128 : memref<80xi32, #tpu.memory_space<vmem>>) semaphore(%run_scoped3A_125 : memref<!tpu.dma_semaphore, #tpu.memory_space<semaphore_mem>>) {add = true}
        %dma_wait3A_132 = arith.constant 0 : i32
        %dma_wait3A_133 = tpu.memref_slice %arg7[%add3A_111, %dma_wait3A_132] : memref<64x80xi32, #tpu.memory_space<vmem>> -> memref<1x80xi32, #tpu.memory_space<vmem>>
        %dma_wait3A_134 = tpu.memref_squeeze %dma_wait3A_133 : memref<1x80xi32, #tpu.memory_space<vmem>> -> memref<80xi32, #tpu.memory_space<vmem>>
        %dma_wait3A_135 = arith.constant 0 : i32
        %dma_wait3A_136 = arith.constant 0 : i32
        %dma_wait3A_137 = tpu.memref_slice %arg11[%dma_wait3A_135, %dma_wait3A_136] : memref<10240x128xf32, #tpu.memory_space<vmem_shared>> -> memref<10240x128xf32, #tpu.memory_space<vmem_shared>>
        tpu.wait_indirect_dma semaphore(%run_scoped3A_125 : memref<!tpu.dma_semaphore, #tpu.memory_space<semaphore_mem>>) src(%arg10 : memref<80x128xf32, #tpu.memory_space<vmem>>) dst(%dma_wait3A_137 : memref<10240x128xf32, #tpu.memory_space<vmem_shared>>)
        tpu.yield
      }) : () -> ()
      %add3A_118 = arith.constant 3 : i32
      %add3A_119 = arith.addi %add3A_111, %add3A_118 : i32
      %lt3A_120 = arith.constant 64 : i32
      %lt3A_121 = arith.cmpi slt, %add3A_119, %lt3A_120 : i32
      %convert_element_type3A_122 = arith.extui %lt3A_121 : i1 to i32
      %cond3A_123 = arith.constant 0 : i32
      %cond3A_124 = arith.cmpi ne, %convert_element_type3A_122, %cond3A_123 : i32
      scf.if %cond3A_124 {
        %add3A_125 = arith.constant 3 : i32
        %add3A_126 = arith.addi %add3A_111, %add3A_125 : i32
        %dma_start3A_127 = arith.constant 0 : i32
        %dma_start3A_128 = tpu.memref_slice %arg6[%add3A_126, %dma_start3A_127] : memref<64x80xi32, #tpu.memory_space<vmem>> -> memref<1x80xi32, #tpu.memory_space<vmem>>
        %dma_start3A_129 = tpu.memref_squeeze %dma_start3A_128 : memref<1x80xi32, #tpu.memory_space<vmem>> -> memref<80xi32, #tpu.memory_space<vmem>>
        %dma_start3A_130 = arith.constant 0 : i32
        %dma_start3A_131 = arith.constant 0 : i32
        %dma_start3A_132 = tpu.memref_slice %arg2[%dma_start3A_130, %dma_start3A_131] : memref<10000x128xf32, #tpu.memory_space<hbm>> -> memref<10000x128xf32, #tpu.memory_space<hbm>>
        tpu.enqueue_indirect_dma source(%dma_start3A_132 : memref<10000x128xf32, #tpu.memory_space<hbm>>) target(%arg10 : memref<80x128xf32, #tpu.memory_space<vmem>>) offsets(%dma_start3A_129 : memref<80xi32, #tpu.memory_space<vmem>>) semaphore(%arg14 : memref<!tpu.dma_semaphore, #tpu.memory_space<semaphore_mem>>)
      } else {
      }
    }
    %scan3A_62 = arith.constant 21 : i32
    %dma_wait3A_63 = arith.constant 63 : i32
    %dma_wait3A_64 = arith.constant 0 : i32
    %dma_wait3A_65 = tpu.memref_slice %arg6[%dma_wait3A_63, %dma_wait3A_64] : memref<64x80xi32, #tpu.memory_space<vmem>> -> memref<1x80xi32, #tpu.memory_space<vmem>>
    %dma_wait3A_66 = tpu.memref_squeeze %dma_wait3A_65 : memref<1x80xi32, #tpu.memory_space<vmem>> -> memref<80xi32, #tpu.memory_space<vmem>>
    %dma_wait3A_67 = arith.constant 0 : i32
    %dma_wait3A_68 = arith.constant 0 : i32
    %dma_wait3A_69 = tpu.memref_slice %arg2[%dma_wait3A_67, %dma_wait3A_68] : memref<10000x128xf32, #tpu.memory_space<hbm>> -> memref<10000x128xf32, #tpu.memory_space<hbm>>
    tpu.wait_indirect_dma semaphore(%arg12 : memref<!tpu.dma_semaphore, #tpu.memory_space<semaphore_mem>>) src(%dma_wait3A_69 : memref<10000x128xf32, #tpu.memory_space<hbm>>) dst(%arg8 : memref<80x128xf32, #tpu.memory_space<vmem>>)
    %run_scoped3A_70 = arith.constant 63 : i32
    "tpu.region"() ({
      %run_scoped3A_76 = tpu.sem_alloc : memref<!tpu.dma_semaphore, #tpu.memory_space<semaphore_mem>>
      %dma_start3A_77 = arith.constant 0 : i32
      %dma_start3A_78 = tpu.memref_slice %arg7[%run_scoped3A_70, %dma_start3A_77] : memref<64x80xi32, #tpu.memory_space<vmem>> -> memref<1x80xi32, #tpu.memory_space<vmem>>
      %dma_start3A_79 = tpu.memref_squeeze %dma_start3A_78 : memref<1x80xi32, #tpu.memory_space<vmem>> -> memref<80xi32, #tpu.memory_space<vmem>>
      %dma_start3A_80 = arith.constant 0 : i32
      %dma_start3A_81 = arith.constant 0 : i32
      %dma_start3A_82 = tpu.memref_slice %arg11[%dma_start3A_80, %dma_start3A_81] : memref<10240x128xf32, #tpu.memory_space<vmem_shared>> -> memref<10240x128xf32, #tpu.memory_space<vmem_shared>>
      tpu.enqueue_indirect_dma source(%arg8 : memref<80x128xf32, #tpu.memory_space<vmem>>) target(%dma_start3A_82 : memref<10240x128xf32, #tpu.memory_space<vmem_shared>>) offsets(%dma_start3A_79 : memref<80xi32, #tpu.memory_space<vmem>>) semaphore(%run_scoped3A_76 : memref<!tpu.dma_semaphore, #tpu.memory_space<semaphore_mem>>) {add = true}
      %dma_wait3A_83 = arith.constant 0 : i32
      %dma_wait3A_84 = tpu.memref_slice %arg7[%run_scoped3A_70, %dma_wait3A_83] : memref<64x80xi32, #tpu.memory_space<vmem>> -> memref<1x80xi32, #tpu.memory_space<vmem>>
      %dma_wait3A_85 = tpu.memref_squeeze %dma_wait3A_84 : memref<1x80xi32, #tpu.memory_space<vmem>> -> memref<80xi32, #tpu.memory_space<vmem>>
      %dma_wait3A_86 = arith.constant 0 : i32
      %dma_wait3A_87 = arith.constant 0 : i32
      %dma_wait3A_88 = tpu.memref_slice %arg11[%dma_wait3A_86, %dma_wait3A_87] : memref<10240x128xf32, #tpu.memory_space<vmem_shared>> -> memref<10240x128xf32, #tpu.memory_space<vmem_shared>>
      tpu.wait_indirect_dma semaphore(%run_scoped3A_76 : memref<!tpu.dma_semaphore, #tpu.memory_space<semaphore_mem>>) src(%arg8 : memref<80x128xf32, #tpu.memory_space<vmem>>) dst(%dma_wait3A_88 : memref<10240x128xf32, #tpu.memory_space<vmem_shared>>)
      tpu.yield
    }) : () -> ()
    %barrier3A_71 = arith.constant 0 : index
    tpu.barrier barrier_id(%barrier3A_71)
    %mul3A_72 = arith.constant 640 : i32
    %mul3A_73 = arith.muli %arg1, %mul3A_72 : i32
    %mul3A_74 = arith.constant 640 : i32
    %mul3A_75 = arith.muli %arg1, %mul3A_74 : i32
    "tpu.region"() ({
      %run_scoped3A_76 = tpu.sem_alloc : memref<!tpu.dma_semaphore, #tpu.memory_space<semaphore_mem>>
      %dma_start3A_77 = arith.constant 0 : i32
      %dma_start3A_78 = tpu.memref_slice %arg5[%arg0, %mul3A_75, %dma_start3A_77] : memref<2x10240x128xf32, #tpu.memory_space<hbm>> -> memref<1x640x128xf32, #tpu.memory_space<hbm>>
      %dma_start3A_79 = tpu.memref_squeeze %dma_start3A_78 : memref<1x640x128xf32, #tpu.memory_space<hbm>> -> memref<640x128xf32, #tpu.memory_space<hbm>>
      %dma_start3A_80 = arith.constant 0 : i32
      %dma_start3A_81 = tpu.memref_slice %arg11[%mul3A_73, %dma_start3A_80] : memref<10240x128xf32, #tpu.memory_space<vmem_shared>> -> memref<640x128xf32, #tpu.memory_space<vmem_shared>>
      tpu.enqueue_dma source(%dma_start3A_81 : memref<640x128xf32, #tpu.memory_space<vmem_shared>>) target(%dma_start3A_79 : memref<640x128xf32, #tpu.memory_space<hbm>>) target_semaphore(%run_scoped3A_76 : memref<!tpu.dma_semaphore, #tpu.memory_space<semaphore_mem>>)
      %dma_wait3A_82 = arith.constant 0 : i32
      %dma_wait3A_83 = tpu.memref_slice %arg5[%arg0, %mul3A_75, %dma_wait3A_82] : memref<2x10240x128xf32, #tpu.memory_space<hbm>> -> memref<1x640x128xf32, #tpu.memory_space<hbm>>
      %dma_wait3A_84 = tpu.memref_squeeze %dma_wait3A_83 : memref<1x640x128xf32, #tpu.memory_space<hbm>> -> memref<640x128xf32, #tpu.memory_space<hbm>>
      %dma_wait3A_85 = arith.constant 0 : i32
      %dma_wait3A_86 = tpu.memref_slice %arg11[%mul3A_73, %dma_wait3A_85] : memref<10240x128xf32, #tpu.memory_space<vmem_shared>> -> memref<640x128xf32, #tpu.memory_space<vmem_shared>>
      tpu.wait_dma2 semaphore(%run_scoped3A_76 : memref<!tpu.dma_semaphore, #tpu.memory_space<semaphore_mem>>) src(%dma_wait3A_86 : memref<640x128xf32, #tpu.memory_space<vmem_shared>>) dst(%dma_wait3A_84 : memref<640x128xf32, #tpu.memory_space<hbm>>)
      tpu.yield
    }) : () -> ()
    return
  }
}

#map = affine_map<(d0, d1) -> (0, 0)>
#map1 = affine_map<(d0, d1) -> (0, 0, 0, 0)>
#map2 = affine_map<(d0, d1) -> (0, 0, 0)>
module attributes {stable_mosaic.version = 14 : i64} {
  func.func @k(%arg0: i32, %arg1: i32, %arg2: memref<10000x128xf32, #tpu.memory_space<hbm>>, %arg3: memref<2x32x128x80xi32, #tpu.memory_space<hbm>>, %arg4: memref<640x128xf32, #tpu.memory_space<hbm>>, %arg5: memref<2x10240x128xf32, #tpu.memory_space<hbm>>, %arg6: memref<64x80xi32, #tpu.memory_space<vmem>>, %arg7: memref<64x80xi32, #tpu.memory_space<vmem>>, %arg8: memref<80x128xf32, #tpu.memory_space<vmem>>, %arg9: memref<80x128xf32, #tpu.memory_space<vmem>>, %arg10: memref<80x128xf32, #tpu.memory_space<vmem>>, %arg11: memref<10240x128xf32, #tpu.memory_space<vmem_shared>>, %arg12: memref<!tpu.dma_semaphore, #tpu.memory_space<semaphore_mem>>, %arg13: memref<!tpu.dma_semaphore, #tpu.memory_space<semaphore_mem>>, %arg14: memref<!tpu.dma_semaphore, #tpu.memory_space<semaphore_mem>>) attributes {dimension_semantics = [#tpu.dimension_semantics<core_parallel>, #tpu.dimension_semantics<subcore_parallel>], iteration_bounds = array<i64: 2, 16>, scalar_prefetch = 0 : i64, scratch_operands = 9 : i64, tpu.core_type = #tpu.core_type<sc_vector_subcore>, window_params = [{transform_indices = #map}, {transform_indices = #map1}, {transform_indices = #map}, {transform_indices = #map2}]} {
    %mul3A = arith.constant 2 : i32
    %mul3A_0 = arith.muli %arg1, %mul3A : i32
    %add3A = arith.addi %mul3A_0, %arg0 : i32
    %mul3A_1 = arith.constant 640 : i32
    %mul3A_2 = arith.muli %arg1, %mul3A_1 : i32
    "tpu.region"() ({
      %run_scoped3A_76 = tpu.sem_alloc : memref<!tpu.dma_semaphore, #tpu.memory_space<semaphore_mem>>
      %dma_start3A_77 = arith.constant 0 : i32
      %dma_start3A_78 = tpu.memref_slice %arg11[%mul3A_2, %dma_start3A_77] : memref<10240x128xf32, #tpu.memory_space<vmem_shared>> -> memref<640x128xf32, #tpu.memory_space<vmem_shared>>
      tpu.enqueue_dma source(%arg4 : memref<640x128xf32, #tpu.memory_space<hbm>>) target(%dma_start3A_78 : memref<640x128xf32, #tpu.memory_space<vmem_shared>>) target_semaphore(%run_scoped3A_76 : memref<!tpu.dma_semaphore, #tpu.memory_space<semaphore_mem>>)
      %dma_wait3A_79 = arith.constant 0 : i32
      %dma_wait3A_80 = tpu.memref_slice %arg11[%mul3A_2, %dma_wait3A_79] : memref<10240x128xf32, #tpu.memory_space<vmem_shared>> -> memref<640x128xf32, #tpu.memory_space<vmem_shared>>
      tpu.wait_dma2 semaphore(%run_scoped3A_76 : memref<!tpu.dma_semaphore, #tpu.memory_space<semaphore_mem>>) src(%arg4 : memref<640x128xf32, #tpu.memory_space<hbm>>) dst(%dma_wait3A_80 : memref<640x128xf32, #tpu.memory_space<vmem_shared>>)
      tpu.yield
    }) : () -> ()
    %barrier3A = arith.constant 0 : index
    tpu.barrier barrier_id(%barrier3A)
    %run_scoped3A = arith.constant 0 : i32
    "tpu.region"() ({
      %run_scoped3A_76 = tpu.sem_alloc : memref<!tpu.dma_semaphore, #tpu.memory_space<semaphore_mem>>
      %dma_start3A_77 = arith.constant 0 : i32
      %dma_start3A_78 = arith.constant 0 : i32
      %dma_start3A_79 = tpu.memref_slice %arg3[%run_scoped3A, %add3A, %dma_start3A_77, %dma_start3A_78] : memref<2x32x128x80xi32, #tpu.memory_space<hbm>> -> memref<1x1x64x80xi32, #tpu.memory_space<hbm>>
      %dma_start3A_80 = tpu.memref_squeeze %dma_start3A_79 : memref<1x1x64x80xi32, #tpu.memory_space<hbm>> -> memref<64x80xi32, #tpu.memory_space<hbm>>
      %dma_start3A_81 = arith.constant 0 : i32
      %dma_start3A_82 = arith.constant 0 : i32
      %dma_start3A_83 = tpu.memref_slice %arg3[%run_scoped3A, %add3A, %dma_start3A_81, %dma_start3A_82] : memref<2x32x128x80xi32, #tpu.memory_space<hbm>> -> memref<1x1x64x80xi32, #tpu.memory_space<hbm>>
      %dma_start3A_84 = tpu.memref_squeeze %dma_start3A_83 : memref<1x1x64x80xi32, #tpu.memory_space<hbm>> -> memref<64x80xi32, #tpu.memory_space<hbm>>
      tpu.enqueue_dma source(%dma_start3A_84 : memref<64x80xi32, #tpu.memory_space<hbm>>) target(%arg6 : memref<64x80xi32, #tpu.memory_space<vmem>>) target_semaphore(%run_scoped3A_76 : memref<!tpu.dma_semaphore, #tpu.memory_space<semaphore_mem>>)
      %dma_wait3A_85 = arith.constant 0 : i32
      %dma_wait3A_86 = arith.constant 0 : i32
      %dma_wait3A_87 = tpu.memref_slice %arg3[%run_scoped3A, %add3A, %dma_wait3A_85, %dma_wait3A_86] : memref<2x32x128x80xi32, #tpu.memory_space<hbm>> -> memref<1x1x64x80xi32, #tpu.memory_space<hbm>>
      %dma_wait3A_88 = tpu.memref_squeeze %dma_wait3A_87 : memref<1x1x64x80xi32, #tpu.memory_space<hbm>> -> memref<64x80xi32, #tpu.memory_space<hbm>>
      %dma_wait3A_89 = arith.constant 0 : i32
      %dma_wait3A_90 = arith.constant 0 : i32
      %dma_wait3A_91 = tpu.memref_slice %arg3[%run_scoped3A, %add3A, %dma_wait3A_89, %dma_wait3A_90] : memref<2x32x128x80xi32, #tpu.memory_space<hbm>> -> memref<1x1x64x80xi32, #tpu.memory_space<hbm>>
      %dma_wait3A_92 = tpu.memref_squeeze %dma_wait3A_91 : memref<1x1x64x80xi32, #tpu.memory_space<hbm>> -> memref<64x80xi32, #tpu.memory_space<hbm>>
      tpu.wait_dma2 semaphore(%run_scoped3A_76 : memref<!tpu.dma_semaphore, #tpu.memory_space<semaphore_mem>>) src(%dma_wait3A_92 : memref<64x80xi32, #tpu.memory_space<hbm>>) dst(%arg6 : memref<64x80xi32, #tpu.memory_space<vmem>>)
      tpu.yield
    }) : () -> ()
    %run_scoped3A_3 = arith.constant 1 : i32
    "tpu.region"() ({
      %run_scoped3A_76 = tpu.sem_alloc : memref<!tpu.dma_semaphore, #tpu.memory_space<semaphore_mem>>
      %dma_start3A_77 = arith.constant 0 : i32
      %dma_start3A_78 = arith.constant 0 : i32
      %dma_start3A_79 = tpu.memref_slice %arg3[%run_scoped3A_3, %add3A, %dma_start3A_77, %dma_start3A_78] : memref<2x32x128x80xi32, #tpu.memory_space<hbm>> -> memref<1x1x64x80xi32, #tpu.memory_space<hbm>>
      %dma_start3A_80 = tpu.memref_squeeze %dma_start3A_79 : memref<1x1x64x80xi32, #tpu.memory_space<hbm>> -> memref<64x80xi32, #tpu.memory_space<hbm>>
      %dma_start3A_81 = arith.constant 0 : i32
      %dma_start3A_82 = arith.constant 0 : i32
      %dma_start3A_83 = tpu.memref_slice %arg3[%run_scoped3A_3, %add3A, %dma_start3A_81, %dma_start3A_82] : memref<2x32x128x80xi32, #tpu.memory_space<hbm>> -> memref<1x1x64x80xi32, #tpu.memory_space<hbm>>
      %dma_start3A_84 = tpu.memref_squeeze %dma_start3A_83 : memref<1x1x64x80xi32, #tpu.memory_space<hbm>> -> memref<64x80xi32, #tpu.memory_space<hbm>>
      tpu.enqueue_dma source(%dma_start3A_84 : memref<64x80xi32, #tpu.memory_space<hbm>>) target(%arg7 : memref<64x80xi32, #tpu.memory_space<vmem>>) target_semaphore(%run_scoped3A_76 : memref<!tpu.dma_semaphore, #tpu.memory_space<semaphore_mem>>)
      %dma_wait3A_85 = arith.constant 0 : i32
      %dma_wait3A_86 = arith.constant 0 : i32
      %dma_wait3A_87 = tpu.memref_slice %arg3[%run_scoped3A_3, %add3A, %dma_wait3A_85, %dma_wait3A_86] : memref<2x32x128x80xi32, #tpu.memory_space<hbm>> -> memref<1x1x64x80xi32, #tpu.memory_space<hbm>>
      %dma_wait3A_88 = tpu.memref_squeeze %dma_wait3A_87 : memref<1x1x64x80xi32, #tpu.memory_space<hbm>> -> memref<64x80xi32, #tpu.memory_space<hbm>>
      %dma_wait3A_89 = arith.constant 0 : i32
      %dma_wait3A_90 = arith.constant 0 : i32
      %dma_wait3A_91 = tpu.memref_slice %arg3[%run_scoped3A_3, %add3A, %dma_wait3A_89, %dma_wait3A_90] : memref<2x32x128x80xi32, #tpu.memory_space<hbm>> -> memref<1x1x64x80xi32, #tpu.memory_space<hbm>>
      %dma_wait3A_92 = tpu.memref_squeeze %dma_wait3A_91 : memref<1x1x64x80xi32, #tpu.memory_space<hbm>> -> memref<64x80xi32, #tpu.memory_space<hbm>>
      tpu.wait_dma2 semaphore(%run_scoped3A_76 : memref<!tpu.dma_semaphore, #tpu.memory_space<semaphore_mem>>) src(%dma_wait3A_92 : memref<64x80xi32, #tpu.memory_space<hbm>>) dst(%arg7 : memref<64x80xi32, #tpu.memory_space<vmem>>)
      tpu.yield
    }) : () -> ()
    %dma_start3A = arith.constant 0 : i32
    %dma_start3A_4 = arith.constant 0 : i32
    %dma_start3A_5 = tpu.memref_slice %arg6[%dma_start3A, %dma_start3A_4] : memref<64x80xi32, #tpu.memory_space<vmem>> -> memref<1x80xi32, #tpu.memory_space<vmem>>
    %dma_start3A_6 = tpu.memref_squeeze %dma_start3A_5 : memref<1x80xi32, #tpu.memory_space<vmem>> -> memref<80xi32, #tpu.memory_space<vmem>>
    %dma_start3A_7 = arith.constant 0 : i32
    %dma_start3A_8 = arith.constant 0 : i32
    %dma_start3A_9 = tpu.memref_slice %arg2[%dma_start3A_7, %dma_start3A_8] : memref<10000x128xf32, #tpu.memory_space<hbm>> -> memref<10000x128xf32, #tpu.memory_space<hbm>>
    tpu.enqueue_indirect_dma source(%dma_start3A_9 : memref<10000x128xf32, #tpu.memory_space<hbm>>) target(%arg8 : memref<80x128xf32, #tpu.memory_space<vmem>>) offsets(%dma_start3A_6 : memref<80xi32, #tpu.memory_space<vmem>>) semaphore(%arg12 : memref<!tpu.dma_semaphore, #tpu.memory_space<semaphore_mem>>)
    %dma_start3A_10 = arith.constant 1 : i32
    %dma_start3A_11 = arith.constant 0 : i32
    %dma_start3A_12 = tpu.memref_slice %arg6[%dma_start3A_10, %dma_start3A_11] : memref<64x80xi32, #tpu.memory_space<vmem>> -> memref<1x80xi32, #tpu.memory_space<vmem>>
    %dma_start3A_13 = tpu.memref_squeeze %dma_start3A_12 : memref<1x80xi32, #tpu.memory_space<vmem>> -> memref<80xi32, #tpu.memory_space<vmem>>
    %dma_start3A_14 = arith.constant 0 : i32
    %dma_start3A_15 = arith.constant 0 : i32
    %dma_start3A_16 = tpu.memref_slice %arg2[%dma_start3A_14, %dma_start3A_15] : memref<10000x128xf32, #tpu.memory_space<hbm>> -> memref<10000x128xf32, #tpu.memory_space<hbm>>
    tpu.enqueue_indirect_dma source(%dma_start3A_16 : memref<10000x128xf32, #tpu.memory_space<hbm>>) target(%arg9 : memref<80x128xf32, #tpu.memory_space<vmem>>) offsets(%dma_start3A_13 : memref<80xi32, #tpu.memory_space<vmem>>) semaphore(%arg13 : memref<!tpu.dma_semaphore, #tpu.memory_space<semaphore_mem>>)
    %dma_start3A_17 = arith.constant 2 : i32
    %dma_start3A_18 = arith.constant 0 : i32
    %dma_start3A_19 = tpu.memref_slice %arg6[%dma_start3A_17, %dma_start3A_18] : memref<64x80xi32, #tpu.memory_space<vmem>> -> memref<1x80xi32, #tpu.memory_space<vmem>>
    %dma_start3A_20 = tpu.memref_squeeze %dma_start3A_19 : memref<1x80xi32, #tpu.memory_space<vmem>> -> memref<80xi32, #tpu.memory_space<vmem>>
    %dma_start3A_21 = arith.constant 0 : i32
    %dma_start3A_22 = arith.constant 0 : i32
    %dma_start3A_23 = tpu.memref_slice %arg2[%dma_start3A_21, %dma_start3A_22] : memref<10000x128xf32, #tpu.memory_space<hbm>> -> memref<10000x128xf32, #tpu.memory_space<hbm>>
    tpu.enqueue_indirect_dma source(%dma_start3A_23 : memref<10000x128xf32, #tpu.memory_space<hbm>>) target(%arg10 : memref<80x128xf32, #tpu.memory_space<vmem>>) offsets(%dma_start3A_20 : memref<80xi32, #tpu.memory_space<vmem>>) semaphore(%arg14 : memref<!tpu.dma_semaphore, #tpu.memory_space<semaphore_mem>>)
    %scan3A = arith.constant 0 : i32
    %scan3A_24 = arith.constant 21 : i32
    %scan3A_25 = arith.addi %scan3A, %scan3A_24 : i32
    %scan3A_26 = arith.constant 1 : i32
    scf.for %scan3A_76 = %scan3A to %scan3A_25 step %scan3A_26  : i32 {
      %mul3A_77 = arith.constant 1 : i32
      %mul3A_78 = arith.muli %scan3A_76, %mul3A_77 : i32
      %add3A_79 = arith.constant 0 : i32
      %add3A_80 = arith.addi %add3A_79, %mul3A_78 : i32
      %mul3A_81 = arith.constant 3 : i32
      %mul3A_82 = arith.muli %add3A_80, %mul3A_81 : i32
      %add3A_83 = arith.constant 0 : i32
      %add3A_84 = arith.addi %mul3A_82, %add3A_83 : i32
      %dma_wait3A_85 = arith.constant 0 : i32
      %dma_wait3A_86 = tpu.memref_slice %arg6[%add3A_84, %dma_wait3A_85] : memref<64x80xi32, #tpu.memory_space<vmem>> -> memref<1x80xi32, #tpu.memory_space<vmem>>
      %dma_wait3A_87 = tpu.memref_squeeze %dma_wait3A_86 : memref<1x80xi32, #tpu.memory_space<vmem>> -> memref<80xi32, #tpu.memory_space<vmem>>
      %dma_wait3A_88 = arith.constant 0 : i32
      %dma_wait3A_89 = arith.constant 0 : i32
      %dma_wait3A_90 = tpu.memref_slice %arg2[%dma_wait3A_88, %dma_wait3A_89] : memref<10000x128xf32, #tpu.memory_space<hbm>> -> memref<10000x128xf32, #tpu.memory_space<hbm>>
      tpu.wait_indirect_dma semaphore(%arg12 : memref<!tpu.dma_semaphore, #tpu.memory_space<semaphore_mem>>) src(%dma_wait3A_90 : memref<10000x128xf32, #tpu.memory_space<hbm>>) dst(%arg8 : memref<80x128xf32, #tpu.memory_space<vmem>>)
      "tpu.region"() ({
        %run_scoped3A_125 = tpu.sem_alloc : memref<!tpu.dma_semaphore, #tpu.memory_space<semaphore_mem>>
        %dma_start3A_126 = arith.constant 0 : i32
        %dma_start3A_127 = tpu.memref_slice %arg7[%add3A_84, %dma_start3A_126] : memref<64x80xi32, #tpu.memory_space<vmem>> -> memref<1x80xi32, #tpu.memory_space<vmem>>
        %dma_start3A_128 = tpu.memref_squeeze %dma_start3A_127 : memref<1x80xi32, #tpu.memory_space<vmem>> -> memref<80xi32, #tpu.memory_space<vmem>>
        %dma_start3A_129 = arith.constant 0 : i32
        %dma_start3A_130 = arith.constant 0 : i32
        %dma_start3A_131 = tpu.memref_slice %arg11[%dma_start3A_129, %dma_start3A_130] : memref<10240x128xf32, #tpu.memory_space<vmem_shared>> -> memref<10240x128xf32, #tpu.memory_space<vmem_shared>>
        tpu.enqueue_indirect_dma source(%arg8 : memref<80x128xf32, #tpu.memory_space<vmem>>) target(%dma_start3A_131 : memref<10240x128xf32, #tpu.memory_space<vmem_shared>>) offsets(%dma_start3A_128 : memref<80xi32, #tpu.memory_space<vmem>>) semaphore(%run_scoped3A_125 : memref<!tpu.dma_semaphore, #tpu.memory_space<semaphore_mem>>) {add = true}
        %dma_wait3A_132 = arith.constant 0 : i32
        %dma_wait3A_133 = tpu.memref_slice %arg7[%add3A_84, %dma_wait3A_132] : memref<64x80xi32, #tpu.memory_space<vmem>> -> memref<1x80xi32, #tpu.memory_space<vmem>>
        %dma_wait3A_134 = tpu.memref_squeeze %dma_wait3A_133 : memref<1x80xi32, #tpu.memory_space<vmem>> -> memref<80xi32, #tpu.memory_space<vmem>>
        %dma_wait3A_135 = arith.constant 0 : i32
        %dma_wait3A_136 = arith.constant 0 : i32
        %dma_wait3A_137 = tpu.memref_slice %arg11[%dma_wait3A_135, %dma_wait3A_136] : memref<10240x128xf32, #tpu.memory_space<vmem_shared>> -> memref<10240x128xf32, #tpu.memory_space<vmem_shared>>
        tpu.wait_indirect_dma semaphore(%run_scoped3A_125 : memref<!tpu.dma_semaphore, #tpu.memory_space<semaphore_mem>>) src(%arg8 : memref<80x128xf32, #tpu.memory_space<vmem>>) dst(%dma_wait3A_137 : memref<10240x128xf32, #tpu.memory_space<vmem_shared>>)
        tpu.yield
      }) : () -> ()
      %add3A_91 = arith.constant 3 : i32
      %add3A_92 = arith.addi %add3A_84, %add3A_91 : i32
      %lt3A = arith.constant 64 : i32
      %lt3A_93 = arith.cmpi slt, %add3A_92, %lt3A : i32
      %convert_element_type3A = arith.extui %lt3A_93 : i1 to i32
      %cond3A = arith.constant 0 : i32
      %cond3A_94 = arith.cmpi ne, %convert_element_type3A, %cond3A : i32
      scf.if %cond3A_94 {
        %add3A_125 = arith.constant 3 : i32
        %add3A_126 = arith.addi %add3A_84, %add3A_125 : i32
        %dma_start3A_127 = arith.constant 0 : i32
        %dma_start3A_128 = tpu.memref_slice %arg6[%add3A_126, %dma_start3A_127] : memref<64x80xi32, #tpu.memory_space<vmem>> -> memref<1x80xi32, #tpu.memory_space<vmem>>
        %dma_start3A_129 = tpu.memref_squeeze %dma_start3A_128 : memref<1x80xi32, #tpu.memory_space<vmem>> -> memref<80xi32, #tpu.memory_space<vmem>>
        %dma_start3A_130 = arith.constant 0 : i32
        %dma_start3A_131 = arith.constant 0 : i32
        %dma_start3A_132 = tpu.memref_slice %arg2[%dma_start3A_130, %dma_start3A_131] : memref<10000x128xf32, #tpu.memory_space<hbm>> -> memref<10000x128xf32, #tpu.memory_space<hbm>>
        tpu.enqueue_indirect_dma source(%dma_start3A_132 : memref<10000x128xf32, #tpu.memory_space<hbm>>) target(%arg8 : memref<80x128xf32, #tpu.memory_space<vmem>>) offsets(%dma_start3A_129 : memref<80xi32, #tpu.memory_space<vmem>>) semaphore(%arg12 : memref<!tpu.dma_semaphore, #tpu.memory_space<semaphore_mem>>)
      } else {
      }
      %add3A_95 = arith.constant 1 : i32
      %add3A_96 = arith.addi %mul3A_82, %add3A_95 : i32
      %dma_wait3A_97 = arith.constant 0 : i32
      %dma_wait3A_98 = tpu.memref_slice %arg6[%add3A_96, %dma_wait3A_97] : memref<64x80xi32, #tpu.memory_space<vmem>> -> memref<1x80xi32, #tpu.memory_space<vmem>>
      %dma_wait3A_99 = tpu.memref_squeeze %dma_wait3A_98 : memref<1x80xi32, #tpu.memory_space<vmem>> -> memref<80xi32, #tpu.memory_space<vmem>>
      %dma_wait3A_100 = arith.constant 0 : i32
      %dma_wait3A_101 = arith.constant 0 : i32
      %dma_wait3A_102 = tpu.memref_slice %arg2[%dma_wait3A_100, %dma_wait3A_101] : memref<10000x128xf32, #tpu.memory_space<hbm>> -> memref<10000x128xf32, #tpu.memory_space<hbm>>
      tpu.wait_indirect_dma semaphore(%arg13 : memref<!tpu.dma_semaphore, #tpu.memory_space<semaphore_mem>>) src(%dma_wait3A_102 : memref<10000x128xf32, #tpu.memory_space<hbm>>) dst(%arg9 : memref<80x128xf32, #tpu.memory_space<vmem>>)
      "tpu.region"() ({
        %run_scoped3A_125 = tpu.sem_alloc : memref<!tpu.dma_semaphore, #tpu.memory_space<semaphore_mem>>
        %dma_start3A_126 = arith.constant 0 : i32
        %dma_start3A_127 = tpu.memref_slice %arg7[%add3A_96, %dma_start3A_126] : memref<64x80xi32, #tpu.memory_space<vmem>> -> memref<1x80xi32, #tpu.memory_space<vmem>>
        %dma_start3A_128 = tpu.memref_squeeze %dma_start3A_127 : memref<1x80xi32, #tpu.memory_space<vmem>> -> memref<80xi32, #tpu.memory_space<vmem>>
        %dma_start3A_129 = arith.constant 0 : i32
        %dma_start3A_130 = arith.constant 0 : i32
        %dma_start3A_131 = tpu.memref_slice %arg11[%dma_start3A_129, %dma_start3A_130] : memref<10240x128xf32, #tpu.memory_space<vmem_shared>> -> memref<10240x128xf32, #tpu.memory_space<vmem_shared>>
        tpu.enqueue_indirect_dma source(%arg9 : memref<80x128xf32, #tpu.memory_space<vmem>>) target(%dma_start3A_131 : memref<10240x128xf32, #tpu.memory_space<vmem_shared>>) offsets(%dma_start3A_128 : memref<80xi32, #tpu.memory_space<vmem>>) semaphore(%run_scoped3A_125 : memref<!tpu.dma_semaphore, #tpu.memory_space<semaphore_mem>>) {add = true}
        %dma_wait3A_132 = arith.constant 0 : i32
        %dma_wait3A_133 = tpu.memref_slice %arg7[%add3A_96, %dma_wait3A_132] : memref<64x80xi32, #tpu.memory_space<vmem>> -> memref<1x80xi32, #tpu.memory_space<vmem>>
        %dma_wait3A_134 = tpu.memref_squeeze %dma_wait3A_133 : memref<1x80xi32, #tpu.memory_space<vmem>> -> memref<80xi32, #tpu.memory_space<vmem>>
        %dma_wait3A_135 = arith.constant 0 : i32
        %dma_wait3A_136 = arith.constant 0 : i32
        %dma_wait3A_137 = tpu.memref_slice %arg11[%dma_wait3A_135, %dma_wait3A_136] : memref<10240x128xf32, #tpu.memory_space<vmem_shared>> -> memref<10240x128xf32, #tpu.memory_space<vmem_shared>>
        tpu.wait_indirect_dma semaphore(%run_scoped3A_125 : memref<!tpu.dma_semaphore, #tpu.memory_space<semaphore_mem>>) src(%arg9 : memref<80x128xf32, #tpu.memory_space<vmem>>) dst(%dma_wait3A_137 : memref<10240x128xf32, #tpu.memory_space<vmem_shared>>)
        tpu.yield
      }) : () -> ()
      %add3A_103 = arith.constant 3 : i32
      %add3A_104 = arith.addi %add3A_96, %add3A_103 : i32
      %lt3A_105 = arith.constant 64 : i32
      %lt3A_106 = arith.cmpi slt, %add3A_104, %lt3A_105 : i32
      %convert_element_type3A_107 = arith.extui %lt3A_106 : i1 to i32
      %cond3A_108 = arith.constant 0 : i32
      %cond3A_109 = arith.cmpi ne, %convert_element_type3A_107, %cond3A_108 : i32
      scf.if %cond3A_109 {
        %add3A_125 = arith.constant 3 : i32
        %add3A_126 = arith.addi %add3A_96, %add3A_125 : i32
        %dma_start3A_127 = arith.constant 0 : i32
        %dma_start3A_128 = tpu.memref_slice %arg6[%add3A_126, %dma_start3A_127] : memref<64x80xi32, #tpu.memory_space<vmem>> -> memref<1x80xi32, #tpu.memory_space<vmem>>
        %dma_start3A_129 = tpu.memref_squeeze %dma_start3A_128 : memref<1x80xi32, #tpu.memory_space<vmem>> -> memref<80xi32, #tpu.memory_space<vmem>>
        %dma_start3A_130 = arith.constant 0 : i32
        %dma_start3A_131 = arith.constant 0 : i32
        %dma_start3A_132 = tpu.memref_slice %arg2[%dma_start3A_130, %dma_start3A_131] : memref<10000x128xf32, #tpu.memory_space<hbm>> -> memref<10000x128xf32, #tpu.memory_space<hbm>>
        tpu.enqueue_indirect_dma source(%dma_start3A_132 : memref<10000x128xf32, #tpu.memory_space<hbm>>) target(%arg9 : memref<80x128xf32, #tpu.memory_space<vmem>>) offsets(%dma_start3A_129 : memref<80xi32, #tpu.memory_space<vmem>>) semaphore(%arg13 : memref<!tpu.dma_semaphore, #tpu.memory_space<semaphore_mem>>)
      } else {
      }
      %add3A_110 = arith.constant 2 : i32
      %add3A_111 = arith.addi %mul3A_82, %add3A_110 : i32
      %dma_wait3A_112 = arith.constant 0 : i32
      %dma_wait3A_113 = tpu.memref_slice %arg6[%add3A_111, %dma_wait3A_112] : memref<64x80xi32, #tpu.memory_space<vmem>> -> memref<1x80xi32, #tpu.memory_space<vmem>>
      %dma_wait3A_114 = tpu.memref_squeeze %dma_wait3A_113 : memref<1x80xi32, #tpu.memory_space<vmem>> -> memref<80xi32, #tpu.memory_space<vmem>>
      %dma_wait3A_115 = arith.constant 0 : i32
      %dma_wait3A_116 = arith.constant 0 : i32
      %dma_wait3A_117 = tpu.memref_slice %arg2[%dma_wait3A_115, %dma_wait3A_116] : memref<10000x128xf32, #tpu.memory_space<hbm>> -> memref<10000x128xf32, #tpu.memory_space<hbm>>
      tpu.wait_indirect_dma semaphore(%arg14 : memref<!tpu.dma_semaphore, #tpu.memory_space<semaphore_mem>>) src(%dma_wait3A_117 : memref<10000x128xf32, #tpu.memory_space<hbm>>) dst(%arg10 : memref<80x128xf32, #tpu.memory_space<vmem>>)
      "tpu.region"() ({
        %run_scoped3A_125 = tpu.sem_alloc : memref<!tpu.dma_semaphore, #tpu.memory_space<semaphore_mem>>
        %dma_start3A_126 = arith.constant 0 : i32
        %dma_start3A_127 = tpu.memref_slice %arg7[%add3A_111, %dma_start3A_126] : memref<64x80xi32, #tpu.memory_space<vmem>> -> memref<1x80xi32, #tpu.memory_space<vmem>>
        %dma_start3A_128 = tpu.memref_squeeze %dma_start3A_127 : memref<1x80xi32, #tpu.memory_space<vmem>> -> memref<80xi32, #tpu.memory_space<vmem>>
        %dma_start3A_129 = arith.constant 0 : i32
        %dma_start3A_130 = arith.constant 0 : i32
        %dma_start3A_131 = tpu.memref_slice %arg11[%dma_start3A_129, %dma_start3A_130] : memref<10240x128xf32, #tpu.memory_space<vmem_shared>> -> memref<10240x128xf32, #tpu.memory_space<vmem_shared>>
        tpu.enqueue_indirect_dma source(%arg10 : memref<80x128xf32, #tpu.memory_space<vmem>>) target(%dma_start3A_131 : memref<10240x128xf32, #tpu.memory_space<vmem_shared>>) offsets(%dma_start3A_128 : memref<80xi32, #tpu.memory_space<vmem>>) semaphore(%run_scoped3A_125 : memref<!tpu.dma_semaphore, #tpu.memory_space<semaphore_mem>>) {add = true}
        %dma_wait3A_132 = arith.constant 0 : i32
        %dma_wait3A_133 = tpu.memref_slice %arg7[%add3A_111, %dma_wait3A_132] : memref<64x80xi32, #tpu.memory_space<vmem>> -> memref<1x80xi32, #tpu.memory_space<vmem>>
        %dma_wait3A_134 = tpu.memref_squeeze %dma_wait3A_133 : memref<1x80xi32, #tpu.memory_space<vmem>> -> memref<80xi32, #tpu.memory_space<vmem>>
        %dma_wait3A_135 = arith.constant 0 : i32
        %dma_wait3A_136 = arith.constant 0 : i32
        %dma_wait3A_137 = tpu.memref_slice %arg11[%dma_wait3A_135, %dma_wait3A_136] : memref<10240x128xf32, #tpu.memory_space<vmem_shared>> -> memref<10240x128xf32, #tpu.memory_space<vmem_shared>>
        tpu.wait_indirect_dma semaphore(%run_scoped3A_125 : memref<!tpu.dma_semaphore, #tpu.memory_space<semaphore_mem>>) src(%arg10 : memref<80x128xf32, #tpu.memory_space<vmem>>) dst(%dma_wait3A_137 : memref<10240x128xf32, #tpu.memory_space<vmem_shared>>)
        tpu.yield
      }) : () -> ()
      %add3A_118 = arith.constant 3 : i32
      %add3A_119 = arith.addi %add3A_111, %add3A_118 : i32
      %lt3A_120 = arith.constant 64 : i32
      %lt3A_121 = arith.cmpi slt, %add3A_119, %lt3A_120 : i32
      %convert_element_type3A_122 = arith.extui %lt3A_121 : i1 to i32
      %cond3A_123 = arith.constant 0 : i32
      %cond3A_124 = arith.cmpi ne, %convert_element_type3A_122, %cond3A_123 : i32
      scf.if %cond3A_124 {
        %add3A_125 = arith.constant 3 : i32
        %add3A_126 = arith.addi %add3A_111, %add3A_125 : i32
        %dma_start3A_127 = arith.constant 0 : i32
        %dma_start3A_128 = tpu.memref_slice %arg6[%add3A_126, %dma_start3A_127] : memref<64x80xi32, #tpu.memory_space<vmem>> -> memref<1x80xi32, #tpu.memory_space<vmem>>
        %dma_start3A_129 = tpu.memref_squeeze %dma_start3A_128 : memref<1x80xi32, #tpu.memory_space<vmem>> -> memref<80xi32, #tpu.memory_space<vmem>>
        %dma_start3A_130 = arith.constant 0 : i32
        %dma_start3A_131 = arith.constant 0 : i32
        %dma_start3A_132 = tpu.memref_slice %arg2[%dma_start3A_130, %dma_start3A_131] : memref<10000x128xf32, #tpu.memory_space<hbm>> -> memref<10000x128xf32, #tpu.memory_space<hbm>>
        tpu.enqueue_indirect_dma source(%dma_start3A_132 : memref<10000x128xf32, #tpu.memory_space<hbm>>) target(%arg10 : memref<80x128xf32, #tpu.memory_space<vmem>>) offsets(%dma_start3A_129 : memref<80xi32, #tpu.memory_space<vmem>>) semaphore(%arg14 : memref<!tpu.dma_semaphore, #tpu.memory_space<semaphore_mem>>)
      } else {
      }
    }
    %scan3A_27 = arith.constant 21 : i32
    %dma_wait3A = arith.constant 63 : i32
    %dma_wait3A_28 = arith.constant 0 : i32
    %dma_wait3A_29 = tpu.memref_slice %arg6[%dma_wait3A, %dma_wait3A_28] : memref<64x80xi32, #tpu.memory_space<vmem>> -> memref<1x80xi32, #tpu.memory_space<vmem>>
    %dma_wait3A_30 = tpu.memref_squeeze %dma_wait3A_29 : memref<1x80xi32, #tpu.memory_space<vmem>> -> memref<80xi32, #tpu.memory_space<vmem>>
    %dma_wait3A_31 = arith.constant 0 : i32
    %dma_wait3A_32 = arith.constant 0 : i32
    %dma_wait3A_33 = tpu.memref_slice %arg2[%dma_wait3A_31, %dma_wait3A_32] : memref<10000x128xf32, #tpu.memory_space<hbm>> -> memref<10000x128xf32, #tpu.memory_space<hbm>>
    tpu.wait_indirect_dma semaphore(%arg12 : memref<!tpu.dma_semaphore, #tpu.memory_space<semaphore_mem>>) src(%dma_wait3A_33 : memref<10000x128xf32, #tpu.memory_space<hbm>>) dst(%arg8 : memref<80x128xf32, #tpu.memory_space<vmem>>)
    %run_scoped3A_34 = arith.constant 63 : i32
    "tpu.region"() ({
      %run_scoped3A_76 = tpu.sem_alloc : memref<!tpu.dma_semaphore, #tpu.memory_space<semaphore_mem>>
      %dma_start3A_77 = arith.constant 0 : i32
      %dma_start3A_78 = tpu.memref_slice %arg7[%run_scoped3A_34, %dma_start3A_77] : memref<64x80xi32, #tpu.memory_space<vmem>> -> memref<1x80xi32, #tpu.memory_space<vmem>>
      %dma_start3A_79 = tpu.memref_squeeze %dma_start3A_78 : memref<1x80xi32, #tpu.memory_space<vmem>> -> memref<80xi32, #tpu.memory_space<vmem>>
      %dma_start3A_80 = arith.constant 0 : i32
      %dma_start3A_81 = arith.constant 0 : i32
      %dma_start3A_82 = tpu.memref_slice %arg11[%dma_start3A_80, %dma_start3A_81] : memref<10240x128xf32, #tpu.memory_space<vmem_shared>> -> memref<10240x128xf32, #tpu.memory_space<vmem_shared>>
      tpu.enqueue_indirect_dma source(%arg8 : memref<80x128xf32, #tpu.memory_space<vmem>>) target(%dma_start3A_82 : memref<10240x128xf32, #tpu.memory_space<vmem_shared>>) offsets(%dma_start3A_79 : memref<80xi32, #tpu.memory_space<vmem>>) semaphore(%run_scoped3A_76 : memref<!tpu.dma_semaphore, #tpu.memory_space<semaphore_mem>>) {add = true}
      %dma_wait3A_83 = arith.constant 0 : i32
      %dma_wait3A_84 = tpu.memref_slice %arg7[%run_scoped3A_34, %dma_wait3A_83] : memref<64x80xi32, #tpu.memory_space<vmem>> -> memref<1x80xi32, #tpu.memory_space<vmem>>
      %dma_wait3A_85 = tpu.memref_squeeze %dma_wait3A_84 : memref<1x80xi32, #tpu.memory_space<vmem>> -> memref<80xi32, #tpu.memory_space<vmem>>
      %dma_wait3A_86 = arith.constant 0 : i32
      %dma_wait3A_87 = arith.constant 0 : i32
      %dma_wait3A_88 = tpu.memref_slice %arg11[%dma_wait3A_86, %dma_wait3A_87] : memref<10240x128xf32, #tpu.memory_space<vmem_shared>> -> memref<10240x128xf32, #tpu.memory_space<vmem_shared>>
      tpu.wait_indirect_dma semaphore(%run_scoped3A_76 : memref<!tpu.dma_semaphore, #tpu.memory_space<semaphore_mem>>) src(%arg8 : memref<80x128xf32, #tpu.memory_space<vmem>>) dst(%dma_wait3A_88 : memref<10240x128xf32, #tpu.memory_space<vmem_shared>>)
      tpu.yield
    }) : () -> ()
    %run_scoped3A_35 = arith.constant 0 : i32
    "tpu.region"() ({
      %run_scoped3A_76 = tpu.sem_alloc : memref<!tpu.dma_semaphore, #tpu.memory_space<semaphore_mem>>
      %dma_start3A_77 = arith.constant 64 : i32
      %dma_start3A_78 = arith.constant 0 : i32
      %dma_start3A_79 = tpu.memref_slice %arg3[%run_scoped3A_35, %add3A, %dma_start3A_77, %dma_start3A_78] : memref<2x32x128x80xi32, #tpu.memory_space<hbm>> -> memref<1x1x64x80xi32, #tpu.memory_space<hbm>>
      %dma_start3A_80 = tpu.memref_squeeze %dma_start3A_79 : memref<1x1x64x80xi32, #tpu.memory_space<hbm>> -> memref<64x80xi32, #tpu.memory_space<hbm>>
      %dma_start3A_81 = arith.constant 64 : i32
      %dma_start3A_82 = arith.constant 0 : i32
      %dma_start3A_83 = tpu.memref_slice %arg3[%run_scoped3A_35, %add3A, %dma_start3A_81, %dma_start3A_82] : memref<2x32x128x80xi32, #tpu.memory_space<hbm>> -> memref<1x1x64x80xi32, #tpu.memory_space<hbm>>
      %dma_start3A_84 = tpu.memref_squeeze %dma_start3A_83 : memref<1x1x64x80xi32, #tpu.memory_space<hbm>> -> memref<64x80xi32, #tpu.memory_space<hbm>>
      tpu.enqueue_dma source(%dma_start3A_84 : memref<64x80xi32, #tpu.memory_space<hbm>>) target(%arg6 : memref<64x80xi32, #tpu.memory_space<vmem>>) target_semaphore(%run_scoped3A_76 : memref<!tpu.dma_semaphore, #tpu.memory_space<semaphore_mem>>)
      %dma_wait3A_85 = arith.constant 64 : i32
      %dma_wait3A_86 = arith.constant 0 : i32
      %dma_wait3A_87 = tpu.memref_slice %arg3[%run_scoped3A_35, %add3A, %dma_wait3A_85, %dma_wait3A_86] : memref<2x32x128x80xi32, #tpu.memory_space<hbm>> -> memref<1x1x64x80xi32, #tpu.memory_space<hbm>>
      %dma_wait3A_88 = tpu.memref_squeeze %dma_wait3A_87 : memref<1x1x64x80xi32, #tpu.memory_space<hbm>> -> memref<64x80xi32, #tpu.memory_space<hbm>>
      %dma_wait3A_89 = arith.constant 64 : i32
      %dma_wait3A_90 = arith.constant 0 : i32
      %dma_wait3A_91 = tpu.memref_slice %arg3[%run_scoped3A_35, %add3A, %dma_wait3A_89, %dma_wait3A_90] : memref<2x32x128x80xi32, #tpu.memory_space<hbm>> -> memref<1x1x64x80xi32, #tpu.memory_space<hbm>>
      %dma_wait3A_92 = tpu.memref_squeeze %dma_wait3A_91 : memref<1x1x64x80xi32, #tpu.memory_space<hbm>> -> memref<64x80xi32, #tpu.memory_space<hbm>>
      tpu.wait_dma2 semaphore(%run_scoped3A_76 : memref<!tpu.dma_semaphore, #tpu.memory_space<semaphore_mem>>) src(%dma_wait3A_92 : memref<64x80xi32, #tpu.memory_space<hbm>>) dst(%arg6 : memref<64x80xi32, #tpu.memory_space<vmem>>)
      tpu.yield
    }) : () -> ()
    %run_scoped3A_36 = arith.constant 1 : i32
    "tpu.region"() ({
      %run_scoped3A_76 = tpu.sem_alloc : memref<!tpu.dma_semaphore, #tpu.memory_space<semaphore_mem>>
      %dma_start3A_77 = arith.constant 64 : i32
      %dma_start3A_78 = arith.constant 0 : i32
      %dma_start3A_79 = tpu.memref_slice %arg3[%run_scoped3A_36, %add3A, %dma_start3A_77, %dma_start3A_78] : memref<2x32x128x80xi32, #tpu.memory_space<hbm>> -> memref<1x1x64x80xi32, #tpu.memory_space<hbm>>
      %dma_start3A_80 = tpu.memref_squeeze %dma_start3A_79 : memref<1x1x64x80xi32, #tpu.memory_space<hbm>> -> memref<64x80xi32, #tpu.memory_space<hbm>>
      %dma_start3A_81 = arith.constant 64 : i32
      %dma_start3A_82 = arith.constant 0 : i32
      %dma_start3A_83 = tpu.memref_slice %arg3[%run_scoped3A_36, %add3A, %dma_start3A_81, %dma_start3A_82] : memref<2x32x128x80xi32, #tpu.memory_space<hbm>> -> memref<1x1x64x80xi32, #tpu.memory_space<hbm>>
      %dma_start3A_84 = tpu.memref_squeeze %dma_start3A_83 : memref<1x1x64x80xi32, #tpu.memory_space<hbm>> -> memref<64x80xi32, #tpu.memory_space<hbm>>
      tpu.enqueue_dma source(%dma_start3A_84 : memref<64x80xi32, #tpu.memory_space<hbm>>) target(%arg7 : memref<64x80xi32, #tpu.memory_space<vmem>>) target_semaphore(%run_scoped3A_76 : memref<!tpu.dma_semaphore, #tpu.memory_space<semaphore_mem>>)
      %dma_wait3A_85 = arith.constant 64 : i32
      %dma_wait3A_86 = arith.constant 0 : i32
      %dma_wait3A_87 = tpu.memref_slice %arg3[%run_scoped3A_36, %add3A, %dma_wait3A_85, %dma_wait3A_86] : memref<2x32x128x80xi32, #tpu.memory_space<hbm>> -> memref<1x1x64x80xi32, #tpu.memory_space<hbm>>
      %dma_wait3A_88 = tpu.memref_squeeze %dma_wait3A_87 : memref<1x1x64x80xi32, #tpu.memory_space<hbm>> -> memref<64x80xi32, #tpu.memory_space<hbm>>
      %dma_wait3A_89 = arith.constant 64 : i32
      %dma_wait3A_90 = arith.constant 0 : i32
      %dma_wait3A_91 = tpu.memref_slice %arg3[%run_scoped3A_36, %add3A, %dma_wait3A_89, %dma_wait3A_90] : memref<2x32x128x80xi32, #tpu.memory_space<hbm>> -> memref<1x1x64x80xi32, #tpu.memory_space<hbm>>
      %dma_wait3A_92 = tpu.memref_squeeze %dma_wait3A_91 : memref<1x1x64x80xi32, #tpu.memory_space<hbm>> -> memref<64x80xi32, #tpu.memory_space<hbm>>
      tpu.wait_dma2 semaphore(%run_scoped3A_76 : memref<!tpu.dma_semaphore, #tpu.memory_space<semaphore_mem>>) src(%dma_wait3A_92 : memref<64x80xi32, #tpu.memory_space<hbm>>) dst(%arg7 : memref<64x80xi32, #tpu.memory_space<vmem>>)
      tpu.yield
    }) : () -> ()
    %dma_start3A_37 = arith.constant 0 : i32
    %dma_start3A_38 = arith.constant 0 : i32
    %dma_start3A_39 = tpu.memref_slice %arg6[%dma_start3A_37, %dma_start3A_38] : memref<64x80xi32, #tpu.memory_space<vmem>> -> memref<1x80xi32, #tpu.memory_space<vmem>>
    %dma_start3A_40 = tpu.memref_squeeze %dma_start3A_39 : memref<1x80xi32, #tpu.memory_space<vmem>> -> memref<80xi32, #tpu.memory_space<vmem>>
    %dma_start3A_41 = arith.constant 0 : i32
    %dma_start3A_42 = arith.constant 0 : i32
    %dma_start3A_43 = tpu.memref_slice %arg2[%dma_start3A_41, %dma_start3A_42] : memref<10000x128xf32, #tpu.memory_space<hbm>> -> memref<10000x128xf32, #tpu.memory_space<hbm>>
    tpu.enqueue_indirect_dma source(%dma_start3A_43 : memref<10000x128xf32, #tpu.memory_space<hbm>>) target(%arg8 : memref<80x128xf32, #tpu.memory_space<vmem>>) offsets(%dma_start3A_40 : memref<80xi32, #tpu.memory_space<vmem>>) semaphore(%arg12 : memref<!tpu.dma_semaphore, #tpu.memory_space<semaphore_mem>>)
    %dma_start3A_44 = arith.constant 1 : i32
    %dma_start3A_45 = arith.constant 0 : i32
    %dma_start3A_46 = tpu.memref_slice %arg6[%dma_start3A_44, %dma_start3A_45] : memref<64x80xi32, #tpu.memory_space<vmem>> -> memref<1x80xi32, #tpu.memory_space<vmem>>
    %dma_start3A_47 = tpu.memref_squeeze %dma_start3A_46 : memref<1x80xi32, #tpu.memory_space<vmem>> -> memref<80xi32, #tpu.memory_space<vmem>>
    %dma_start3A_48 = arith.constant 0 : i32
    %dma_start3A_49 = arith.constant 0 : i32
    %dma_start3A_50 = tpu.memref_slice %arg2[%dma_start3A_48, %dma_start3A_49] : memref<10000x128xf32, #tpu.memory_space<hbm>> -> memref<10000x128xf32, #tpu.memory_space<hbm>>
    tpu.enqueue_indirect_dma source(%dma_start3A_50 : memref<10000x128xf32, #tpu.memory_space<hbm>>) target(%arg9 : memref<80x128xf32, #tpu.memory_space<vmem>>) offsets(%dma_start3A_47 : memref<80xi32, #tpu.memory_space<vmem>>) semaphore(%arg13 : memref<!tpu.dma_semaphore, #tpu.memory_space<semaphore_mem>>)
    %dma_start3A_51 = arith.constant 2 : i32
    %dma_start3A_52 = arith.constant 0 : i32
    %dma_start3A_53 = tpu.memref_slice %arg6[%dma_start3A_51, %dma_start3A_52] : memref<64x80xi32, #tpu.memory_space<vmem>> -> memref<1x80xi32, #tpu.memory_space<vmem>>
    %dma_start3A_54 = tpu.memref_squeeze %dma_start3A_53 : memref<1x80xi32, #tpu.memory_space<vmem>> -> memref<80xi32, #tpu.memory_space<vmem>>
    %dma_start3A_55 = arith.constant 0 : i32
    %dma_start3A_56 = arith.constant 0 : i32
    %dma_start3A_57 = tpu.memref_slice %arg2[%dma_start3A_55, %dma_start3A_56] : memref<10000x128xf32, #tpu.memory_space<hbm>> -> memref<10000x128xf32, #tpu.memory_space<hbm>>
    tpu.enqueue_indirect_dma source(%dma_start3A_57 : memref<10000x128xf32, #tpu.memory_space<hbm>>) target(%arg10 : memref<80x128xf32, #tpu.memory_space<vmem>>) offsets(%dma_start3A_54 : memref<80xi32, #tpu.memory_space<vmem>>) semaphore(%arg14 : memref<!tpu.dma_semaphore, #tpu.memory_space<semaphore_mem>>)
    %scan3A_58 = arith.constant 0 : i32
    %scan3A_59 = arith.constant 21 : i32
    %scan3A_60 = arith.addi %scan3A_58, %scan3A_59 : i32
    %scan3A_61 = arith.constant 1 : i32
    scf.for %scan3A_76 = %scan3A_58 to %scan3A_60 step %scan3A_61  : i32 {
      %mul3A_77 = arith.constant 1 : i32
      %mul3A_78 = arith.muli %scan3A_76, %mul3A_77 : i32
      %add3A_79 = arith.constant 0 : i32
      %add3A_80 = arith.addi %add3A_79, %mul3A_78 : i32
      %mul3A_81 = arith.constant 3 : i32
      %mul3A_82 = arith.muli %add3A_80, %mul3A_81 : i32
      %add3A_83 = arith.constant 0 : i32
      %add3A_84 = arith.addi %mul3A_82, %add3A_83 : i32
      %dma_wait3A_85 = arith.constant 0 : i32
      %dma_wait3A_86 = tpu.memref_slice %arg6[%add3A_84, %dma_wait3A_85] : memref<64x80xi32, #tpu.memory_space<vmem>> -> memref<1x80xi32, #tpu.memory_space<vmem>>
      %dma_wait3A_87 = tpu.memref_squeeze %dma_wait3A_86 : memref<1x80xi32, #tpu.memory_space<vmem>> -> memref<80xi32, #tpu.memory_space<vmem>>
      %dma_wait3A_88 = arith.constant 0 : i32
      %dma_wait3A_89 = arith.constant 0 : i32
      %dma_wait3A_90 = tpu.memref_slice %arg2[%dma_wait3A_88, %dma_wait3A_89] : memref<10000x128xf32, #tpu.memory_space<hbm>> -> memref<10000x128xf32, #tpu.memory_space<hbm>>
      tpu.wait_indirect_dma semaphore(%arg12 : memref<!tpu.dma_semaphore, #tpu.memory_space<semaphore_mem>>) src(%dma_wait3A_90 : memref<10000x128xf32, #tpu.memory_space<hbm>>) dst(%arg8 : memref<80x128xf32, #tpu.memory_space<vmem>>)
      "tpu.region"() ({
        %run_scoped3A_125 = tpu.sem_alloc : memref<!tpu.dma_semaphore, #tpu.memory_space<semaphore_mem>>
        %dma_start3A_126 = arith.constant 0 : i32
        %dma_start3A_127 = tpu.memref_slice %arg7[%add3A_84, %dma_start3A_126] : memref<64x80xi32, #tpu.memory_space<vmem>> -> memref<1x80xi32, #tpu.memory_space<vmem>>
        %dma_start3A_128 = tpu.memref_squeeze %dma_start3A_127 : memref<1x80xi32, #tpu.memory_space<vmem>> -> memref<80xi32, #tpu.memory_space<vmem>>
        %dma_start3A_129 = arith.constant 0 : i32
        %dma_start3A_130 = arith.constant 0 : i32
        %dma_start3A_131 = tpu.memref_slice %arg11[%dma_start3A_129, %dma_start3A_130] : memref<10240x128xf32, #tpu.memory_space<vmem_shared>> -> memref<10240x128xf32, #tpu.memory_space<vmem_shared>>
        tpu.enqueue_indirect_dma source(%arg8 : memref<80x128xf32, #tpu.memory_space<vmem>>) target(%dma_start3A_131 : memref<10240x128xf32, #tpu.memory_space<vmem_shared>>) offsets(%dma_start3A_128 : memref<80xi32, #tpu.memory_space<vmem>>) semaphore(%run_scoped3A_125 : memref<!tpu.dma_semaphore, #tpu.memory_space<semaphore_mem>>) {add = true}
        %dma_wait3A_132 = arith.constant 0 : i32
        %dma_wait3A_133 = tpu.memref_slice %arg7[%add3A_84, %dma_wait3A_132] : memref<64x80xi32, #tpu.memory_space<vmem>> -> memref<1x80xi32, #tpu.memory_space<vmem>>
        %dma_wait3A_134 = tpu.memref_squeeze %dma_wait3A_133 : memref<1x80xi32, #tpu.memory_space<vmem>> -> memref<80xi32, #tpu.memory_space<vmem>>
        %dma_wait3A_135 = arith.constant 0 : i32
        %dma_wait3A_136 = arith.constant 0 : i32
        %dma_wait3A_137 = tpu.memref_slice %arg11[%dma_wait3A_135, %dma_wait3A_136] : memref<10240x128xf32, #tpu.memory_space<vmem_shared>> -> memref<10240x128xf32, #tpu.memory_space<vmem_shared>>
        tpu.wait_indirect_dma semaphore(%run_scoped3A_125 : memref<!tpu.dma_semaphore, #tpu.memory_space<semaphore_mem>>) src(%arg8 : memref<80x128xf32, #tpu.memory_space<vmem>>) dst(%dma_wait3A_137 : memref<10240x128xf32, #tpu.memory_space<vmem_shared>>)
        tpu.yield
      }) : () -> ()
      %add3A_91 = arith.constant 3 : i32
      %add3A_92 = arith.addi %add3A_84, %add3A_91 : i32
      %lt3A = arith.constant 64 : i32
      %lt3A_93 = arith.cmpi slt, %add3A_92, %lt3A : i32
      %convert_element_type3A = arith.extui %lt3A_93 : i1 to i32
      %cond3A = arith.constant 0 : i32
      %cond3A_94 = arith.cmpi ne, %convert_element_type3A, %cond3A : i32
      scf.if %cond3A_94 {
        %add3A_125 = arith.constant 3 : i32
        %add3A_126 = arith.addi %add3A_84, %add3A_125 : i32
        %dma_start3A_127 = arith.constant 0 : i32
        %dma_start3A_128 = tpu.memref_slice %arg6[%add3A_126, %dma_start3A_127] : memref<64x80xi32, #tpu.memory_space<vmem>> -> memref<1x80xi32, #tpu.memory_space<vmem>>
        %dma_start3A_129 = tpu.memref_squeeze %dma_start3A_128 : memref<1x80xi32, #tpu.memory_space<vmem>> -> memref<80xi32, #tpu.memory_space<vmem>>
        %dma_start3A_130 = arith.constant 0 : i32
        %dma_start3A_131 = arith.constant 0 : i32
        %dma_start3A_132 = tpu.memref_slice %arg2[%dma_start3A_130, %dma_start3A_131] : memref<10000x128xf32, #tpu.memory_space<hbm>> -> memref<10000x128xf32, #tpu.memory_space<hbm>>
        tpu.enqueue_indirect_dma source(%dma_start3A_132 : memref<10000x128xf32, #tpu.memory_space<hbm>>) target(%arg8 : memref<80x128xf32, #tpu.memory_space<vmem>>) offsets(%dma_start3A_129 : memref<80xi32, #tpu.memory_space<vmem>>) semaphore(%arg12 : memref<!tpu.dma_semaphore, #tpu.memory_space<semaphore_mem>>)
      } else {
      }
      %add3A_95 = arith.constant 1 : i32
      %add3A_96 = arith.addi %mul3A_82, %add3A_95 : i32
      %dma_wait3A_97 = arith.constant 0 : i32
      %dma_wait3A_98 = tpu.memref_slice %arg6[%add3A_96, %dma_wait3A_97] : memref<64x80xi32, #tpu.memory_space<vmem>> -> memref<1x80xi32, #tpu.memory_space<vmem>>
      %dma_wait3A_99 = tpu.memref_squeeze %dma_wait3A_98 : memref<1x80xi32, #tpu.memory_space<vmem>> -> memref<80xi32, #tpu.memory_space<vmem>>
      %dma_wait3A_100 = arith.constant 0 : i32
      %dma_wait3A_101 = arith.constant 0 : i32
      %dma_wait3A_102 = tpu.memref_slice %arg2[%dma_wait3A_100, %dma_wait3A_101] : memref<10000x128xf32, #tpu.memory_space<hbm>> -> memref<10000x128xf32, #tpu.memory_space<hbm>>
      tpu.wait_indirect_dma semaphore(%arg13 : memref<!tpu.dma_semaphore, #tpu.memory_space<semaphore_mem>>) src(%dma_wait3A_102 : memref<10000x128xf32, #tpu.memory_space<hbm>>) dst(%arg9 : memref<80x128xf32, #tpu.memory_space<vmem>>)
      "tpu.region"() ({
        %run_scoped3A_125 = tpu.sem_alloc : memref<!tpu.dma_semaphore, #tpu.memory_space<semaphore_mem>>
        %dma_start3A_126 = arith.constant 0 : i32
        %dma_start3A_127 = tpu.memref_slice %arg7[%add3A_96, %dma_start3A_126] : memref<64x80xi32, #tpu.memory_space<vmem>> -> memref<1x80xi32, #tpu.memory_space<vmem>>
        %dma_start3A_128 = tpu.memref_squeeze %dma_start3A_127 : memref<1x80xi32, #tpu.memory_space<vmem>> -> memref<80xi32, #tpu.memory_space<vmem>>
        %dma_start3A_129 = arith.constant 0 : i32
        %dma_start3A_130 = arith.constant 0 : i32
        %dma_start3A_131 = tpu.memref_slice %arg11[%dma_start3A_129, %dma_start3A_130] : memref<10240x128xf32, #tpu.memory_space<vmem_shared>> -> memref<10240x128xf32, #tpu.memory_space<vmem_shared>>
        tpu.enqueue_indirect_dma source(%arg9 : memref<80x128xf32, #tpu.memory_space<vmem>>) target(%dma_start3A_131 : memref<10240x128xf32, #tpu.memory_space<vmem_shared>>) offsets(%dma_start3A_128 : memref<80xi32, #tpu.memory_space<vmem>>) semaphore(%run_scoped3A_125 : memref<!tpu.dma_semaphore, #tpu.memory_space<semaphore_mem>>) {add = true}
        %dma_wait3A_132 = arith.constant 0 : i32
        %dma_wait3A_133 = tpu.memref_slice %arg7[%add3A_96, %dma_wait3A_132] : memref<64x80xi32, #tpu.memory_space<vmem>> -> memref<1x80xi32, #tpu.memory_space<vmem>>
        %dma_wait3A_134 = tpu.memref_squeeze %dma_wait3A_133 : memref<1x80xi32, #tpu.memory_space<vmem>> -> memref<80xi32, #tpu.memory_space<vmem>>
        %dma_wait3A_135 = arith.constant 0 : i32
        %dma_wait3A_136 = arith.constant 0 : i32
        %dma_wait3A_137 = tpu.memref_slice %arg11[%dma_wait3A_135, %dma_wait3A_136] : memref<10240x128xf32, #tpu.memory_space<vmem_shared>> -> memref<10240x128xf32, #tpu.memory_space<vmem_shared>>
        tpu.wait_indirect_dma semaphore(%run_scoped3A_125 : memref<!tpu.dma_semaphore, #tpu.memory_space<semaphore_mem>>) src(%arg9 : memref<80x128xf32, #tpu.memory_space<vmem>>) dst(%dma_wait3A_137 : memref<10240x128xf32, #tpu.memory_space<vmem_shared>>)
        tpu.yield
      }) : () -> ()
      %add3A_103 = arith.constant 3 : i32
      %add3A_104 = arith.addi %add3A_96, %add3A_103 : i32
      %lt3A_105 = arith.constant 64 : i32
      %lt3A_106 = arith.cmpi slt, %add3A_104, %lt3A_105 : i32
      %convert_element_type3A_107 = arith.extui %lt3A_106 : i1 to i32
      %cond3A_108 = arith.constant 0 : i32
      %cond3A_109 = arith.cmpi ne, %convert_element_type3A_107, %cond3A_108 : i32
      scf.if %cond3A_109 {
        %add3A_125 = arith.constant 3 : i32
        %add3A_126 = arith.addi %add3A_96, %add3A_125 : i32
        %dma_start3A_127 = arith.constant 0 : i32
        %dma_start3A_128 = tpu.memref_slice %arg6[%add3A_126, %dma_start3A_127] : memref<64x80xi32, #tpu.memory_space<vmem>> -> memref<1x80xi32, #tpu.memory_space<vmem>>
        %dma_start3A_129 = tpu.memref_squeeze %dma_start3A_128 : memref<1x80xi32, #tpu.memory_space<vmem>> -> memref<80xi32, #tpu.memory_space<vmem>>
        %dma_start3A_130 = arith.constant 0 : i32
        %dma_start3A_131 = arith.constant 0 : i32
        %dma_start3A_132 = tpu.memref_slice %arg2[%dma_start3A_130, %dma_start3A_131] : memref<10000x128xf32, #tpu.memory_space<hbm>> -> memref<10000x128xf32, #tpu.memory_space<hbm>>
        tpu.enqueue_indirect_dma source(%dma_start3A_132 : memref<10000x128xf32, #tpu.memory_space<hbm>>) target(%arg9 : memref<80x128xf32, #tpu.memory_space<vmem>>) offsets(%dma_start3A_129 : memref<80xi32, #tpu.memory_space<vmem>>) semaphore(%arg13 : memref<!tpu.dma_semaphore, #tpu.memory_space<semaphore_mem>>)
      } else {
      }
      %add3A_110 = arith.constant 2 : i32
      %add3A_111 = arith.addi %mul3A_82, %add3A_110 : i32
      %dma_wait3A_112 = arith.constant 0 : i32
      %dma_wait3A_113 = tpu.memref_slice %arg6[%add3A_111, %dma_wait3A_112] : memref<64x80xi32, #tpu.memory_space<vmem>> -> memref<1x80xi32, #tpu.memory_space<vmem>>
      %dma_wait3A_114 = tpu.memref_squeeze %dma_wait3A_113 : memref<1x80xi32, #tpu.memory_space<vmem>> -> memref<80xi32, #tpu.memory_space<vmem>>
      %dma_wait3A_115 = arith.constant 0 : i32
      %dma_wait3A_116 = arith.constant 0 : i32
      %dma_wait3A_117 = tpu.memref_slice %arg2[%dma_wait3A_115, %dma_wait3A_116] : memref<10000x128xf32, #tpu.memory_space<hbm>> -> memref<10000x128xf32, #tpu.memory_space<hbm>>
      tpu.wait_indirect_dma semaphore(%arg14 : memref<!tpu.dma_semaphore, #tpu.memory_space<semaphore_mem>>) src(%dma_wait3A_117 : memref<10000x128xf32, #tpu.memory_space<hbm>>) dst(%arg10 : memref<80x128xf32, #tpu.memory_space<vmem>>)
      "tpu.region"() ({
        %run_scoped3A_125 = tpu.sem_alloc : memref<!tpu.dma_semaphore, #tpu.memory_space<semaphore_mem>>
        %dma_start3A_126 = arith.constant 0 : i32
        %dma_start3A_127 = tpu.memref_slice %arg7[%add3A_111, %dma_start3A_126] : memref<64x80xi32, #tpu.memory_space<vmem>> -> memref<1x80xi32, #tpu.memory_space<vmem>>
        %dma_start3A_128 = tpu.memref_squeeze %dma_start3A_127 : memref<1x80xi32, #tpu.memory_space<vmem>> -> memref<80xi32, #tpu.memory_space<vmem>>
        %dma_start3A_129 = arith.constant 0 : i32
        %dma_start3A_130 = arith.constant 0 : i32
        %dma_start3A_131 = tpu.memref_slice %arg11[%dma_start3A_129, %dma_start3A_130] : memref<10240x128xf32, #tpu.memory_space<vmem_shared>> -> memref<10240x128xf32, #tpu.memory_space<vmem_shared>>
        tpu.enqueue_indirect_dma source(%arg10 : memref<80x128xf32, #tpu.memory_space<vmem>>) target(%dma_start3A_131 : memref<10240x128xf32, #tpu.memory_space<vmem_shared>>) offsets(%dma_start3A_128 : memref<80xi32, #tpu.memory_space<vmem>>) semaphore(%run_scoped3A_125 : memref<!tpu.dma_semaphore, #tpu.memory_space<semaphore_mem>>) {add = true}
        %dma_wait3A_132 = arith.constant 0 : i32
        %dma_wait3A_133 = tpu.memref_slice %arg7[%add3A_111, %dma_wait3A_132] : memref<64x80xi32, #tpu.memory_space<vmem>> -> memref<1x80xi32, #tpu.memory_space<vmem>>
        %dma_wait3A_134 = tpu.memref_squeeze %dma_wait3A_133 : memref<1x80xi32, #tpu.memory_space<vmem>> -> memref<80xi32, #tpu.memory_space<vmem>>
        %dma_wait3A_135 = arith.constant 0 : i32
        %dma_wait3A_136 = arith.constant 0 : i32
        %dma_wait3A_137 = tpu.memref_slice %arg11[%dma_wait3A_135, %dma_wait3A_136] : memref<10240x128xf32, #tpu.memory_space<vmem_shared>> -> memref<10240x128xf32, #tpu.memory_space<vmem_shared>>
        tpu.wait_indirect_dma semaphore(%run_scoped3A_125 : memref<!tpu.dma_semaphore, #tpu.memory_space<semaphore_mem>>) src(%arg10 : memref<80x128xf32, #tpu.memory_space<vmem>>) dst(%dma_wait3A_137 : memref<10240x128xf32, #tpu.memory_space<vmem_shared>>)
        tpu.yield
      }) : () -> ()
      %add3A_118 = arith.constant 3 : i32
      %add3A_119 = arith.addi %add3A_111, %add3A_118 : i32
      %lt3A_120 = arith.constant 64 : i32
      %lt3A_121 = arith.cmpi slt, %add3A_119, %lt3A_120 : i32
      %convert_element_type3A_122 = arith.extui %lt3A_121 : i1 to i32
      %cond3A_123 = arith.constant 0 : i32
      %cond3A_124 = arith.cmpi ne, %convert_element_type3A_122, %cond3A_123 : i32
      scf.if %cond3A_124 {
        %add3A_125 = arith.constant 3 : i32
        %add3A_126 = arith.addi %add3A_111, %add3A_125 : i32
        %dma_start3A_127 = arith.constant 0 : i32
        %dma_start3A_128 = tpu.memref_slice %arg6[%add3A_126, %dma_start3A_127] : memref<64x80xi32, #tpu.memory_space<vmem>> -> memref<1x80xi32, #tpu.memory_space<vmem>>
        %dma_start3A_129 = tpu.memref_squeeze %dma_start3A_128 : memref<1x80xi32, #tpu.memory_space<vmem>> -> memref<80xi32, #tpu.memory_space<vmem>>
        %dma_start3A_130 = arith.constant 0 : i32
        %dma_start3A_131 = arith.constant 0 : i32
        %dma_start3A_132 = tpu.memref_slice %arg2[%dma_start3A_130, %dma_start3A_131] : memref<10000x128xf32, #tpu.memory_space<hbm>> -> memref<10000x128xf32, #tpu.memory_space<hbm>>
        tpu.enqueue_indirect_dma source(%dma_start3A_132 : memref<10000x128xf32, #tpu.memory_space<hbm>>) target(%arg10 : memref<80x128xf32, #tpu.memory_space<vmem>>) offsets(%dma_start3A_129 : memref<80xi32, #tpu.memory_space<vmem>>) semaphore(%arg14 : memref<!tpu.dma_semaphore, #tpu.memory_space<semaphore_mem>>)
      } else {
      }
    }
    %scan3A_62 = arith.constant 21 : i32
    %dma_wait3A_63 = arith.constant 63 : i32
    %dma_wait3A_64 = arith.constant 0 : i32
    %dma_wait3A_65 = tpu.memref_slice %arg6[%dma_wait3A_63, %dma_wait3A_64] : memref<64x80xi32, #tpu.memory_space<vmem>> -> memref<1x80xi32, #tpu.memory_space<vmem>>
    %dma_wait3A_66 = tpu.memref_squeeze %dma_wait3A_65 : memref<1x80xi32, #tpu.memory_space<vmem>> -> memref<80xi32, #tpu.memory_space<vmem>>
    %dma_wait3A_67 = arith.constant 0 : i32
    %dma_wait3A_68 = arith.constant 0 : i32
    %dma_wait3A_69 = tpu.memref_slice %arg2[%dma_wait3A_67, %dma_wait3A_68] : memref<10000x128xf32, #tpu.memory_space<hbm>> -> memref<10000x128xf32, #tpu.memory_space<hbm>>
    tpu.wait_indirect_dma semaphore(%arg12 : memref<!tpu.dma_semaphore, #tpu.memory_space<semaphore_mem>>) src(%dma_wait3A_69 : memref<10000x128xf32, #tpu.memory_space<hbm>>) dst(%arg8 : memref<80x128xf32, #tpu.memory_space<vmem>>)
    %run_scoped3A_70 = arith.constant 63 : i32
    "tpu.region"() ({
      %run_scoped3A_76 = tpu.sem_alloc : memref<!tpu.dma_semaphore, #tpu.memory_space<semaphore_mem>>
      %dma_start3A_77 = arith.constant 0 : i32
      %dma_start3A_78 = tpu.memref_slice %arg7[%run_scoped3A_70, %dma_start3A_77] : memref<64x80xi32, #tpu.memory_space<vmem>> -> memref<1x80xi32, #tpu.memory_space<vmem>>
      %dma_start3A_79 = tpu.memref_squeeze %dma_start3A_78 : memref<1x80xi32, #tpu.memory_space<vmem>> -> memref<80xi32, #tpu.memory_space<vmem>>
      %dma_start3A_80 = arith.constant 0 : i32
      %dma_start3A_81 = arith.constant 0 : i32
      %dma_start3A_82 = tpu.memref_slice %arg11[%dma_start3A_80, %dma_start3A_81] : memref<10240x128xf32, #tpu.memory_space<vmem_shared>> -> memref<10240x128xf32, #tpu.memory_space<vmem_shared>>
      tpu.enqueue_indirect_dma source(%arg8 : memref<80x128xf32, #tpu.memory_space<vmem>>) target(%dma_start3A_82 : memref<10240x128xf32, #tpu.memory_space<vmem_shared>>) offsets(%dma_start3A_79 : memref<80xi32, #tpu.memory_space<vmem>>) semaphore(%run_scoped3A_76 : memref<!tpu.dma_semaphore, #tpu.memory_space<semaphore_mem>>) {add = true}
      %dma_wait3A_83 = arith.constant 0 : i32
      %dma_wait3A_84 = tpu.memref_slice %arg7[%run_scoped3A_70, %dma_wait3A_83] : memref<64x80xi32, #tpu.memory_space<vmem>> -> memref<1x80xi32, #tpu.memory_space<vmem>>
      %dma_wait3A_85 = tpu.memref_squeeze %dma_wait3A_84 : memref<1x80xi32, #tpu.memory_space<vmem>> -> memref<80xi32, #tpu.memory_space<vmem>>
      %dma_wait3A_86 = arith.constant 0 : i32
      %dma_wait3A_87 = arith.constant 0 : i32
      %dma_wait3A_88 = tpu.memref_slice %arg11[%dma_wait3A_86, %dma_wait3A_87] : memref<10240x128xf32, #tpu.memory_space<vmem_shared>> -> memref<10240x128xf32, #tpu.memory_space<vmem_shared>>
      tpu.wait_indirect_dma semaphore(%run_scoped3A_76 : memref<!tpu.dma_semaphore, #tpu.memory_space<semaphore_mem>>) src(%arg8 : memref<80x128xf32, #tpu.memory_space<vmem>>) dst(%dma_wait3A_88 : memref<10240x128xf32, #tpu.memory_space<vmem_shared>>)
      tpu.yield
    }) : () -> ()
    %barrier3A_71 = arith.constant 0 : index
    tpu.barrier barrier_id(%barrier3A_71)
    %mul3A_72 = arith.constant 640 : i32
    %mul3A_73 = arith.muli %arg1, %mul3A_72 : i32
    %mul3A_74 = arith.constant 640 : i32
    %mul3A_75 = arith.muli %arg1, %mul3A_74 : i32
    "tpu.region"() ({
      %run_scoped3A_76 = tpu.sem_alloc : memref<!tpu.dma_semaphore, #tpu.memory_space<semaphore_mem>>
      %dma_start3A_77 = arith.constant 0 : i32
      %dma_start3A_78 = tpu.memref_slice %arg5[%arg0, %mul3A_75, %dma_start3A_77] : memref<2x10240x128xf32, #tpu.memory_space<hbm>> -> memref<1x640x128xf32, #tpu.memory_space<hbm>>
      %dma_start3A_79 = tpu.memref_squeeze %dma_start3A_78 : memref<1x640x128xf32, #tpu.memory_space<hbm>> -> memref<640x128xf32, #tpu.memory_space<hbm>>
      %dma_start3A_80 = arith.constant 0 : i32
      %dma_start3A_81 = tpu.memref_slice %arg11[%mul3A_73, %dma_start3A_80] : memref<10240x128xf32, #tpu.memory_space<vmem_shared>> -> memref<640x128xf32, #tpu.memory_space<vmem_shared>>
      tpu.enqueue_dma source(%dma_start3A_81 : memref<640x128xf32, #tpu.memory_space<vmem_shared>>) target(%dma_start3A_79 : memref<640x128xf32, #tpu.memory_space<hbm>>) target_semaphore(%run_scoped3A_76 : memref<!tpu.dma_semaphore, #tpu.memory_space<semaphore_mem>>)
      %dma_wait3A_82 = arith.constant 0 : i32
      %dma_wait3A_83 = tpu.memref_slice %arg5[%arg0, %mul3A_75, %dma_wait3A_82] : memref<2x10240x128xf32, #tpu.memory_space<hbm>> -> memref<1x640x128xf32, #tpu.memory_space<hbm>>
      %dma_wait3A_84 = tpu.memref_squeeze %dma_wait3A_83 : memref<1x640x128xf32, #tpu.memory_space<hbm>> -> memref<640x128xf32, #tpu.memory_space<hbm>>
      %dma_wait3A_85 = arith.constant 0 : i32
      %dma_wait3A_86 = tpu.memref_slice %arg11[%mul3A_73, %dma_wait3A_85] : memref<10240x128xf32, #tpu.memory_space<vmem_shared>> -> memref<640x128xf32, #tpu.memory_space<vmem_shared>>
      tpu.wait_dma2 semaphore(%run_scoped3A_76 : memref<!tpu.dma_semaphore, #tpu.memory_space<semaphore_mem>>) src(%dma_wait3A_86 : memref<640x128xf32, #tpu.memory_space<vmem_shared>>) dst(%dma_wait3A_84 : memref<640x128xf32, #tpu.memory_space<hbm>>)
      tpu.yield
    }) : () -> ()
    return
  }
}

#map = affine_map<(d0, d1) -> (0, 0)>
#map1 = affine_map<(d0, d1) -> (0, 0, 0, 0)>
#map2 = affine_map<(d0, d1) -> (0, 0, 0)>
module attributes {stable_mosaic.version = 14 : i64} {
  func.func @k(%arg0: i32, %arg1: i32, %arg2: memref<10000x128xf32, #tpu.memory_space<hbm>>, %arg3: memref<2x32x128x80xi32, #tpu.memory_space<hbm>>, %arg4: memref<640x128xf32, #tpu.memory_space<hbm>>, %arg5: memref<2x10240x128xf32, #tpu.memory_space<hbm>>, %arg6: memref<64x80xi32, #tpu.memory_space<vmem>>, %arg7: memref<64x80xi32, #tpu.memory_space<vmem>>, %arg8: memref<80x128xf32, #tpu.memory_space<vmem>>, %arg9: memref<80x128xf32, #tpu.memory_space<vmem>>, %arg10: memref<80x128xf32, #tpu.memory_space<vmem>>, %arg11: memref<10240x128xf32, #tpu.memory_space<vmem_shared>>, %arg12: memref<!tpu.dma_semaphore, #tpu.memory_space<semaphore_mem>>, %arg13: memref<!tpu.dma_semaphore, #tpu.memory_space<semaphore_mem>>, %arg14: memref<!tpu.dma_semaphore, #tpu.memory_space<semaphore_mem>>) attributes {dimension_semantics = [#tpu.dimension_semantics<core_parallel>, #tpu.dimension_semantics<subcore_parallel>], iteration_bounds = array<i64: 2, 16>, scalar_prefetch = 0 : i64, scratch_operands = 9 : i64, tpu.core_type = #tpu.core_type<sc_vector_subcore>, window_params = [{transform_indices = #map}, {transform_indices = #map1}, {transform_indices = #map}, {transform_indices = #map2}]} {
    %mul3A = arith.constant 2 : i32
    %mul3A_0 = arith.muli %arg1, %mul3A : i32
    %add3A = arith.addi %mul3A_0, %arg0 : i32
    %mul3A_1 = arith.constant 640 : i32
    %mul3A_2 = arith.muli %arg1, %mul3A_1 : i32
    "tpu.region"() ({
      %run_scoped3A_76 = tpu.sem_alloc : memref<!tpu.dma_semaphore, #tpu.memory_space<semaphore_mem>>
      %dma_start3A_77 = arith.constant 0 : i32
      %dma_start3A_78 = tpu.memref_slice %arg11[%mul3A_2, %dma_start3A_77] : memref<10240x128xf32, #tpu.memory_space<vmem_shared>> -> memref<640x128xf32, #tpu.memory_space<vmem_shared>>
      tpu.enqueue_dma source(%arg4 : memref<640x128xf32, #tpu.memory_space<hbm>>) target(%dma_start3A_78 : memref<640x128xf32, #tpu.memory_space<vmem_shared>>) target_semaphore(%run_scoped3A_76 : memref<!tpu.dma_semaphore, #tpu.memory_space<semaphore_mem>>)
      %dma_wait3A_79 = arith.constant 0 : i32
      %dma_wait3A_80 = tpu.memref_slice %arg11[%mul3A_2, %dma_wait3A_79] : memref<10240x128xf32, #tpu.memory_space<vmem_shared>> -> memref<640x128xf32, #tpu.memory_space<vmem_shared>>
      tpu.wait_dma2 semaphore(%run_scoped3A_76 : memref<!tpu.dma_semaphore, #tpu.memory_space<semaphore_mem>>) src(%arg4 : memref<640x128xf32, #tpu.memory_space<hbm>>) dst(%dma_wait3A_80 : memref<640x128xf32, #tpu.memory_space<vmem_shared>>)
      tpu.yield
    }) : () -> ()
    %barrier3A = arith.constant 0 : index
    tpu.barrier barrier_id(%barrier3A)
    %run_scoped3A = arith.constant 0 : i32
    "tpu.region"() ({
      %run_scoped3A_76 = tpu.sem_alloc : memref<!tpu.dma_semaphore, #tpu.memory_space<semaphore_mem>>
      %dma_start3A_77 = arith.constant 0 : i32
      %dma_start3A_78 = arith.constant 0 : i32
      %dma_start3A_79 = tpu.memref_slice %arg3[%run_scoped3A, %add3A, %dma_start3A_77, %dma_start3A_78] : memref<2x32x128x80xi32, #tpu.memory_space<hbm>> -> memref<1x1x64x80xi32, #tpu.memory_space<hbm>>
      %dma_start3A_80 = tpu.memref_squeeze %dma_start3A_79 : memref<1x1x64x80xi32, #tpu.memory_space<hbm>> -> memref<64x80xi32, #tpu.memory_space<hbm>>
      %dma_start3A_81 = arith.constant 0 : i32
      %dma_start3A_82 = arith.constant 0 : i32
      %dma_start3A_83 = tpu.memref_slice %arg3[%run_scoped3A, %add3A, %dma_start3A_81, %dma_start3A_82] : memref<2x32x128x80xi32, #tpu.memory_space<hbm>> -> memref<1x1x64x80xi32, #tpu.memory_space<hbm>>
      %dma_start3A_84 = tpu.memref_squeeze %dma_start3A_83 : memref<1x1x64x80xi32, #tpu.memory_space<hbm>> -> memref<64x80xi32, #tpu.memory_space<hbm>>
      tpu.enqueue_dma source(%dma_start3A_84 : memref<64x80xi32, #tpu.memory_space<hbm>>) target(%arg6 : memref<64x80xi32, #tpu.memory_space<vmem>>) target_semaphore(%run_scoped3A_76 : memref<!tpu.dma_semaphore, #tpu.memory_space<semaphore_mem>>)
      %dma_wait3A_85 = arith.constant 0 : i32
      %dma_wait3A_86 = arith.constant 0 : i32
      %dma_wait3A_87 = tpu.memref_slice %arg3[%run_scoped3A, %add3A, %dma_wait3A_85, %dma_wait3A_86] : memref<2x32x128x80xi32, #tpu.memory_space<hbm>> -> memref<1x1x64x80xi32, #tpu.memory_space<hbm>>
      %dma_wait3A_88 = tpu.memref_squeeze %dma_wait3A_87 : memref<1x1x64x80xi32, #tpu.memory_space<hbm>> -> memref<64x80xi32, #tpu.memory_space<hbm>>
      %dma_wait3A_89 = arith.constant 0 : i32
      %dma_wait3A_90 = arith.constant 0 : i32
      %dma_wait3A_91 = tpu.memref_slice %arg3[%run_scoped3A, %add3A, %dma_wait3A_89, %dma_wait3A_90] : memref<2x32x128x80xi32, #tpu.memory_space<hbm>> -> memref<1x1x64x80xi32, #tpu.memory_space<hbm>>
      %dma_wait3A_92 = tpu.memref_squeeze %dma_wait3A_91 : memref<1x1x64x80xi32, #tpu.memory_space<hbm>> -> memref<64x80xi32, #tpu.memory_space<hbm>>
      tpu.wait_dma2 semaphore(%run_scoped3A_76 : memref<!tpu.dma_semaphore, #tpu.memory_space<semaphore_mem>>) src(%dma_wait3A_92 : memref<64x80xi32, #tpu.memory_space<hbm>>) dst(%arg6 : memref<64x80xi32, #tpu.memory_space<vmem>>)
      tpu.yield
    }) : () -> ()
    %run_scoped3A_3 = arith.constant 1 : i32
    "tpu.region"() ({
      %run_scoped3A_76 = tpu.sem_alloc : memref<!tpu.dma_semaphore, #tpu.memory_space<semaphore_mem>>
      %dma_start3A_77 = arith.constant 0 : i32
      %dma_start3A_78 = arith.constant 0 : i32
      %dma_start3A_79 = tpu.memref_slice %arg3[%run_scoped3A_3, %add3A, %dma_start3A_77, %dma_start3A_78] : memref<2x32x128x80xi32, #tpu.memory_space<hbm>> -> memref<1x1x64x80xi32, #tpu.memory_space<hbm>>
      %dma_start3A_80 = tpu.memref_squeeze %dma_start3A_79 : memref<1x1x64x80xi32, #tpu.memory_space<hbm>> -> memref<64x80xi32, #tpu.memory_space<hbm>>
      %dma_start3A_81 = arith.constant 0 : i32
      %dma_start3A_82 = arith.constant 0 : i32
      %dma_start3A_83 = tpu.memref_slice %arg3[%run_scoped3A_3, %add3A, %dma_start3A_81, %dma_start3A_82] : memref<2x32x128x80xi32, #tpu.memory_space<hbm>> -> memref<1x1x64x80xi32, #tpu.memory_space<hbm>>
      %dma_start3A_84 = tpu.memref_squeeze %dma_start3A_83 : memref<1x1x64x80xi32, #tpu.memory_space<hbm>> -> memref<64x80xi32, #tpu.memory_space<hbm>>
      tpu.enqueue_dma source(%dma_start3A_84 : memref<64x80xi32, #tpu.memory_space<hbm>>) target(%arg7 : memref<64x80xi32, #tpu.memory_space<vmem>>) target_semaphore(%run_scoped3A_76 : memref<!tpu.dma_semaphore, #tpu.memory_space<semaphore_mem>>)
      %dma_wait3A_85 = arith.constant 0 : i32
      %dma_wait3A_86 = arith.constant 0 : i32
      %dma_wait3A_87 = tpu.memref_slice %arg3[%run_scoped3A_3, %add3A, %dma_wait3A_85, %dma_wait3A_86] : memref<2x32x128x80xi32, #tpu.memory_space<hbm>> -> memref<1x1x64x80xi32, #tpu.memory_space<hbm>>
      %dma_wait3A_88 = tpu.memref_squeeze %dma_wait3A_87 : memref<1x1x64x80xi32, #tpu.memory_space<hbm>> -> memref<64x80xi32, #tpu.memory_space<hbm>>
      %dma_wait3A_89 = arith.constant 0 : i32
      %dma_wait3A_90 = arith.constant 0 : i32
      %dma_wait3A_91 = tpu.memref_slice %arg3[%run_scoped3A_3, %add3A, %dma_wait3A_89, %dma_wait3A_90] : memref<2x32x128x80xi32, #tpu.memory_space<hbm>> -> memref<1x1x64x80xi32, #tpu.memory_space<hbm>>
      %dma_wait3A_92 = tpu.memref_squeeze %dma_wait3A_91 : memref<1x1x64x80xi32, #tpu.memory_space<hbm>> -> memref<64x80xi32, #tpu.memory_space<hbm>>
      tpu.wait_dma2 semaphore(%run_scoped3A_76 : memref<!tpu.dma_semaphore, #tpu.memory_space<semaphore_mem>>) src(%dma_wait3A_92 : memref<64x80xi32, #tpu.memory_space<hbm>>) dst(%arg7 : memref<64x80xi32, #tpu.memory_space<vmem>>)
      tpu.yield
    }) : () -> ()
    %dma_start3A = arith.constant 0 : i32
    %dma_start3A_4 = arith.constant 0 : i32
    %dma_start3A_5 = tpu.memref_slice %arg6[%dma_start3A, %dma_start3A_4] : memref<64x80xi32, #tpu.memory_space<vmem>> -> memref<1x80xi32, #tpu.memory_space<vmem>>
    %dma_start3A_6 = tpu.memref_squeeze %dma_start3A_5 : memref<1x80xi32, #tpu.memory_space<vmem>> -> memref<80xi32, #tpu.memory_space<vmem>>
    %dma_start3A_7 = arith.constant 0 : i32
    %dma_start3A_8 = arith.constant 0 : i32
    %dma_start3A_9 = tpu.memref_slice %arg2[%dma_start3A_7, %dma_start3A_8] : memref<10000x128xf32, #tpu.memory_space<hbm>> -> memref<10000x128xf32, #tpu.memory_space<hbm>>
    tpu.enqueue_indirect_dma source(%dma_start3A_9 : memref<10000x128xf32, #tpu.memory_space<hbm>>) target(%arg8 : memref<80x128xf32, #tpu.memory_space<vmem>>) offsets(%dma_start3A_6 : memref<80xi32, #tpu.memory_space<vmem>>) semaphore(%arg12 : memref<!tpu.dma_semaphore, #tpu.memory_space<semaphore_mem>>)
    %dma_start3A_10 = arith.constant 1 : i32
    %dma_start3A_11 = arith.constant 0 : i32
    %dma_start3A_12 = tpu.memref_slice %arg6[%dma_start3A_10, %dma_start3A_11] : memref<64x80xi32, #tpu.memory_space<vmem>> -> memref<1x80xi32, #tpu.memory_space<vmem>>
    %dma_start3A_13 = tpu.memref_squeeze %dma_start3A_12 : memref<1x80xi32, #tpu.memory_space<vmem>> -> memref<80xi32, #tpu.memory_space<vmem>>
    %dma_start3A_14 = arith.constant 0 : i32
    %dma_start3A_15 = arith.constant 0 : i32
    %dma_start3A_16 = tpu.memref_slice %arg2[%dma_start3A_14, %dma_start3A_15] : memref<10000x128xf32, #tpu.memory_space<hbm>> -> memref<10000x128xf32, #tpu.memory_space<hbm>>
    tpu.enqueue_indirect_dma source(%dma_start3A_16 : memref<10000x128xf32, #tpu.memory_space<hbm>>) target(%arg9 : memref<80x128xf32, #tpu.memory_space<vmem>>) offsets(%dma_start3A_13 : memref<80xi32, #tpu.memory_space<vmem>>) semaphore(%arg13 : memref<!tpu.dma_semaphore, #tpu.memory_space<semaphore_mem>>)
    %dma_start3A_17 = arith.constant 2 : i32
    %dma_start3A_18 = arith.constant 0 : i32
    %dma_start3A_19 = tpu.memref_slice %arg6[%dma_start3A_17, %dma_start3A_18] : memref<64x80xi32, #tpu.memory_space<vmem>> -> memref<1x80xi32, #tpu.memory_space<vmem>>
    %dma_start3A_20 = tpu.memref_squeeze %dma_start3A_19 : memref<1x80xi32, #tpu.memory_space<vmem>> -> memref<80xi32, #tpu.memory_space<vmem>>
    %dma_start3A_21 = arith.constant 0 : i32
    %dma_start3A_22 = arith.constant 0 : i32
    %dma_start3A_23 = tpu.memref_slice %arg2[%dma_start3A_21, %dma_start3A_22] : memref<10000x128xf32, #tpu.memory_space<hbm>> -> memref<10000x128xf32, #tpu.memory_space<hbm>>
    tpu.enqueue_indirect_dma source(%dma_start3A_23 : memref<10000x128xf32, #tpu.memory_space<hbm>>) target(%arg10 : memref<80x128xf32, #tpu.memory_space<vmem>>) offsets(%dma_start3A_20 : memref<80xi32, #tpu.memory_space<vmem>>) semaphore(%arg14 : memref<!tpu.dma_semaphore, #tpu.memory_space<semaphore_mem>>)
    %scan3A = arith.constant 0 : i32
    %scan3A_24 = arith.constant 21 : i32
    %scan3A_25 = arith.addi %scan3A, %scan3A_24 : i32
    %scan3A_26 = arith.constant 1 : i32
    scf.for %scan3A_76 = %scan3A to %scan3A_25 step %scan3A_26  : i32 {
      %mul3A_77 = arith.constant 1 : i32
      %mul3A_78 = arith.muli %scan3A_76, %mul3A_77 : i32
      %add3A_79 = arith.constant 0 : i32
      %add3A_80 = arith.addi %add3A_79, %mul3A_78 : i32
      %mul3A_81 = arith.constant 3 : i32
      %mul3A_82 = arith.muli %add3A_80, %mul3A_81 : i32
      %add3A_83 = arith.constant 0 : i32
      %add3A_84 = arith.addi %mul3A_82, %add3A_83 : i32
      %dma_wait3A_85 = arith.constant 0 : i32
      %dma_wait3A_86 = tpu.memref_slice %arg6[%add3A_84, %dma_wait3A_85] : memref<64x80xi32, #tpu.memory_space<vmem>> -> memref<1x80xi32, #tpu.memory_space<vmem>>
      %dma_wait3A_87 = tpu.memref_squeeze %dma_wait3A_86 : memref<1x80xi32, #tpu.memory_space<vmem>> -> memref<80xi32, #tpu.memory_space<vmem>>
      %dma_wait3A_88 = arith.constant 0 : i32
      %dma_wait3A_89 = arith.constant 0 : i32
      %dma_wait3A_90 = tpu.memref_slice %arg2[%dma_wait3A_88, %dma_wait3A_89] : memref<10000x128xf32, #tpu.memory_space<hbm>> -> memref<10000x128xf32, #tpu.memory_space<hbm>>
      tpu.wait_indirect_dma semaphore(%arg12 : memref<!tpu.dma_semaphore, #tpu.memory_space<semaphore_mem>>) src(%dma_wait3A_90 : memref<10000x128xf32, #tpu.memory_space<hbm>>) dst(%arg8 : memref<80x128xf32, #tpu.memory_space<vmem>>)
      "tpu.region"() ({
        %run_scoped3A_125 = tpu.sem_alloc : memref<!tpu.dma_semaphore, #tpu.memory_space<semaphore_mem>>
        %dma_start3A_126 = arith.constant 0 : i32
        %dma_start3A_127 = tpu.memref_slice %arg7[%add3A_84, %dma_start3A_126] : memref<64x80xi32, #tpu.memory_space<vmem>> -> memref<1x80xi32, #tpu.memory_space<vmem>>
        %dma_start3A_128 = tpu.memref_squeeze %dma_start3A_127 : memref<1x80xi32, #tpu.memory_space<vmem>> -> memref<80xi32, #tpu.memory_space<vmem>>
        %dma_start3A_129 = arith.constant 0 : i32
        %dma_start3A_130 = arith.constant 0 : i32
        %dma_start3A_131 = tpu.memref_slice %arg11[%dma_start3A_129, %dma_start3A_130] : memref<10240x128xf32, #tpu.memory_space<vmem_shared>> -> memref<10240x128xf32, #tpu.memory_space<vmem_shared>>
        tpu.enqueue_indirect_dma source(%arg8 : memref<80x128xf32, #tpu.memory_space<vmem>>) target(%dma_start3A_131 : memref<10240x128xf32, #tpu.memory_space<vmem_shared>>) offsets(%dma_start3A_128 : memref<80xi32, #tpu.memory_space<vmem>>) semaphore(%run_scoped3A_125 : memref<!tpu.dma_semaphore, #tpu.memory_space<semaphore_mem>>) {add = true}
        %dma_wait3A_132 = arith.constant 0 : i32
        %dma_wait3A_133 = tpu.memref_slice %arg7[%add3A_84, %dma_wait3A_132] : memref<64x80xi32, #tpu.memory_space<vmem>> -> memref<1x80xi32, #tpu.memory_space<vmem>>
        %dma_wait3A_134 = tpu.memref_squeeze %dma_wait3A_133 : memref<1x80xi32, #tpu.memory_space<vmem>> -> memref<80xi32, #tpu.memory_space<vmem>>
        %dma_wait3A_135 = arith.constant 0 : i32
        %dma_wait3A_136 = arith.constant 0 : i32
        %dma_wait3A_137 = tpu.memref_slice %arg11[%dma_wait3A_135, %dma_wait3A_136] : memref<10240x128xf32, #tpu.memory_space<vmem_shared>> -> memref<10240x128xf32, #tpu.memory_space<vmem_shared>>
        tpu.wait_indirect_dma semaphore(%run_scoped3A_125 : memref<!tpu.dma_semaphore, #tpu.memory_space<semaphore_mem>>) src(%arg8 : memref<80x128xf32, #tpu.memory_space<vmem>>) dst(%dma_wait3A_137 : memref<10240x128xf32, #tpu.memory_space<vmem_shared>>)
        tpu.yield
      }) : () -> ()
      %add3A_91 = arith.constant 3 : i32
      %add3A_92 = arith.addi %add3A_84, %add3A_91 : i32
      %lt3A = arith.constant 64 : i32
      %lt3A_93 = arith.cmpi slt, %add3A_92, %lt3A : i32
      %convert_element_type3A = arith.extui %lt3A_93 : i1 to i32
      %cond3A = arith.constant 0 : i32
      %cond3A_94 = arith.cmpi ne, %convert_element_type3A, %cond3A : i32
      scf.if %cond3A_94 {
        %add3A_125 = arith.constant 3 : i32
        %add3A_126 = arith.addi %add3A_84, %add3A_125 : i32
        %dma_start3A_127 = arith.constant 0 : i32
        %dma_start3A_128 = tpu.memref_slice %arg6[%add3A_126, %dma_start3A_127] : memref<64x80xi32, #tpu.memory_space<vmem>> -> memref<1x80xi32, #tpu.memory_space<vmem>>
        %dma_start3A_129 = tpu.memref_squeeze %dma_start3A_128 : memref<1x80xi32, #tpu.memory_space<vmem>> -> memref<80xi32, #tpu.memory_space<vmem>>
        %dma_start3A_130 = arith.constant 0 : i32
        %dma_start3A_131 = arith.constant 0 : i32
        %dma_start3A_132 = tpu.memref_slice %arg2[%dma_start3A_130, %dma_start3A_131] : memref<10000x128xf32, #tpu.memory_space<hbm>> -> memref<10000x128xf32, #tpu.memory_space<hbm>>
        tpu.enqueue_indirect_dma source(%dma_start3A_132 : memref<10000x128xf32, #tpu.memory_space<hbm>>) target(%arg8 : memref<80x128xf32, #tpu.memory_space<vmem>>) offsets(%dma_start3A_129 : memref<80xi32, #tpu.memory_space<vmem>>) semaphore(%arg12 : memref<!tpu.dma_semaphore, #tpu.memory_space<semaphore_mem>>)
      } else {
      }
      %add3A_95 = arith.constant 1 : i32
      %add3A_96 = arith.addi %mul3A_82, %add3A_95 : i32
      %dma_wait3A_97 = arith.constant 0 : i32
      %dma_wait3A_98 = tpu.memref_slice %arg6[%add3A_96, %dma_wait3A_97] : memref<64x80xi32, #tpu.memory_space<vmem>> -> memref<1x80xi32, #tpu.memory_space<vmem>>
      %dma_wait3A_99 = tpu.memref_squeeze %dma_wait3A_98 : memref<1x80xi32, #tpu.memory_space<vmem>> -> memref<80xi32, #tpu.memory_space<vmem>>
      %dma_wait3A_100 = arith.constant 0 : i32
      %dma_wait3A_101 = arith.constant 0 : i32
      %dma_wait3A_102 = tpu.memref_slice %arg2[%dma_wait3A_100, %dma_wait3A_101] : memref<10000x128xf32, #tpu.memory_space<hbm>> -> memref<10000x128xf32, #tpu.memory_space<hbm>>
      tpu.wait_indirect_dma semaphore(%arg13 : memref<!tpu.dma_semaphore, #tpu.memory_space<semaphore_mem>>) src(%dma_wait3A_102 : memref<10000x128xf32, #tpu.memory_space<hbm>>) dst(%arg9 : memref<80x128xf32, #tpu.memory_space<vmem>>)
      "tpu.region"() ({
        %run_scoped3A_125 = tpu.sem_alloc : memref<!tpu.dma_semaphore, #tpu.memory_space<semaphore_mem>>
        %dma_start3A_126 = arith.constant 0 : i32
        %dma_start3A_127 = tpu.memref_slice %arg7[%add3A_96, %dma_start3A_126] : memref<64x80xi32, #tpu.memory_space<vmem>> -> memref<1x80xi32, #tpu.memory_space<vmem>>
        %dma_start3A_128 = tpu.memref_squeeze %dma_start3A_127 : memref<1x80xi32, #tpu.memory_space<vmem>> -> memref<80xi32, #tpu.memory_space<vmem>>
        %dma_start3A_129 = arith.constant 0 : i32
        %dma_start3A_130 = arith.constant 0 : i32
        %dma_start3A_131 = tpu.memref_slice %arg11[%dma_start3A_129, %dma_start3A_130] : memref<10240x128xf32, #tpu.memory_space<vmem_shared>> -> memref<10240x128xf32, #tpu.memory_space<vmem_shared>>
        tpu.enqueue_indirect_dma source(%arg9 : memref<80x128xf32, #tpu.memory_space<vmem>>) target(%dma_start3A_131 : memref<10240x128xf32, #tpu.memory_space<vmem_shared>>) offsets(%dma_start3A_128 : memref<80xi32, #tpu.memory_space<vmem>>) semaphore(%run_scoped3A_125 : memref<!tpu.dma_semaphore, #tpu.memory_space<semaphore_mem>>) {add = true}
        %dma_wait3A_132 = arith.constant 0 : i32
        %dma_wait3A_133 = tpu.memref_slice %arg7[%add3A_96, %dma_wait3A_132] : memref<64x80xi32, #tpu.memory_space<vmem>> -> memref<1x80xi32, #tpu.memory_space<vmem>>
        %dma_wait3A_134 = tpu.memref_squeeze %dma_wait3A_133 : memref<1x80xi32, #tpu.memory_space<vmem>> -> memref<80xi32, #tpu.memory_space<vmem>>
        %dma_wait3A_135 = arith.constant 0 : i32
        %dma_wait3A_136 = arith.constant 0 : i32
        %dma_wait3A_137 = tpu.memref_slice %arg11[%dma_wait3A_135, %dma_wait3A_136] : memref<10240x128xf32, #tpu.memory_space<vmem_shared>> -> memref<10240x128xf32, #tpu.memory_space<vmem_shared>>
        tpu.wait_indirect_dma semaphore(%run_scoped3A_125 : memref<!tpu.dma_semaphore, #tpu.memory_space<semaphore_mem>>) src(%arg9 : memref<80x128xf32, #tpu.memory_space<vmem>>) dst(%dma_wait3A_137 : memref<10240x128xf32, #tpu.memory_space<vmem_shared>>)
        tpu.yield
      }) : () -> ()
      %add3A_103 = arith.constant 3 : i32
      %add3A_104 = arith.addi %add3A_96, %add3A_103 : i32
      %lt3A_105 = arith.constant 64 : i32
      %lt3A_106 = arith.cmpi slt, %add3A_104, %lt3A_105 : i32
      %convert_element_type3A_107 = arith.extui %lt3A_106 : i1 to i32
      %cond3A_108 = arith.constant 0 : i32
      %cond3A_109 = arith.cmpi ne, %convert_element_type3A_107, %cond3A_108 : i32
      scf.if %cond3A_109 {
        %add3A_125 = arith.constant 3 : i32
        %add3A_126 = arith.addi %add3A_96, %add3A_125 : i32
        %dma_start3A_127 = arith.constant 0 : i32
        %dma_start3A_128 = tpu.memref_slice %arg6[%add3A_126, %dma_start3A_127] : memref<64x80xi32, #tpu.memory_space<vmem>> -> memref<1x80xi32, #tpu.memory_space<vmem>>
        %dma_start3A_129 = tpu.memref_squeeze %dma_start3A_128 : memref<1x80xi32, #tpu.memory_space<vmem>> -> memref<80xi32, #tpu.memory_space<vmem>>
        %dma_start3A_130 = arith.constant 0 : i32
        %dma_start3A_131 = arith.constant 0 : i32
        %dma_start3A_132 = tpu.memref_slice %arg2[%dma_start3A_130, %dma_start3A_131] : memref<10000x128xf32, #tpu.memory_space<hbm>> -> memref<10000x128xf32, #tpu.memory_space<hbm>>
        tpu.enqueue_indirect_dma source(%dma_start3A_132 : memref<10000x128xf32, #tpu.memory_space<hbm>>) target(%arg9 : memref<80x128xf32, #tpu.memory_space<vmem>>) offsets(%dma_start3A_129 : memref<80xi32, #tpu.memory_space<vmem>>) semaphore(%arg13 : memref<!tpu.dma_semaphore, #tpu.memory_space<semaphore_mem>>)
      } else {
      }
      %add3A_110 = arith.constant 2 : i32
      %add3A_111 = arith.addi %mul3A_82, %add3A_110 : i32
      %dma_wait3A_112 = arith.constant 0 : i32
      %dma_wait3A_113 = tpu.memref_slice %arg6[%add3A_111, %dma_wait3A_112] : memref<64x80xi32, #tpu.memory_space<vmem>> -> memref<1x80xi32, #tpu.memory_space<vmem>>
      %dma_wait3A_114 = tpu.memref_squeeze %dma_wait3A_113 : memref<1x80xi32, #tpu.memory_space<vmem>> -> memref<80xi32, #tpu.memory_space<vmem>>
      %dma_wait3A_115 = arith.constant 0 : i32
      %dma_wait3A_116 = arith.constant 0 : i32
      %dma_wait3A_117 = tpu.memref_slice %arg2[%dma_wait3A_115, %dma_wait3A_116] : memref<10000x128xf32, #tpu.memory_space<hbm>> -> memref<10000x128xf32, #tpu.memory_space<hbm>>
      tpu.wait_indirect_dma semaphore(%arg14 : memref<!tpu.dma_semaphore, #tpu.memory_space<semaphore_mem>>) src(%dma_wait3A_117 : memref<10000x128xf32, #tpu.memory_space<hbm>>) dst(%arg10 : memref<80x128xf32, #tpu.memory_space<vmem>>)
      "tpu.region"() ({
        %run_scoped3A_125 = tpu.sem_alloc : memref<!tpu.dma_semaphore, #tpu.memory_space<semaphore_mem>>
        %dma_start3A_126 = arith.constant 0 : i32
        %dma_start3A_127 = tpu.memref_slice %arg7[%add3A_111, %dma_start3A_126] : memref<64x80xi32, #tpu.memory_space<vmem>> -> memref<1x80xi32, #tpu.memory_space<vmem>>
        %dma_start3A_128 = tpu.memref_squeeze %dma_start3A_127 : memref<1x80xi32, #tpu.memory_space<vmem>> -> memref<80xi32, #tpu.memory_space<vmem>>
        %dma_start3A_129 = arith.constant 0 : i32
        %dma_start3A_130 = arith.constant 0 : i32
        %dma_start3A_131 = tpu.memref_slice %arg11[%dma_start3A_129, %dma_start3A_130] : memref<10240x128xf32, #tpu.memory_space<vmem_shared>> -> memref<10240x128xf32, #tpu.memory_space<vmem_shared>>
        tpu.enqueue_indirect_dma source(%arg10 : memref<80x128xf32, #tpu.memory_space<vmem>>) target(%dma_start3A_131 : memref<10240x128xf32, #tpu.memory_space<vmem_shared>>) offsets(%dma_start3A_128 : memref<80xi32, #tpu.memory_space<vmem>>) semaphore(%run_scoped3A_125 : memref<!tpu.dma_semaphore, #tpu.memory_space<semaphore_mem>>) {add = true}
        %dma_wait3A_132 = arith.constant 0 : i32
        %dma_wait3A_133 = tpu.memref_slice %arg7[%add3A_111, %dma_wait3A_132] : memref<64x80xi32, #tpu.memory_space<vmem>> -> memref<1x80xi32, #tpu.memory_space<vmem>>
        %dma_wait3A_134 = tpu.memref_squeeze %dma_wait3A_133 : memref<1x80xi32, #tpu.memory_space<vmem>> -> memref<80xi32, #tpu.memory_space<vmem>>
        %dma_wait3A_135 = arith.constant 0 : i32
        %dma_wait3A_136 = arith.constant 0 : i32
        %dma_wait3A_137 = tpu.memref_slice %arg11[%dma_wait3A_135, %dma_wait3A_136] : memref<10240x128xf32, #tpu.memory_space<vmem_shared>> -> memref<10240x128xf32, #tpu.memory_space<vmem_shared>>
        tpu.wait_indirect_dma semaphore(%run_scoped3A_125 : memref<!tpu.dma_semaphore, #tpu.memory_space<semaphore_mem>>) src(%arg10 : memref<80x128xf32, #tpu.memory_space<vmem>>) dst(%dma_wait3A_137 : memref<10240x128xf32, #tpu.memory_space<vmem_shared>>)
        tpu.yield
      }) : () -> ()
      %add3A_118 = arith.constant 3 : i32
      %add3A_119 = arith.addi %add3A_111, %add3A_118 : i32
      %lt3A_120 = arith.constant 64 : i32
      %lt3A_121 = arith.cmpi slt, %add3A_119, %lt3A_120 : i32
      %convert_element_type3A_122 = arith.extui %lt3A_121 : i1 to i32
      %cond3A_123 = arith.constant 0 : i32
      %cond3A_124 = arith.cmpi ne, %convert_element_type3A_122, %cond3A_123 : i32
      scf.if %cond3A_124 {
        %add3A_125 = arith.constant 3 : i32
        %add3A_126 = arith.addi %add3A_111, %add3A_125 : i32
        %dma_start3A_127 = arith.constant 0 : i32
        %dma_start3A_128 = tpu.memref_slice %arg6[%add3A_126, %dma_start3A_127] : memref<64x80xi32, #tpu.memory_space<vmem>> -> memref<1x80xi32, #tpu.memory_space<vmem>>
        %dma_start3A_129 = tpu.memref_squeeze %dma_start3A_128 : memref<1x80xi32, #tpu.memory_space<vmem>> -> memref<80xi32, #tpu.memory_space<vmem>>
        %dma_start3A_130 = arith.constant 0 : i32
        %dma_start3A_131 = arith.constant 0 : i32
        %dma_start3A_132 = tpu.memref_slice %arg2[%dma_start3A_130, %dma_start3A_131] : memref<10000x128xf32, #tpu.memory_space<hbm>> -> memref<10000x128xf32, #tpu.memory_space<hbm>>
        tpu.enqueue_indirect_dma source(%dma_start3A_132 : memref<10000x128xf32, #tpu.memory_space<hbm>>) target(%arg10 : memref<80x128xf32, #tpu.memory_space<vmem>>) offsets(%dma_start3A_129 : memref<80xi32, #tpu.memory_space<vmem>>) semaphore(%arg14 : memref<!tpu.dma_semaphore, #tpu.memory_space<semaphore_mem>>)
      } else {
      }
    }
    %scan3A_27 = arith.constant 21 : i32
    %dma_wait3A = arith.constant 63 : i32
    %dma_wait3A_28 = arith.constant 0 : i32
    %dma_wait3A_29 = tpu.memref_slice %arg6[%dma_wait3A, %dma_wait3A_28] : memref<64x80xi32, #tpu.memory_space<vmem>> -> memref<1x80xi32, #tpu.memory_space<vmem>>
    %dma_wait3A_30 = tpu.memref_squeeze %dma_wait3A_29 : memref<1x80xi32, #tpu.memory_space<vmem>> -> memref<80xi32, #tpu.memory_space<vmem>>
    %dma_wait3A_31 = arith.constant 0 : i32
    %dma_wait3A_32 = arith.constant 0 : i32
    %dma_wait3A_33 = tpu.memref_slice %arg2[%dma_wait3A_31, %dma_wait3A_32] : memref<10000x128xf32, #tpu.memory_space<hbm>> -> memref<10000x128xf32, #tpu.memory_space<hbm>>
    tpu.wait_indirect_dma semaphore(%arg12 : memref<!tpu.dma_semaphore, #tpu.memory_space<semaphore_mem>>) src(%dma_wait3A_33 : memref<10000x128xf32, #tpu.memory_space<hbm>>) dst(%arg8 : memref<80x128xf32, #tpu.memory_space<vmem>>)
    %run_scoped3A_34 = arith.constant 63 : i32
    "tpu.region"() ({
      %run_scoped3A_76 = tpu.sem_alloc : memref<!tpu.dma_semaphore, #tpu.memory_space<semaphore_mem>>
      %dma_start3A_77 = arith.constant 0 : i32
      %dma_start3A_78 = tpu.memref_slice %arg7[%run_scoped3A_34, %dma_start3A_77] : memref<64x80xi32, #tpu.memory_space<vmem>> -> memref<1x80xi32, #tpu.memory_space<vmem>>
      %dma_start3A_79 = tpu.memref_squeeze %dma_start3A_78 : memref<1x80xi32, #tpu.memory_space<vmem>> -> memref<80xi32, #tpu.memory_space<vmem>>
      %dma_start3A_80 = arith.constant 0 : i32
      %dma_start3A_81 = arith.constant 0 : i32
      %dma_start3A_82 = tpu.memref_slice %arg11[%dma_start3A_80, %dma_start3A_81] : memref<10240x128xf32, #tpu.memory_space<vmem_shared>> -> memref<10240x128xf32, #tpu.memory_space<vmem_shared>>
      tpu.enqueue_indirect_dma source(%arg8 : memref<80x128xf32, #tpu.memory_space<vmem>>) target(%dma_start3A_82 : memref<10240x128xf32, #tpu.memory_space<vmem_shared>>) offsets(%dma_start3A_79 : memref<80xi32, #tpu.memory_space<vmem>>) semaphore(%run_scoped3A_76 : memref<!tpu.dma_semaphore, #tpu.memory_space<semaphore_mem>>) {add = true}
      %dma_wait3A_83 = arith.constant 0 : i32
      %dma_wait3A_84 = tpu.memref_slice %arg7[%run_scoped3A_34, %dma_wait3A_83] : memref<64x80xi32, #tpu.memory_space<vmem>> -> memref<1x80xi32, #tpu.memory_space<vmem>>
      %dma_wait3A_85 = tpu.memref_squeeze %dma_wait3A_84 : memref<1x80xi32, #tpu.memory_space<vmem>> -> memref<80xi32, #tpu.memory_space<vmem>>
      %dma_wait3A_86 = arith.constant 0 : i32
      %dma_wait3A_87 = arith.constant 0 : i32
      %dma_wait3A_88 = tpu.memref_slice %arg11[%dma_wait3A_86, %dma_wait3A_87] : memref<10240x128xf32, #tpu.memory_space<vmem_shared>> -> memref<10240x128xf32, #tpu.memory_space<vmem_shared>>
      tpu.wait_indirect_dma semaphore(%run_scoped3A_76 : memref<!tpu.dma_semaphore, #tpu.memory_space<semaphore_mem>>) src(%arg8 : memref<80x128xf32, #tpu.memory_space<vmem>>) dst(%dma_wait3A_88 : memref<10240x128xf32, #tpu.memory_space<vmem_shared>>)
      tpu.yield
    }) : () -> ()
    %run_scoped3A_35 = arith.constant 0 : i32
    "tpu.region"() ({
      %run_scoped3A_76 = tpu.sem_alloc : memref<!tpu.dma_semaphore, #tpu.memory_space<semaphore_mem>>
      %dma_start3A_77 = arith.constant 64 : i32
      %dma_start3A_78 = arith.constant 0 : i32
      %dma_start3A_79 = tpu.memref_slice %arg3[%run_scoped3A_35, %add3A, %dma_start3A_77, %dma_start3A_78] : memref<2x32x128x80xi32, #tpu.memory_space<hbm>> -> memref<1x1x64x80xi32, #tpu.memory_space<hbm>>
      %dma_start3A_80 = tpu.memref_squeeze %dma_start3A_79 : memref<1x1x64x80xi32, #tpu.memory_space<hbm>> -> memref<64x80xi32, #tpu.memory_space<hbm>>
      %dma_start3A_81 = arith.constant 64 : i32
      %dma_start3A_82 = arith.constant 0 : i32
      %dma_start3A_83 = tpu.memref_slice %arg3[%run_scoped3A_35, %add3A, %dma_start3A_81, %dma_start3A_82] : memref<2x32x128x80xi32, #tpu.memory_space<hbm>> -> memref<1x1x64x80xi32, #tpu.memory_space<hbm>>
      %dma_start3A_84 = tpu.memref_squeeze %dma_start3A_83 : memref<1x1x64x80xi32, #tpu.memory_space<hbm>> -> memref<64x80xi32, #tpu.memory_space<hbm>>
      tpu.enqueue_dma source(%dma_start3A_84 : memref<64x80xi32, #tpu.memory_space<hbm>>) target(%arg6 : memref<64x80xi32, #tpu.memory_space<vmem>>) target_semaphore(%run_scoped3A_76 : memref<!tpu.dma_semaphore, #tpu.memory_space<semaphore_mem>>)
      %dma_wait3A_85 = arith.constant 64 : i32
      %dma_wait3A_86 = arith.constant 0 : i32
      %dma_wait3A_87 = tpu.memref_slice %arg3[%run_scoped3A_35, %add3A, %dma_wait3A_85, %dma_wait3A_86] : memref<2x32x128x80xi32, #tpu.memory_space<hbm>> -> memref<1x1x64x80xi32, #tpu.memory_space<hbm>>
      %dma_wait3A_88 = tpu.memref_squeeze %dma_wait3A_87 : memref<1x1x64x80xi32, #tpu.memory_space<hbm>> -> memref<64x80xi32, #tpu.memory_space<hbm>>
      %dma_wait3A_89 = arith.constant 64 : i32
      %dma_wait3A_90 = arith.constant 0 : i32
      %dma_wait3A_91 = tpu.memref_slice %arg3[%run_scoped3A_35, %add3A, %dma_wait3A_89, %dma_wait3A_90] : memref<2x32x128x80xi32, #tpu.memory_space<hbm>> -> memref<1x1x64x80xi32, #tpu.memory_space<hbm>>
      %dma_wait3A_92 = tpu.memref_squeeze %dma_wait3A_91 : memref<1x1x64x80xi32, #tpu.memory_space<hbm>> -> memref<64x80xi32, #tpu.memory_space<hbm>>
      tpu.wait_dma2 semaphore(%run_scoped3A_76 : memref<!tpu.dma_semaphore, #tpu.memory_space<semaphore_mem>>) src(%dma_wait3A_92 : memref<64x80xi32, #tpu.memory_space<hbm>>) dst(%arg6 : memref<64x80xi32, #tpu.memory_space<vmem>>)
      tpu.yield
    }) : () -> ()
    %run_scoped3A_36 = arith.constant 1 : i32
    "tpu.region"() ({
      %run_scoped3A_76 = tpu.sem_alloc : memref<!tpu.dma_semaphore, #tpu.memory_space<semaphore_mem>>
      %dma_start3A_77 = arith.constant 64 : i32
      %dma_start3A_78 = arith.constant 0 : i32
      %dma_start3A_79 = tpu.memref_slice %arg3[%run_scoped3A_36, %add3A, %dma_start3A_77, %dma_start3A_78] : memref<2x32x128x80xi32, #tpu.memory_space<hbm>> -> memref<1x1x64x80xi32, #tpu.memory_space<hbm>>
      %dma_start3A_80 = tpu.memref_squeeze %dma_start3A_79 : memref<1x1x64x80xi32, #tpu.memory_space<hbm>> -> memref<64x80xi32, #tpu.memory_space<hbm>>
      %dma_start3A_81 = arith.constant 64 : i32
      %dma_start3A_82 = arith.constant 0 : i32
      %dma_start3A_83 = tpu.memref_slice %arg3[%run_scoped3A_36, %add3A, %dma_start3A_81, %dma_start3A_82] : memref<2x32x128x80xi32, #tpu.memory_space<hbm>> -> memref<1x1x64x80xi32, #tpu.memory_space<hbm>>
      %dma_start3A_84 = tpu.memref_squeeze %dma_start3A_83 : memref<1x1x64x80xi32, #tpu.memory_space<hbm>> -> memref<64x80xi32, #tpu.memory_space<hbm>>
      tpu.enqueue_dma source(%dma_start3A_84 : memref<64x80xi32, #tpu.memory_space<hbm>>) target(%arg7 : memref<64x80xi32, #tpu.memory_space<vmem>>) target_semaphore(%run_scoped3A_76 : memref<!tpu.dma_semaphore, #tpu.memory_space<semaphore_mem>>)
      %dma_wait3A_85 = arith.constant 64 : i32
      %dma_wait3A_86 = arith.constant 0 : i32
      %dma_wait3A_87 = tpu.memref_slice %arg3[%run_scoped3A_36, %add3A, %dma_wait3A_85, %dma_wait3A_86] : memref<2x32x128x80xi32, #tpu.memory_space<hbm>> -> memref<1x1x64x80xi32, #tpu.memory_space<hbm>>
      %dma_wait3A_88 = tpu.memref_squeeze %dma_wait3A_87 : memref<1x1x64x80xi32, #tpu.memory_space<hbm>> -> memref<64x80xi32, #tpu.memory_space<hbm>>
      %dma_wait3A_89 = arith.constant 64 : i32
      %dma_wait3A_90 = arith.constant 0 : i32
      %dma_wait3A_91 = tpu.memref_slice %arg3[%run_scoped3A_36, %add3A, %dma_wait3A_89, %dma_wait3A_90] : memref<2x32x128x80xi32, #tpu.memory_space<hbm>> -> memref<1x1x64x80xi32, #tpu.memory_space<hbm>>
      %dma_wait3A_92 = tpu.memref_squeeze %dma_wait3A_91 : memref<1x1x64x80xi32, #tpu.memory_space<hbm>> -> memref<64x80xi32, #tpu.memory_space<hbm>>
      tpu.wait_dma2 semaphore(%run_scoped3A_76 : memref<!tpu.dma_semaphore, #tpu.memory_space<semaphore_mem>>) src(%dma_wait3A_92 : memref<64x80xi32, #tpu.memory_space<hbm>>) dst(%arg7 : memref<64x80xi32, #tpu.memory_space<vmem>>)
      tpu.yield
    }) : () -> ()
    %dma_start3A_37 = arith.constant 0 : i32
    %dma_start3A_38 = arith.constant 0 : i32
    %dma_start3A_39 = tpu.memref_slice %arg6[%dma_start3A_37, %dma_start3A_38] : memref<64x80xi32, #tpu.memory_space<vmem>> -> memref<1x80xi32, #tpu.memory_space<vmem>>
    %dma_start3A_40 = tpu.memref_squeeze %dma_start3A_39 : memref<1x80xi32, #tpu.memory_space<vmem>> -> memref<80xi32, #tpu.memory_space<vmem>>
    %dma_start3A_41 = arith.constant 0 : i32
    %dma_start3A_42 = arith.constant 0 : i32
    %dma_start3A_43 = tpu.memref_slice %arg2[%dma_start3A_41, %dma_start3A_42] : memref<10000x128xf32, #tpu.memory_space<hbm>> -> memref<10000x128xf32, #tpu.memory_space<hbm>>
    tpu.enqueue_indirect_dma source(%dma_start3A_43 : memref<10000x128xf32, #tpu.memory_space<hbm>>) target(%arg8 : memref<80x128xf32, #tpu.memory_space<vmem>>) offsets(%dma_start3A_40 : memref<80xi32, #tpu.memory_space<vmem>>) semaphore(%arg12 : memref<!tpu.dma_semaphore, #tpu.memory_space<semaphore_mem>>)
    %dma_start3A_44 = arith.constant 1 : i32
    %dma_start3A_45 = arith.constant 0 : i32
    %dma_start3A_46 = tpu.memref_slice %arg6[%dma_start3A_44, %dma_start3A_45] : memref<64x80xi32, #tpu.memory_space<vmem>> -> memref<1x80xi32, #tpu.memory_space<vmem>>
    %dma_start3A_47 = tpu.memref_squeeze %dma_start3A_46 : memref<1x80xi32, #tpu.memory_space<vmem>> -> memref<80xi32, #tpu.memory_space<vmem>>
    %dma_start3A_48 = arith.constant 0 : i32
    %dma_start3A_49 = arith.constant 0 : i32
    %dma_start3A_50 = tpu.memref_slice %arg2[%dma_start3A_48, %dma_start3A_49] : memref<10000x128xf32, #tpu.memory_space<hbm>> -> memref<10000x128xf32, #tpu.memory_space<hbm>>
    tpu.enqueue_indirect_dma source(%dma_start3A_50 : memref<10000x128xf32, #tpu.memory_space<hbm>>) target(%arg9 : memref<80x128xf32, #tpu.memory_space<vmem>>) offsets(%dma_start3A_47 : memref<80xi32, #tpu.memory_space<vmem>>) semaphore(%arg13 : memref<!tpu.dma_semaphore, #tpu.memory_space<semaphore_mem>>)
    %dma_start3A_51 = arith.constant 2 : i32
    %dma_start3A_52 = arith.constant 0 : i32
    %dma_start3A_53 = tpu.memref_slice %arg6[%dma_start3A_51, %dma_start3A_52] : memref<64x80xi32, #tpu.memory_space<vmem>> -> memref<1x80xi32, #tpu.memory_space<vmem>>
    %dma_start3A_54 = tpu.memref_squeeze %dma_start3A_53 : memref<1x80xi32, #tpu.memory_space<vmem>> -> memref<80xi32, #tpu.memory_space<vmem>>
    %dma_start3A_55 = arith.constant 0 : i32
    %dma_start3A_56 = arith.constant 0 : i32
    %dma_start3A_57 = tpu.memref_slice %arg2[%dma_start3A_55, %dma_start3A_56] : memref<10000x128xf32, #tpu.memory_space<hbm>> -> memref<10000x128xf32, #tpu.memory_space<hbm>>
    tpu.enqueue_indirect_dma source(%dma_start3A_57 : memref<10000x128xf32, #tpu.memory_space<hbm>>) target(%arg10 : memref<80x128xf32, #tpu.memory_space<vmem>>) offsets(%dma_start3A_54 : memref<80xi32, #tpu.memory_space<vmem>>) semaphore(%arg14 : memref<!tpu.dma_semaphore, #tpu.memory_space<semaphore_mem>>)
    %scan3A_58 = arith.constant 0 : i32
    %scan3A_59 = arith.constant 21 : i32
    %scan3A_60 = arith.addi %scan3A_58, %scan3A_59 : i32
    %scan3A_61 = arith.constant 1 : i32
    scf.for %scan3A_76 = %scan3A_58 to %scan3A_60 step %scan3A_61  : i32 {
      %mul3A_77 = arith.constant 1 : i32
      %mul3A_78 = arith.muli %scan3A_76, %mul3A_77 : i32
      %add3A_79 = arith.constant 0 : i32
      %add3A_80 = arith.addi %add3A_79, %mul3A_78 : i32
      %mul3A_81 = arith.constant 3 : i32
      %mul3A_82 = arith.muli %add3A_80, %mul3A_81 : i32
      %add3A_83 = arith.constant 0 : i32
      %add3A_84 = arith.addi %mul3A_82, %add3A_83 : i32
      %dma_wait3A_85 = arith.constant 0 : i32
      %dma_wait3A_86 = tpu.memref_slice %arg6[%add3A_84, %dma_wait3A_85] : memref<64x80xi32, #tpu.memory_space<vmem>> -> memref<1x80xi32, #tpu.memory_space<vmem>>
      %dma_wait3A_87 = tpu.memref_squeeze %dma_wait3A_86 : memref<1x80xi32, #tpu.memory_space<vmem>> -> memref<80xi32, #tpu.memory_space<vmem>>
      %dma_wait3A_88 = arith.constant 0 : i32
      %dma_wait3A_89 = arith.constant 0 : i32
      %dma_wait3A_90 = tpu.memref_slice %arg2[%dma_wait3A_88, %dma_wait3A_89] : memref<10000x128xf32, #tpu.memory_space<hbm>> -> memref<10000x128xf32, #tpu.memory_space<hbm>>
      tpu.wait_indirect_dma semaphore(%arg12 : memref<!tpu.dma_semaphore, #tpu.memory_space<semaphore_mem>>) src(%dma_wait3A_90 : memref<10000x128xf32, #tpu.memory_space<hbm>>) dst(%arg8 : memref<80x128xf32, #tpu.memory_space<vmem>>)
      "tpu.region"() ({
        %run_scoped3A_125 = tpu.sem_alloc : memref<!tpu.dma_semaphore, #tpu.memory_space<semaphore_mem>>
        %dma_start3A_126 = arith.constant 0 : i32
        %dma_start3A_127 = tpu.memref_slice %arg7[%add3A_84, %dma_start3A_126] : memref<64x80xi32, #tpu.memory_space<vmem>> -> memref<1x80xi32, #tpu.memory_space<vmem>>
        %dma_start3A_128 = tpu.memref_squeeze %dma_start3A_127 : memref<1x80xi32, #tpu.memory_space<vmem>> -> memref<80xi32, #tpu.memory_space<vmem>>
        %dma_start3A_129 = arith.constant 0 : i32
        %dma_start3A_130 = arith.constant 0 : i32
        %dma_start3A_131 = tpu.memref_slice %arg11[%dma_start3A_129, %dma_start3A_130] : memref<10240x128xf32, #tpu.memory_space<vmem_shared>> -> memref<10240x128xf32, #tpu.memory_space<vmem_shared>>
        tpu.enqueue_indirect_dma source(%arg8 : memref<80x128xf32, #tpu.memory_space<vmem>>) target(%dma_start3A_131 : memref<10240x128xf32, #tpu.memory_space<vmem_shared>>) offsets(%dma_start3A_128 : memref<80xi32, #tpu.memory_space<vmem>>) semaphore(%run_scoped3A_125 : memref<!tpu.dma_semaphore, #tpu.memory_space<semaphore_mem>>) {add = true}
        %dma_wait3A_132 = arith.constant 0 : i32
        %dma_wait3A_133 = tpu.memref_slice %arg7[%add3A_84, %dma_wait3A_132] : memref<64x80xi32, #tpu.memory_space<vmem>> -> memref<1x80xi32, #tpu.memory_space<vmem>>
        %dma_wait3A_134 = tpu.memref_squeeze %dma_wait3A_133 : memref<1x80xi32, #tpu.memory_space<vmem>> -> memref<80xi32, #tpu.memory_space<vmem>>
        %dma_wait3A_135 = arith.constant 0 : i32
        %dma_wait3A_136 = arith.constant 0 : i32
        %dma_wait3A_137 = tpu.memref_slice %arg11[%dma_wait3A_135, %dma_wait3A_136] : memref<10240x128xf32, #tpu.memory_space<vmem_shared>> -> memref<10240x128xf32, #tpu.memory_space<vmem_shared>>
        tpu.wait_indirect_dma semaphore(%run_scoped3A_125 : memref<!tpu.dma_semaphore, #tpu.memory_space<semaphore_mem>>) src(%arg8 : memref<80x128xf32, #tpu.memory_space<vmem>>) dst(%dma_wait3A_137 : memref<10240x128xf32, #tpu.memory_space<vmem_shared>>)
        tpu.yield
      }) : () -> ()
      %add3A_91 = arith.constant 3 : i32
      %add3A_92 = arith.addi %add3A_84, %add3A_91 : i32
      %lt3A = arith.constant 64 : i32
      %lt3A_93 = arith.cmpi slt, %add3A_92, %lt3A : i32
      %convert_element_type3A = arith.extui %lt3A_93 : i1 to i32
      %cond3A = arith.constant 0 : i32
      %cond3A_94 = arith.cmpi ne, %convert_element_type3A, %cond3A : i32
      scf.if %cond3A_94 {
        %add3A_125 = arith.constant 3 : i32
        %add3A_126 = arith.addi %add3A_84, %add3A_125 : i32
        %dma_start3A_127 = arith.constant 0 : i32
        %dma_start3A_128 = tpu.memref_slice %arg6[%add3A_126, %dma_start3A_127] : memref<64x80xi32, #tpu.memory_space<vmem>> -> memref<1x80xi32, #tpu.memory_space<vmem>>
        %dma_start3A_129 = tpu.memref_squeeze %dma_start3A_128 : memref<1x80xi32, #tpu.memory_space<vmem>> -> memref<80xi32, #tpu.memory_space<vmem>>
        %dma_start3A_130 = arith.constant 0 : i32
        %dma_start3A_131 = arith.constant 0 : i32
        %dma_start3A_132 = tpu.memref_slice %arg2[%dma_start3A_130, %dma_start3A_131] : memref<10000x128xf32, #tpu.memory_space<hbm>> -> memref<10000x128xf32, #tpu.memory_space<hbm>>
        tpu.enqueue_indirect_dma source(%dma_start3A_132 : memref<10000x128xf32, #tpu.memory_space<hbm>>) target(%arg8 : memref<80x128xf32, #tpu.memory_space<vmem>>) offsets(%dma_start3A_129 : memref<80xi32, #tpu.memory_space<vmem>>) semaphore(%arg12 : memref<!tpu.dma_semaphore, #tpu.memory_space<semaphore_mem>>)
      } else {
      }
      %add3A_95 = arith.constant 1 : i32
      %add3A_96 = arith.addi %mul3A_82, %add3A_95 : i32
      %dma_wait3A_97 = arith.constant 0 : i32
      %dma_wait3A_98 = tpu.memref_slice %arg6[%add3A_96, %dma_wait3A_97] : memref<64x80xi32, #tpu.memory_space<vmem>> -> memref<1x80xi32, #tpu.memory_space<vmem>>
      %dma_wait3A_99 = tpu.memref_squeeze %dma_wait3A_98 : memref<1x80xi32, #tpu.memory_space<vmem>> -> memref<80xi32, #tpu.memory_space<vmem>>
      %dma_wait3A_100 = arith.constant 0 : i32
      %dma_wait3A_101 = arith.constant 0 : i32
      %dma_wait3A_102 = tpu.memref_slice %arg2[%dma_wait3A_100, %dma_wait3A_101] : memref<10000x128xf32, #tpu.memory_space<hbm>> -> memref<10000x128xf32, #tpu.memory_space<hbm>>
      tpu.wait_indirect_dma semaphore(%arg13 : memref<!tpu.dma_semaphore, #tpu.memory_space<semaphore_mem>>) src(%dma_wait3A_102 : memref<10000x128xf32, #tpu.memory_space<hbm>>) dst(%arg9 : memref<80x128xf32, #tpu.memory_space<vmem>>)
      "tpu.region"() ({
        %run_scoped3A_125 = tpu.sem_alloc : memref<!tpu.dma_semaphore, #tpu.memory_space<semaphore_mem>>
        %dma_start3A_126 = arith.constant 0 : i32
        %dma_start3A_127 = tpu.memref_slice %arg7[%add3A_96, %dma_start3A_126] : memref<64x80xi32, #tpu.memory_space<vmem>> -> memref<1x80xi32, #tpu.memory_space<vmem>>
        %dma_start3A_128 = tpu.memref_squeeze %dma_start3A_127 : memref<1x80xi32, #tpu.memory_space<vmem>> -> memref<80xi32, #tpu.memory_space<vmem>>
        %dma_start3A_129 = arith.constant 0 : i32
        %dma_start3A_130 = arith.constant 0 : i32
        %dma_start3A_131 = tpu.memref_slice %arg11[%dma_start3A_129, %dma_start3A_130] : memref<10240x128xf32, #tpu.memory_space<vmem_shared>> -> memref<10240x128xf32, #tpu.memory_space<vmem_shared>>
        tpu.enqueue_indirect_dma source(%arg9 : memref<80x128xf32, #tpu.memory_space<vmem>>) target(%dma_start3A_131 : memref<10240x128xf32, #tpu.memory_space<vmem_shared>>) offsets(%dma_start3A_128 : memref<80xi32, #tpu.memory_space<vmem>>) semaphore(%run_scoped3A_125 : memref<!tpu.dma_semaphore, #tpu.memory_space<semaphore_mem>>) {add = true}
        %dma_wait3A_132 = arith.constant 0 : i32
        %dma_wait3A_133 = tpu.memref_slice %arg7[%add3A_96, %dma_wait3A_132] : memref<64x80xi32, #tpu.memory_space<vmem>> -> memref<1x80xi32, #tpu.memory_space<vmem>>
        %dma_wait3A_134 = tpu.memref_squeeze %dma_wait3A_133 : memref<1x80xi32, #tpu.memory_space<vmem>> -> memref<80xi32, #tpu.memory_space<vmem>>
        %dma_wait3A_135 = arith.constant 0 : i32
        %dma_wait3A_136 = arith.constant 0 : i32
        %dma_wait3A_137 = tpu.memref_slice %arg11[%dma_wait3A_135, %dma_wait3A_136] : memref<10240x128xf32, #tpu.memory_space<vmem_shared>> -> memref<10240x128xf32, #tpu.memory_space<vmem_shared>>
        tpu.wait_indirect_dma semaphore(%run_scoped3A_125 : memref<!tpu.dma_semaphore, #tpu.memory_space<semaphore_mem>>) src(%arg9 : memref<80x128xf32, #tpu.memory_space<vmem>>) dst(%dma_wait3A_137 : memref<10240x128xf32, #tpu.memory_space<vmem_shared>>)
        tpu.yield
      }) : () -> ()
      %add3A_103 = arith.constant 3 : i32
      %add3A_104 = arith.addi %add3A_96, %add3A_103 : i32
      %lt3A_105 = arith.constant 64 : i32
      %lt3A_106 = arith.cmpi slt, %add3A_104, %lt3A_105 : i32
      %convert_element_type3A_107 = arith.extui %lt3A_106 : i1 to i32
      %cond3A_108 = arith.constant 0 : i32
      %cond3A_109 = arith.cmpi ne, %convert_element_type3A_107, %cond3A_108 : i32
      scf.if %cond3A_109 {
        %add3A_125 = arith.constant 3 : i32
        %add3A_126 = arith.addi %add3A_96, %add3A_125 : i32
        %dma_start3A_127 = arith.constant 0 : i32
        %dma_start3A_128 = tpu.memref_slice %arg6[%add3A_126, %dma_start3A_127] : memref<64x80xi32, #tpu.memory_space<vmem>> -> memref<1x80xi32, #tpu.memory_space<vmem>>
        %dma_start3A_129 = tpu.memref_squeeze %dma_start3A_128 : memref<1x80xi32, #tpu.memory_space<vmem>> -> memref<80xi32, #tpu.memory_space<vmem>>
        %dma_start3A_130 = arith.constant 0 : i32
        %dma_start3A_131 = arith.constant 0 : i32
        %dma_start3A_132 = tpu.memref_slice %arg2[%dma_start3A_130, %dma_start3A_131] : memref<10000x128xf32, #tpu.memory_space<hbm>> -> memref<10000x128xf32, #tpu.memory_space<hbm>>
        tpu.enqueue_indirect_dma source(%dma_start3A_132 : memref<10000x128xf32, #tpu.memory_space<hbm>>) target(%arg9 : memref<80x128xf32, #tpu.memory_space<vmem>>) offsets(%dma_start3A_129 : memref<80xi32, #tpu.memory_space<vmem>>) semaphore(%arg13 : memref<!tpu.dma_semaphore, #tpu.memory_space<semaphore_mem>>)
      } else {
      }
      %add3A_110 = arith.constant 2 : i32
      %add3A_111 = arith.addi %mul3A_82, %add3A_110 : i32
      %dma_wait3A_112 = arith.constant 0 : i32
      %dma_wait3A_113 = tpu.memref_slice %arg6[%add3A_111, %dma_wait3A_112] : memref<64x80xi32, #tpu.memory_space<vmem>> -> memref<1x80xi32, #tpu.memory_space<vmem>>
      %dma_wait3A_114 = tpu.memref_squeeze %dma_wait3A_113 : memref<1x80xi32, #tpu.memory_space<vmem>> -> memref<80xi32, #tpu.memory_space<vmem>>
      %dma_wait3A_115 = arith.constant 0 : i32
      %dma_wait3A_116 = arith.constant 0 : i32
      %dma_wait3A_117 = tpu.memref_slice %arg2[%dma_wait3A_115, %dma_wait3A_116] : memref<10000x128xf32, #tpu.memory_space<hbm>> -> memref<10000x128xf32, #tpu.memory_space<hbm>>
      tpu.wait_indirect_dma semaphore(%arg14 : memref<!tpu.dma_semaphore, #tpu.memory_space<semaphore_mem>>) src(%dma_wait3A_117 : memref<10000x128xf32, #tpu.memory_space<hbm>>) dst(%arg10 : memref<80x128xf32, #tpu.memory_space<vmem>>)
      "tpu.region"() ({
        %run_scoped3A_125 = tpu.sem_alloc : memref<!tpu.dma_semaphore, #tpu.memory_space<semaphore_mem>>
        %dma_start3A_126 = arith.constant 0 : i32
        %dma_start3A_127 = tpu.memref_slice %arg7[%add3A_111, %dma_start3A_126] : memref<64x80xi32, #tpu.memory_space<vmem>> -> memref<1x80xi32, #tpu.memory_space<vmem>>
        %dma_start3A_128 = tpu.memref_squeeze %dma_start3A_127 : memref<1x80xi32, #tpu.memory_space<vmem>> -> memref<80xi32, #tpu.memory_space<vmem>>
        %dma_start3A_129 = arith.constant 0 : i32
        %dma_start3A_130 = arith.constant 0 : i32
        %dma_start3A_131 = tpu.memref_slice %arg11[%dma_start3A_129, %dma_start3A_130] : memref<10240x128xf32, #tpu.memory_space<vmem_shared>> -> memref<10240x128xf32, #tpu.memory_space<vmem_shared>>
        tpu.enqueue_indirect_dma source(%arg10 : memref<80x128xf32, #tpu.memory_space<vmem>>) target(%dma_start3A_131 : memref<10240x128xf32, #tpu.memory_space<vmem_shared>>) offsets(%dma_start3A_128 : memref<80xi32, #tpu.memory_space<vmem>>) semaphore(%run_scoped3A_125 : memref<!tpu.dma_semaphore, #tpu.memory_space<semaphore_mem>>) {add = true}
        %dma_wait3A_132 = arith.constant 0 : i32
        %dma_wait3A_133 = tpu.memref_slice %arg7[%add3A_111, %dma_wait3A_132] : memref<64x80xi32, #tpu.memory_space<vmem>> -> memref<1x80xi32, #tpu.memory_space<vmem>>
        %dma_wait3A_134 = tpu.memref_squeeze %dma_wait3A_133 : memref<1x80xi32, #tpu.memory_space<vmem>> -> memref<80xi32, #tpu.memory_space<vmem>>
        %dma_wait3A_135 = arith.constant 0 : i32
        %dma_wait3A_136 = arith.constant 0 : i32
        %dma_wait3A_137 = tpu.memref_slice %arg11[%dma_wait3A_135, %dma_wait3A_136] : memref<10240x128xf32, #tpu.memory_space<vmem_shared>> -> memref<10240x128xf32, #tpu.memory_space<vmem_shared>>
        tpu.wait_indirect_dma semaphore(%run_scoped3A_125 : memref<!tpu.dma_semaphore, #tpu.memory_space<semaphore_mem>>) src(%arg10 : memref<80x128xf32, #tpu.memory_space<vmem>>) dst(%dma_wait3A_137 : memref<10240x128xf32, #tpu.memory_space<vmem_shared>>)
        tpu.yield
      }) : () -> ()
      %add3A_118 = arith.constant 3 : i32
      %add3A_119 = arith.addi %add3A_111, %add3A_118 : i32
      %lt3A_120 = arith.constant 64 : i32
      %lt3A_121 = arith.cmpi slt, %add3A_119, %lt3A_120 : i32
      %convert_element_type3A_122 = arith.extui %lt3A_121 : i1 to i32
      %cond3A_123 = arith.constant 0 : i32
      %cond3A_124 = arith.cmpi ne, %convert_element_type3A_122, %cond3A_123 : i32
      scf.if %cond3A_124 {
        %add3A_125 = arith.constant 3 : i32
        %add3A_126 = arith.addi %add3A_111, %add3A_125 : i32
        %dma_start3A_127 = arith.constant 0 : i32
        %dma_start3A_128 = tpu.memref_slice %arg6[%add3A_126, %dma_start3A_127] : memref<64x80xi32, #tpu.memory_space<vmem>> -> memref<1x80xi32, #tpu.memory_space<vmem>>
        %dma_start3A_129 = tpu.memref_squeeze %dma_start3A_128 : memref<1x80xi32, #tpu.memory_space<vmem>> -> memref<80xi32, #tpu.memory_space<vmem>>
        %dma_start3A_130 = arith.constant 0 : i32
        %dma_start3A_131 = arith.constant 0 : i32
        %dma_start3A_132 = tpu.memref_slice %arg2[%dma_start3A_130, %dma_start3A_131] : memref<10000x128xf32, #tpu.memory_space<hbm>> -> memref<10000x128xf32, #tpu.memory_space<hbm>>
        tpu.enqueue_indirect_dma source(%dma_start3A_132 : memref<10000x128xf32, #tpu.memory_space<hbm>>) target(%arg10 : memref<80x128xf32, #tpu.memory_space<vmem>>) offsets(%dma_start3A_129 : memref<80xi32, #tpu.memory_space<vmem>>) semaphore(%arg14 : memref<!tpu.dma_semaphore, #tpu.memory_space<semaphore_mem>>)
      } else {
      }
    }
    %scan3A_62 = arith.constant 21 : i32
    %dma_wait3A_63 = arith.constant 63 : i32
    %dma_wait3A_64 = arith.constant 0 : i32
    %dma_wait3A_65 = tpu.memref_slice %arg6[%dma_wait3A_63, %dma_wait3A_64] : memref<64x80xi32, #tpu.memory_space<vmem>> -> memref<1x80xi32, #tpu.memory_space<vmem>>
    %dma_wait3A_66 = tpu.memref_squeeze %dma_wait3A_65 : memref<1x80xi32, #tpu.memory_space<vmem>> -> memref<80xi32, #tpu.memory_space<vmem>>
    %dma_wait3A_67 = arith.constant 0 : i32
    %dma_wait3A_68 = arith.constant 0 : i32
    %dma_wait3A_69 = tpu.memref_slice %arg2[%dma_wait3A_67, %dma_wait3A_68] : memref<10000x128xf32, #tpu.memory_space<hbm>> -> memref<10000x128xf32, #tpu.memory_space<hbm>>
    tpu.wait_indirect_dma semaphore(%arg12 : memref<!tpu.dma_semaphore, #tpu.memory_space<semaphore_mem>>) src(%dma_wait3A_69 : memref<10000x128xf32, #tpu.memory_space<hbm>>) dst(%arg8 : memref<80x128xf32, #tpu.memory_space<vmem>>)
    %run_scoped3A_70 = arith.constant 63 : i32
    "tpu.region"() ({
      %run_scoped3A_76 = tpu.sem_alloc : memref<!tpu.dma_semaphore, #tpu.memory_space<semaphore_mem>>
      %dma_start3A_77 = arith.constant 0 : i32
      %dma_start3A_78 = tpu.memref_slice %arg7[%run_scoped3A_70, %dma_start3A_77] : memref<64x80xi32, #tpu.memory_space<vmem>> -> memref<1x80xi32, #tpu.memory_space<vmem>>
      %dma_start3A_79 = tpu.memref_squeeze %dma_start3A_78 : memref<1x80xi32, #tpu.memory_space<vmem>> -> memref<80xi32, #tpu.memory_space<vmem>>
      %dma_start3A_80 = arith.constant 0 : i32
      %dma_start3A_81 = arith.constant 0 : i32
      %dma_start3A_82 = tpu.memref_slice %arg11[%dma_start3A_80, %dma_start3A_81] : memref<10240x128xf32, #tpu.memory_space<vmem_shared>> -> memref<10240x128xf32, #tpu.memory_space<vmem_shared>>
      tpu.enqueue_indirect_dma source(%arg8 : memref<80x128xf32, #tpu.memory_space<vmem>>) target(%dma_start3A_82 : memref<10240x128xf32, #tpu.memory_space<vmem_shared>>) offsets(%dma_start3A_79 : memref<80xi32, #tpu.memory_space<vmem>>) semaphore(%run_scoped3A_76 : memref<!tpu.dma_semaphore, #tpu.memory_space<semaphore_mem>>) {add = true}
      %dma_wait3A_83 = arith.constant 0 : i32
      %dma_wait3A_84 = tpu.memref_slice %arg7[%run_scoped3A_70, %dma_wait3A_83] : memref<64x80xi32, #tpu.memory_space<vmem>> -> memref<1x80xi32, #tpu.memory_space<vmem>>
      %dma_wait3A_85 = tpu.memref_squeeze %dma_wait3A_84 : memref<1x80xi32, #tpu.memory_space<vmem>> -> memref<80xi32, #tpu.memory_space<vmem>>
      %dma_wait3A_86 = arith.constant 0 : i32
      %dma_wait3A_87 = arith.constant 0 : i32
      %dma_wait3A_88 = tpu.memref_slice %arg11[%dma_wait3A_86, %dma_wait3A_87] : memref<10240x128xf32, #tpu.memory_space<vmem_shared>> -> memref<10240x128xf32, #tpu.memory_space<vmem_shared>>
      tpu.wait_indirect_dma semaphore(%run_scoped3A_76 : memref<!tpu.dma_semaphore, #tpu.memory_space<semaphore_mem>>) src(%arg8 : memref<80x128xf32, #tpu.memory_space<vmem>>) dst(%dma_wait3A_88 : memref<10240x128xf32, #tpu.memory_space<vmem_shared>>)
      tpu.yield
    }) : () -> ()
    %barrier3A_71 = arith.constant 0 : index
    tpu.barrier barrier_id(%barrier3A_71)
    %mul3A_72 = arith.constant 640 : i32
    %mul3A_73 = arith.muli %arg1, %mul3A_72 : i32
    %mul3A_74 = arith.constant 640 : i32
    %mul3A_75 = arith.muli %arg1, %mul3A_74 : i32
    "tpu.region"() ({
      %run_scoped3A_76 = tpu.sem_alloc : memref<!tpu.dma_semaphore, #tpu.memory_space<semaphore_mem>>
      %dma_start3A_77 = arith.constant 0 : i32
      %dma_start3A_78 = tpu.memref_slice %arg5[%arg0, %mul3A_75, %dma_start3A_77] : memref<2x10240x128xf32, #tpu.memory_space<hbm>> -> memref<1x640x128xf32, #tpu.memory_space<hbm>>
      %dma_start3A_79 = tpu.memref_squeeze %dma_start3A_78 : memref<1x640x128xf32, #tpu.memory_space<hbm>> -> memref<640x128xf32, #tpu.memory_space<hbm>>
      %dma_start3A_80 = arith.constant 0 : i32
      %dma_start3A_81 = tpu.memref_slice %arg11[%mul3A_73, %dma_start3A_80] : memref<10240x128xf32, #tpu.memory_space<vmem_shared>> -> memref<640x128xf32, #tpu.memory_space<vmem_shared>>
      tpu.enqueue_dma source(%dma_start3A_81 : memref<640x128xf32, #tpu.memory_space<vmem_shared>>) target(%dma_start3A_79 : memref<640x128xf32, #tpu.memory_space<hbm>>) target_semaphore(%run_scoped3A_76 : memref<!tpu.dma_semaphore, #tpu.memory_space<semaphore_mem>>)
      %dma_wait3A_82 = arith.constant 0 : i32
      %dma_wait3A_83 = tpu.memref_slice %arg5[%arg0, %mul3A_75, %dma_wait3A_82] : memref<2x10240x128xf32, #tpu.memory_space<hbm>> -> memref<1x640x128xf32, #tpu.memory_space<hbm>>
      %dma_wait3A_84 = tpu.memref_squeeze %dma_wait3A_83 : memref<1x640x128xf32, #tpu.memory_space<hbm>> -> memref<640x128xf32, #tpu.memory_space<hbm>>
      %dma_wait3A_85 = arith.constant 0 : i32
      %dma_wait3A_86 = tpu.memref_slice %arg11[%mul3A_73, %dma_wait3A_85] : memref<10240x128xf32, #tpu.memory_space<vmem_shared>> -> memref<640x128xf32, #tpu.memory_space<vmem_shared>>
      tpu.wait_dma2 semaphore(%run_scoped3A_76 : memref<!tpu.dma_semaphore, #tpu.memory_space<semaphore_mem>>) src(%dma_wait3A_86 : memref<640x128xf32, #tpu.memory_space<vmem_shared>>) dst(%dma_wait3A_84 : memref<640x128xf32, #tpu.memory_space<hbm>>)
      tpu.yield
    }) : () -> ()
    return
  }
}

module attributes {stable_mosaic.version = 14 : i64} {
  func.func @body(%arg0: memref<10000x128xf32, #tpu.memory_space<vmem>>, %arg1: memref<2x10240x128xf32, #tpu.memory_space<vmem>>, %arg2: memref<128x128xf32, #tpu.memory_space<vmem>>, %arg3: memref<1x128xf32, #tpu.memory_space<vmem>>, %arg4: memref<128x128xf32, #tpu.memory_space<vmem>>, %arg5: memref<1x128xf32, #tpu.memory_space<vmem>>, %arg6: memref<1x128xf32, #tpu.memory_space<vmem>>, %arg7: memref<1x128xf32, #tpu.memory_space<vmem>>, %arg8: memref<10000x128xf32, #tpu.memory_space<vmem>>) attributes {dimension_semantics = [], scalar_prefetch = 0 : i64, scratch_operands = 0 : i64, tpu.core_type = #tpu.core_type<tc>} {
    %get3A = arith.constant 0 : index
    %get3A_0 = arith.constant 0 : index
    %get3A_1 = vector.load %arg0[%get3A, %get3A_0] : memref<10000x128xf32, #tpu.memory_space<vmem>>, vector<10000x128xf32>
    %get3A_2 = arith.constant 0 : index
    %get3A_3 = arith.constant 0 : index
    %get3A_4 = arith.constant 0 : index
    %get3A_5 = vector.load %arg1[%get3A_2, %get3A_3, %get3A_4] : memref<2x10240x128xf32, #tpu.memory_space<vmem>>, vector<1x10000x128xf32>
    %get3A_6 = vector.shape_cast %get3A_5 : vector<1x10000x128xf32> to vector<10000x128xf32>
    %add3A = arith.addf %get3A_1, %get3A_6 : vector<10000x128xf32>
    %get3A_7 = arith.constant 1 : index
    %get3A_8 = arith.constant 0 : index
    %get3A_9 = arith.constant 0 : index
    %get3A_10 = vector.load %arg1[%get3A_7, %get3A_8, %get3A_9] : memref<2x10240x128xf32, #tpu.memory_space<vmem>>, vector<1x10000x128xf32>
    %get3A_11 = vector.shape_cast %get3A_10 : vector<1x10000x128xf32> to vector<10000x128xf32>
    %add3A_12 = arith.addf %add3A, %get3A_11 : vector<10000x128xf32>
    %get3A_13 = arith.constant 0 : index
    %get3A_14 = arith.constant 0 : index
    %get3A_15 = vector.load %arg2[%get3A_13, %get3A_14] : memref<128x128xf32, #tpu.memory_space<vmem>>, vector<128x128xf32>
    %dot_general3A = arith.constant dense<0.000000e+00> : vector<10000x128xf32>
    %dot_general3A_16 = tpu.matmul %add3A_12, %get3A_15, %dot_general3A {dimension_numbers = #tpu.dot_dimension_numbers<[1], [0], [0], [1], [0, 0, 1, 1], [], []>, transpose_lhs_hint = false} : vector<10000x128xf32>, vector<128x128xf32>, vector<10000x128xf32> -> vector<10000x128xf32>
    %get3A_17 = arith.constant 0 : index
    %get3A_18 = arith.constant 0 : index
    %get3A_19 = vector.load %arg3[%get3A_17, %get3A_18] : memref<1x128xf32, #tpu.memory_space<vmem>>, vector<1x128xf32>
    %add3A_20 = vector.broadcast %get3A_19 : vector<1x128xf32> to vector<10000x128xf32>
    %add3A_21 = arith.addf %dot_general3A_16, %add3A_20 : vector<10000x128xf32>
    %max3A = arith.constant 0.000000e+00 : f32
    %max3A_22 = vector.broadcast %max3A : f32 to vector<10000x128xf32>
    %max3A_23 = arith.maximumf %add3A_21, %max3A_22 : vector<10000x128xf32>
    %get3A_24 = arith.constant 0 : index
    %get3A_25 = arith.constant 0 : index
    %get3A_26 = vector.load %arg4[%get3A_24, %get3A_25] : memref<128x128xf32, #tpu.memory_space<vmem>>, vector<128x128xf32>
    %dot_general3A_27 = arith.constant dense<0.000000e+00> : vector<10000x128xf32>
    %dot_general3A_28 = tpu.matmul %max3A_23, %get3A_26, %dot_general3A_27 {dimension_numbers = #tpu.dot_dimension_numbers<[1], [0], [0], [1], [0, 0, 1, 1], [], []>, transpose_lhs_hint = false} : vector<10000x128xf32>, vector<128x128xf32>, vector<10000x128xf32> -> vector<10000x128xf32>
    %get3A_29 = arith.constant 0 : index
    %get3A_30 = arith.constant 0 : index
    %get3A_31 = vector.load %arg5[%get3A_29, %get3A_30] : memref<1x128xf32, #tpu.memory_space<vmem>>, vector<1x128xf32>
    %add3A_32 = vector.broadcast %get3A_31 : vector<1x128xf32> to vector<10000x128xf32>
    %add3A_33 = arith.addf %dot_general3A_28, %add3A_32 : vector<10000x128xf32>
    %max3A_34 = arith.constant 0.000000e+00 : f32
    %max3A_35 = vector.broadcast %max3A_34 : f32 to vector<10000x128xf32>
    %max3A_36 = arith.maximumf %add3A_33, %max3A_35 : vector<10000x128xf32>
    %reduce_sum3A = arith.constant dense<0.000000e+00> : vector<128xf32>
    %reduce_sum3A_37 = vector.multi_reduction <add>, %max3A_36, %reduce_sum3A [0] : vector<10000x128xf32> to vector<128xf32>
    %broadcast_in_dim3A = vector.shape_cast %reduce_sum3A_37 : vector<128xf32> to vector<1x128xf32>
    %div3A = arith.constant 1.000000e+04 : f32
    %div3A_38 = vector.broadcast %div3A : f32 to vector<1x128xf32>
    %div3A_39 = arith.divf %broadcast_in_dim3A, %div3A_38 : vector<1x128xf32>
    %sub3A = vector.broadcast %div3A_39 : vector<1x128xf32> to vector<10000x128xf32>
    %sub3A_40 = arith.subf %max3A_36, %sub3A : vector<10000x128xf32>
    %integer_pow3A = arith.mulf %sub3A_40, %sub3A_40 : vector<10000x128xf32>
    %reduce_sum3A_41 = arith.constant dense<0.000000e+00> : vector<128xf32>
    %reduce_sum3A_42 = vector.multi_reduction <add>, %integer_pow3A, %reduce_sum3A_41 [0] : vector<10000x128xf32> to vector<128xf32>
    %broadcast_in_dim3A_43 = vector.shape_cast %reduce_sum3A_42 : vector<128xf32> to vector<1x128xf32>
    %div3A_44 = arith.constant 1.000000e+04 : f32
    %div3A_45 = vector.broadcast %div3A_44 : f32 to vector<1x128xf32>
    %div3A_46 = arith.divf %broadcast_in_dim3A_43, %div3A_45 : vector<1x128xf32>
    %sub3A_47 = vector.broadcast %div3A_39 : vector<1x128xf32> to vector<10000x128xf32>
    %sub3A_48 = arith.subf %max3A_36, %sub3A_47 : vector<10000x128xf32>
    %add3A_49 = arith.constant 9.99999974E-6 : f32
    %add3A_50 = vector.broadcast %add3A_49 : f32 to vector<1x128xf32>
    %add3A_51 = arith.addf %div3A_46, %add3A_50 : vector<1x128xf32>
    %rsqrt3A = math.rsqrt %add3A_51 : vector<1x128xf32>
    %mul3A = vector.broadcast %rsqrt3A : vector<1x128xf32> to vector<10000x128xf32>
    %mul3A_52 = arith.mulf %sub3A_48, %mul3A : vector<10000x128xf32>
    %get3A_53 = arith.constant 0 : index
    %get3A_54 = arith.constant 0 : index
    %get3A_55 = vector.load %arg6[%get3A_53, %get3A_54] : memref<1x128xf32, #tpu.memory_space<vmem>>, vector<1x128xf32>
    %mul3A_56 = vector.broadcast %get3A_55 : vector<1x128xf32> to vector<10000x128xf32>
    %mul3A_57 = arith.mulf %mul3A_52, %mul3A_56 : vector<10000x128xf32>
    %get3A_58 = arith.constant 0 : index
    %get3A_59 = arith.constant 0 : index
    %get3A_60 = vector.load %arg7[%get3A_58, %get3A_59] : memref<1x128xf32, #tpu.memory_space<vmem>>, vector<1x128xf32>
    %add3A_61 = vector.broadcast %get3A_60 : vector<1x128xf32> to vector<10000x128xf32>
    %add3A_62 = arith.addf %mul3A_57, %add3A_61 : vector<10000x128xf32>
    %swap3A = arith.constant 0 : index
    %swap3A_63 = arith.constant 0 : index
    %swap3A_64 = vector.load %arg8[%swap3A, %swap3A_63] : memref<10000x128xf32, #tpu.memory_space<vmem>>, vector<10000x128xf32>
    tpu.vector_store %arg8[%swap3A, %swap3A_63], %add3A_62 {strides = array<i32>} : memref<10000x128xf32, #tpu.memory_space<vmem>>, vector<10000x128xf32>,
    return
  }
}

module attributes {stable_mosaic.version = 14 : i64} {
  func.func @body(%arg0: memref<10000x128xf32, #tpu.memory_space<vmem>>, %arg1: memref<1x10000xi32, #tpu.memory_space<vmem>>, %arg2: memref<1x128xf32, #tpu.memory_space<vmem>>, %arg3: memref<1x1xf32, #tpu.memory_space<vmem>>, %arg4: memref<128x128xf32, #tpu.memory_space<vmem>>, %arg5: memref<1x128xf32, #tpu.memory_space<vmem>>, %arg6: memref<1x128xf32, #tpu.memory_space<vmem>>, %arg7: memref<1x128xf32, #tpu.memory_space<vmem>>, %arg8: memref<128x128xf32, #tpu.memory_space<vmem>>, %arg9: memref<1x128xf32, #tpu.memory_space<vmem>>, %arg10: memref<1x128xf32, #tpu.memory_space<vmem>>, %arg11: memref<1x128xf32, #tpu.memory_space<vmem>>, %arg12: memref<128x128xf32, #tpu.memory_space<vmem>>, %arg13: memref<1x128xf32, #tpu.memory_space<vmem>>, %arg14: memref<1x128xf32, #tpu.memory_space<vmem>>, %arg15: memref<1x128xf32, #tpu.memory_space<vmem>>, %arg16: memref<128x128xf32, #tpu.memory_space<vmem>>, %arg17: memref<1x128xf32, #tpu.memory_space<vmem>>, %arg18: memref<1x128xf32, #tpu.memory_space<vmem>>, %arg19: memref<1x128xf32, #tpu.memory_space<vmem>>, %arg20: memref<10000x128xf32, #tpu.memory_space<vmem>>, %arg21: memref<10000x128xf32, #tpu.memory_space<vmem>>, %arg22: memref<128x128xf32, #tpu.memory_space<vmem>>, %arg23: memref<128x128xf32, #tpu.memory_space<vmem>>) attributes {dimension_semantics = [], scalar_prefetch = 0 : i64, scratch_operands = 0 : i64, tpu.core_type = #tpu.core_type<tc>} {
    %get3A = arith.constant 0 : index
    %get3A_0 = arith.constant 0 : index
    %get3A_1 = vector.load %arg0[%get3A, %get3A_0] : memref<10000x128xf32, #tpu.memory_space<vmem>>, vector<10000x128xf32>
    %get3A_2 = arith.constant 0 : index
    %get3A_3 = arith.constant 0 : index
    %get3A_4 = vector.load %arg2[%get3A_2, %get3A_3] : memref<1x128xf32, #tpu.memory_space<vmem>>, vector<1x128xf32>
    %mul3A = vector.broadcast %get3A_4 : vector<1x128xf32> to vector<10000x128xf32>
    %mul3A_5 = arith.mulf %get3A_1, %mul3A : vector<10000x128xf32>
    %reduce_sum3A = arith.constant dense<0.000000e+00> : vector<10000xf32>
    %reduce_sum3A_6 = vector.multi_reduction <add>, %mul3A_5, %reduce_sum3A [1] : vector<10000x128xf32> to vector<10000xf32>
    %broadcast_in_dim3A = vector.shape_cast %reduce_sum3A_6 : vector<10000xf32> to vector<10000x1xf32>
    %get3A_7 = arith.constant 0 : index
    %get3A_8 = arith.constant 0 : index
    %get3A_9 = vector.load %arg3[%get3A_7, %get3A_8] : memref<1x1xf32, #tpu.memory_space<vmem>>, vector<1x1xf32>
    %add3A = vector.broadcast %get3A_9 : vector<1x1xf32> to vector<10000x1xf32>
    %add3A_10 = arith.addf %broadcast_in_dim3A, %add3A : vector<10000x1xf32>
    %logistic3A = arith.negf %add3A_10 : vector<10000x1xf32>
    %logistic3A_11 = math.exp %logistic3A : vector<10000x1xf32>
    %logistic3A_12 = arith.constant 1.000000e+00 : f32
    %logistic3A_13 = vector.broadcast %logistic3A_12 : f32 to vector<10000x1xf32>
    %logistic3A_14 = arith.addf %logistic3A_13, %logistic3A_11 : vector<10000x1xf32>
    %logistic3A_15 = arith.divf %logistic3A_13, %logistic3A_14 : vector<10000x1xf32>
    %mul3A_16 = vector.broadcast %logistic3A_15 : vector<10000x1xf32> to vector<10000x128xf32>
    %mul3A_17 = arith.mulf %mul3A_16, %get3A_1 : vector<10000x128xf32>
    %sub3A = arith.subf %get3A_1, %mul3A_17 : vector<10000x128xf32>
    %get3A_18 = arith.constant 0 : index
    %get3A_19 = arith.constant 0 : index
    %get3A_20 = vector.load %arg1[%get3A_18, %get3A_19] : memref<1x10000xi32, #tpu.memory_space<vmem>>, vector<1x10000xi32>
    %iota3A = tpu.iota {dimensions = array<i32: 0>} : vector<128x10000xi32>
    %eq3A = vector.broadcast %get3A_20 : vector<1x10000xi32> to vector<128x10000xi32>
    %eq3A_21 = arith.cmpi eq, %iota3A, %eq3A : vector<128x10000xi32>
    %convert_element_type3A = arith.extui %eq3A_21 : vector<128x10000xi1> to vector<128x10000xi32>
    %convert_element_type3A_22 = arith.sitofp %convert_element_type3A : vector<128x10000xi32> to vector<128x10000xf32>
    %dot_general3A = arith.constant dense<0.000000e+00> : vector<128x128xf32>
    %dot_general3A_23 = tpu.matmul %convert_element_type3A_22, %mul3A_17, %dot_general3A {dimension_numbers = #tpu.dot_dimension_numbers<[1], [0], [0], [1], [0, 0, 1, 1], [], []>, precision = #tpu.contract_precision<fp32>, transpose_lhs_hint = false} : vector<128x10000xf32>, vector<10000x128xf32>, vector<128x128xf32> -> vector<128x128xf32>
    %get3A_24 = arith.constant 0 : index
    %get3A_25 = arith.constant 0 : index
    %get3A_26 = vector.load %arg4[%get3A_24, %get3A_25] : memref<128x128xf32, #tpu.memory_space<vmem>>, vector<128x128xf32>
    %dot_general3A_27 = arith.constant dense<0.000000e+00> : vector<10000x128xf32>
    %dot_general3A_28 = tpu.matmul %sub3A, %get3A_26, %dot_general3A_27 {dimension_numbers = #tpu.dot_dimension_numbers<[1], [0], [0], [1], [0, 0, 1, 1], [], []>, transpose_lhs_hint = false} : vector<10000x128xf32>, vector<128x128xf32>, vector<10000x128xf32> -> vector<10000x128xf32>
    %get3A_29 = arith.constant 0 : index
    %get3A_30 = arith.constant 0 : index
    %get3A_31 = vector.load %arg5[%get3A_29, %get3A_30] : memref<1x128xf32, #tpu.memory_space<vmem>>, vector<1x128xf32>
    %add3A_32 = vector.broadcast %get3A_31 : vector<1x128xf32> to vector<10000x128xf32>
    %add3A_33 = arith.addf %dot_general3A_28, %add3A_32 : vector<10000x128xf32>
    %max3A = arith.constant 0.000000e+00 : f32
    %max3A_34 = vector.broadcast %max3A : f32 to vector<10000x128xf32>
    %max3A_35 = arith.maximumf %add3A_33, %max3A_34 : vector<10000x128xf32>
    %get3A_36 = arith.constant 0 : index
    %get3A_37 = arith.constant 0 : index
    %get3A_38 = vector.load %arg6[%get3A_36, %get3A_37] : memref<1x128xf32, #tpu.memory_space<vmem>>, vector<1x128xf32>
    %get3A_39 = arith.constant 0 : index
    %get3A_40 = arith.constant 0 : index
    %get3A_41 = vector.load %arg7[%get3A_39, %get3A_40] : memref<1x128xf32, #tpu.memory_space<vmem>>, vector<1x128xf32>
    %reduce_sum3A_42 = arith.constant dense<0.000000e+00> : vector<128xf32>
    %reduce_sum3A_43 = vector.multi_reduction <add>, %max3A_35, %reduce_sum3A_42 [0] : vector<10000x128xf32> to vector<128xf32>
    %broadcast_in_dim3A_44 = vector.shape_cast %reduce_sum3A_43 : vector<128xf32> to vector<1x128xf32>
    %div3A = arith.constant 1.000000e+04 : f32
    %div3A_45 = vector.broadcast %div3A : f32 to vector<1x128xf32>
    %div3A_46 = arith.divf %broadcast_in_dim3A_44, %div3A_45 : vector<1x128xf32>
    %sub3A_47 = vector.broadcast %div3A_46 : vector<1x128xf32> to vector<10000x128xf32>
    %sub3A_48 = arith.subf %max3A_35, %sub3A_47 : vector<10000x128xf32>
    %integer_pow3A = arith.mulf %sub3A_48, %sub3A_48 : vector<10000x128xf32>
    %reduce_sum3A_49 = arith.constant dense<0.000000e+00> : vector<128xf32>
    %reduce_sum3A_50 = vector.multi_reduction <add>, %integer_pow3A, %reduce_sum3A_49 [0] : vector<10000x128xf32> to vector<128xf32>
    %broadcast_in_dim3A_51 = vector.shape_cast %reduce_sum3A_50 : vector<128xf32> to vector<1x128xf32>
    %div3A_52 = arith.constant 1.000000e+04 : f32
    %div3A_53 = vector.broadcast %div3A_52 : f32 to vector<1x128xf32>
    %div3A_54 = arith.divf %broadcast_in_dim3A_51, %div3A_53 : vector<1x128xf32>
    %sub3A_55 = vector.broadcast %div3A_46 : vector<1x128xf32> to vector<10000x128xf32>
    %sub3A_56 = arith.subf %max3A_35, %sub3A_55 : vector<10000x128xf32>
    %add3A_57 = arith.constant 9.99999974E-6 : f32
    %add3A_58 = vector.broadcast %add3A_57 : f32 to vector<1x128xf32>
    %add3A_59 = arith.addf %div3A_54, %add3A_58 : vector<1x128xf32>
    %rsqrt3A = math.rsqrt %add3A_59 : vector<1x128xf32>
    %mul3A_60 = vector.broadcast %rsqrt3A : vector<1x128xf32> to vector<10000x128xf32>
    %mul3A_61 = arith.mulf %sub3A_56, %mul3A_60 : vector<10000x128xf32>
    %mul3A_62 = vector.broadcast %get3A_38 : vector<1x128xf32> to vector<10000x128xf32>
    %mul3A_63 = arith.mulf %mul3A_61, %mul3A_62 : vector<10000x128xf32>
    %add3A_64 = vector.broadcast %get3A_41 : vector<1x128xf32> to vector<10000x128xf32>
    %add3A_65 = arith.addf %mul3A_63, %add3A_64 : vector<10000x128xf32>
    %swap3A = arith.constant 0 : index
    %swap3A_66 = arith.constant 0 : index
    %swap3A_67 = vector.load %arg20[%swap3A, %swap3A_66] : memref<10000x128xf32, #tpu.memory_space<vmem>>, vector<10000x128xf32>
    tpu.vector_store %arg20[%swap3A, %swap3A_66], %add3A_65 {strides = array<i32>} : memref<10000x128xf32, #tpu.memory_space<vmem>>, vector<10000x128xf32>,
    %get3A_68 = arith.constant 0 : index
    %get3A_69 = arith.constant 0 : index
    %get3A_70 = vector.load %arg8[%get3A_68, %get3A_69] : memref<128x128xf32, #tpu.memory_space<vmem>>, vector<128x128xf32>
    %dot_general3A_71 = arith.constant dense<0.000000e+00> : vector<10000x128xf32>
    %dot_general3A_72 = tpu.matmul %sub3A, %get3A_70, %dot_general3A_71 {dimension_numbers = #tpu.dot_dimension_numbers<[1], [0], [0], [1], [0, 0, 1, 1], [], []>, transpose_lhs_hint = false} : vector<10000x128xf32>, vector<128x128xf32>, vector<10000x128xf32> -> vector<10000x128xf32>
    %get3A_73 = arith.constant 0 : index
    %get3A_74 = arith.constant 0 : index
    %get3A_75 = vector.load %arg9[%get3A_73, %get3A_74] : memref<1x128xf32, #tpu.memory_space<vmem>>, vector<1x128xf32>
    %add3A_76 = vector.broadcast %get3A_75 : vector<1x128xf32> to vector<10000x128xf32>
    %add3A_77 = arith.addf %dot_general3A_72, %add3A_76 : vector<10000x128xf32>
    %max3A_78 = arith.constant 0.000000e+00 : f32
    %max3A_79 = vector.broadcast %max3A_78 : f32 to vector<10000x128xf32>
    %max3A_80 = arith.maximumf %add3A_77, %max3A_79 : vector<10000x128xf32>
    %get3A_81 = arith.constant 0 : index
    %get3A_82 = arith.constant 0 : index
    %get3A_83 = vector.load %arg10[%get3A_81, %get3A_82] : memref<1x128xf32, #tpu.memory_space<vmem>>, vector<1x128xf32>
    %get3A_84 = arith.constant 0 : index
    %get3A_85 = arith.constant 0 : index
    %get3A_86 = vector.load %arg11[%get3A_84, %get3A_85] : memref<1x128xf32, #tpu.memory_space<vmem>>, vector<1x128xf32>
    %reduce_sum3A_87 = arith.constant dense<0.000000e+00> : vector<128xf32>
    %reduce_sum3A_88 = vector.multi_reduction <add>, %max3A_80, %reduce_sum3A_87 [0] : vector<10000x128xf32> to vector<128xf32>
    %broadcast_in_dim3A_89 = vector.shape_cast %reduce_sum3A_88 : vector<128xf32> to vector<1x128xf32>
    %div3A_90 = arith.constant 1.000000e+04 : f32
    %div3A_91 = vector.broadcast %div3A_90 : f32 to vector<1x128xf32>
    %div3A_92 = arith.divf %broadcast_in_dim3A_89, %div3A_91 : vector<1x128xf32>
    %sub3A_93 = vector.broadcast %div3A_92 : vector<1x128xf32> to vector<10000x128xf32>
    %sub3A_94 = arith.subf %max3A_80, %sub3A_93 : vector<10000x128xf32>
    %integer_pow3A_95 = arith.mulf %sub3A_94, %sub3A_94 : vector<10000x128xf32>
    %reduce_sum3A_96 = arith.constant dense<0.000000e+00> : vector<128xf32>
    %reduce_sum3A_97 = vector.multi_reduction <add>, %integer_pow3A_95, %reduce_sum3A_96 [0] : vector<10000x128xf32> to vector<128xf32>
    %broadcast_in_dim3A_98 = vector.shape_cast %reduce_sum3A_97 : vector<128xf32> to vector<1x128xf32>
    %div3A_99 = arith.constant 1.000000e+04 : f32
    %div3A_100 = vector.broadcast %div3A_99 : f32 to vector<1x128xf32>
    %div3A_101 = arith.divf %broadcast_in_dim3A_98, %div3A_100 : vector<1x128xf32>
    %sub3A_102 = vector.broadcast %div3A_92 : vector<1x128xf32> to vector<10000x128xf32>
    %sub3A_103 = arith.subf %max3A_80, %sub3A_102 : vector<10000x128xf32>
    %add3A_104 = arith.constant 9.99999974E-6 : f32
    %add3A_105 = vector.broadcast %add3A_104 : f32 to vector<1x128xf32>
    %add3A_106 = arith.addf %div3A_101, %add3A_105 : vector<1x128xf32>
    %rsqrt3A_107 = math.rsqrt %add3A_106 : vector<1x128xf32>
    %mul3A_108 = vector.broadcast %rsqrt3A_107 : vector<1x128xf32> to vector<10000x128xf32>
    %mul3A_109 = arith.mulf %sub3A_103, %mul3A_108 : vector<10000x128xf32>
    %mul3A_110 = vector.broadcast %get3A_83 : vector<1x128xf32> to vector<10000x128xf32>
    %mul3A_111 = arith.mulf %mul3A_109, %mul3A_110 : vector<10000x128xf32>
    %add3A_112 = vector.broadcast %get3A_86 : vector<1x128xf32> to vector<10000x128xf32>
    %add3A_113 = arith.addf %mul3A_111, %add3A_112 : vector<10000x128xf32>
    %swap3A_114 = arith.constant 0 : index
    %swap3A_115 = arith.constant 0 : index
    %swap3A_116 = vector.load %arg21[%swap3A_114, %swap3A_115] : memref<10000x128xf32, #tpu.memory_space<vmem>>, vector<10000x128xf32>
    tpu.vector_store %arg21[%swap3A_114, %swap3A_115], %add3A_113 {strides = array<i32>} : memref<10000x128xf32, #tpu.memory_space<vmem>>, vector<10000x128xf32>,
    %get3A_117 = arith.constant 0 : index
    %get3A_118 = arith.constant 0 : index
    %get3A_119 = vector.load %arg12[%get3A_117, %get3A_118] : memref<128x128xf32, #tpu.memory_space<vmem>>, vector<128x128xf32>
    %dot_general3A_120 = arith.constant dense<0.000000e+00> : vector<128x128xf32>
    %dot_general3A_121 = tpu.matmul %dot_general3A_23, %get3A_119, %dot_general3A_120 {dimension_numbers = #tpu.dot_dimension_numbers<[1], [0], [0], [1], [0, 0, 1, 1], [], []>, transpose_lhs_hint = false} : vector<128x128xf32>, vector<128x128xf32>, vector<128x128xf32> -> vector<128x128xf32>
    %get3A_122 = arith.constant 0 : index
    %get3A_123 = arith.constant 0 : index
    %get3A_124 = vector.load %arg13[%get3A_122, %get3A_123] : memref<1x128xf32, #tpu.memory_space<vmem>>, vector<1x128xf32>
    %add3A_125 = vector.broadcast %get3A_124 : vector<1x128xf32> to vector<128x128xf32>
    %add3A_126 = arith.addf %dot_general3A_121, %add3A_125 : vector<128x128xf32>
    %max3A_127 = arith.constant 0.000000e+00 : f32
    %max3A_128 = vector.broadcast %max3A_127 : f32 to vector<128x128xf32>
    %max3A_129 = arith.maximumf %add3A_126, %max3A_128 : vector<128x128xf32>
    %get3A_130 = arith.constant 0 : index
    %get3A_131 = arith.constant 0 : index
    %get3A_132 = vector.load %arg14[%get3A_130, %get3A_131] : memref<1x128xf32, #tpu.memory_space<vmem>>, vector<1x128xf32>
    %get3A_133 = arith.constant 0 : index
    %get3A_134 = arith.constant 0 : index
    %get3A_135 = vector.load %arg15[%get3A_133, %get3A_134] : memref<1x128xf32, #tpu.memory_space<vmem>>, vector<1x128xf32>
    %reduce_sum3A_136 = arith.constant dense<0.000000e+00> : vector<128xf32>
    %reduce_sum3A_137 = vector.multi_reduction <add>, %max3A_129, %reduce_sum3A_136 [0] : vector<128x128xf32> to vector<128xf32>
    %broadcast_in_dim3A_138 = vector.shape_cast %reduce_sum3A_137 : vector<128xf32> to vector<1x128xf32>
    %div3A_139 = arith.constant 1.280000e+02 : f32
    %div3A_140 = vector.broadcast %div3A_139 : f32 to vector<1x128xf32>
    %div3A_141 = arith.divf %broadcast_in_dim3A_138, %div3A_140 : vector<1x128xf32>
    %sub3A_142 = vector.broadcast %div3A_141 : vector<1x128xf32> to vector<128x128xf32>
    %sub3A_143 = arith.subf %max3A_129, %sub3A_142 : vector<128x128xf32>
    %integer_pow3A_144 = arith.mulf %sub3A_143, %sub3A_143 : vector<128x128xf32>
    %reduce_sum3A_145 = arith.constant dense<0.000000e+00> : vector<128xf32>
    %reduce_sum3A_146 = vector.multi_reduction <add>, %integer_pow3A_144, %reduce_sum3A_145 [0] : vector<128x128xf32> to vector<128xf32>
    %broadcast_in_dim3A_147 = vector.shape_cast %reduce_sum3A_146 : vector<128xf32> to vector<1x128xf32>
    %div3A_148 = arith.constant 1.280000e+02 : f32
    %div3A_149 = vector.broadcast %div3A_148 : f32 to vector<1x128xf32>
    %div3A_150 = arith.divf %broadcast_in_dim3A_147, %div3A_149 : vector<1x128xf32>
    %sub3A_151 = vector.broadcast %div3A_141 : vector<1x128xf32> to vector<128x128xf32>
    %sub3A_152 = arith.subf %max3A_129, %sub3A_151 : vector<128x128xf32>
    %add3A_153 = arith.constant 9.99999974E-6 : f32
    %add3A_154 = vector.broadcast %add3A_153 : f32 to vector<1x128xf32>
    %add3A_155 = arith.addf %div3A_150, %add3A_154 : vector<1x128xf32>
    %rsqrt3A_156 = math.rsqrt %add3A_155 : vector<1x128xf32>
    %mul3A_157 = vector.broadcast %rsqrt3A_156 : vector<1x128xf32> to vector<128x128xf32>
    %mul3A_158 = arith.mulf %sub3A_152, %mul3A_157 : vector<128x128xf32>
    %mul3A_159 = vector.broadcast %get3A_132 : vector<1x128xf32> to vector<128x128xf32>
    %mul3A_160 = arith.mulf %mul3A_158, %mul3A_159 : vector<128x128xf32>
    %add3A_161 = vector.broadcast %get3A_135 : vector<1x128xf32> to vector<128x128xf32>
    %add3A_162 = arith.addf %mul3A_160, %add3A_161 : vector<128x128xf32>
    %swap3A_163 = arith.constant 0 : index
    %swap3A_164 = arith.constant 0 : index
    %swap3A_165 = vector.load %arg22[%swap3A_163, %swap3A_164] : memref<128x128xf32, #tpu.memory_space<vmem>>, vector<128x128xf32>
    tpu.vector_store %arg22[%swap3A_163, %swap3A_164], %add3A_162 {strides = array<i32>} : memref<128x128xf32, #tpu.memory_space<vmem>>, vector<128x128xf32>,
    %get3A_166 = arith.constant 0 : index
    %get3A_167 = arith.constant 0 : index
    %get3A_168 = vector.load %arg16[%get3A_166, %get3A_167] : memref<128x128xf32, #tpu.memory_space<vmem>>, vector<128x128xf32>
    %dot_general3A_169 = arith.constant dense<0.000000e+00> : vector<128x128xf32>
    %dot_general3A_170 = tpu.matmul %dot_general3A_23, %get3A_168, %dot_general3A_169 {dimension_numbers = #tpu.dot_dimension_numbers<[1], [0], [0], [1], [0, 0, 1, 1], [], []>, transpose_lhs_hint = false} : vector<128x128xf32>, vector<128x128xf32>, vector<128x128xf32> -> vector<128x128xf32>
    %get3A_171 = arith.constant 0 : index
    %get3A_172 = arith.constant 0 : index
    %get3A_173 = vector.load %arg17[%get3A_171, %get3A_172] : memref<1x128xf32, #tpu.memory_space<vmem>>, vector<1x128xf32>
    %add3A_174 = vector.broadcast %get3A_173 : vector<1x128xf32> to vector<128x128xf32>
    %add3A_175 = arith.addf %dot_general3A_170, %add3A_174 : vector<128x128xf32>
    %max3A_176 = arith.constant 0.000000e+00 : f32
    %max3A_177 = vector.broadcast %max3A_176 : f32 to vector<128x128xf32>
    %max3A_178 = arith.maximumf %add3A_175, %max3A_177 : vector<128x128xf32>
    %get3A_179 = arith.constant 0 : index
    %get3A_180 = arith.constant 0 : index
    %get3A_181 = vector.load %arg18[%get3A_179, %get3A_180] : memref<1x128xf32, #tpu.memory_space<vmem>>, vector<1x128xf32>
    %get3A_182 = arith.constant 0 : index
    %get3A_183 = arith.constant 0 : index
    %get3A_184 = vector.load %arg19[%get3A_182, %get3A_183] : memref<1x128xf32, #tpu.memory_space<vmem>>, vector<1x128xf32>
    %reduce_sum3A_185 = arith.constant dense<0.000000e+00> : vector<128xf32>
    %reduce_sum3A_186 = vector.multi_reduction <add>, %max3A_178, %reduce_sum3A_185 [0] : vector<128x128xf32> to vector<128xf32>
    %broadcast_in_dim3A_187 = vector.shape_cast %reduce_sum3A_186 : vector<128xf32> to vector<1x128xf32>
    %div3A_188 = arith.constant 1.280000e+02 : f32
    %div3A_189 = vector.broadcast %div3A_188 : f32 to vector<1x128xf32>
    %div3A_190 = arith.divf %broadcast_in_dim3A_187, %div3A_189 : vector<1x128xf32>
    %sub3A_191 = vector.broadcast %div3A_190 : vector<1x128xf32> to vector<128x128xf32>
    %sub3A_192 = arith.subf %max3A_178, %sub3A_191 : vector<128x128xf32>
    %integer_pow3A_193 = arith.mulf %sub3A_192, %sub3A_192 : vector<128x128xf32>
    %reduce_sum3A_194 = arith.constant dense<0.000000e+00> : vector<128xf32>
    %reduce_sum3A_195 = vector.multi_reduction <add>, %integer_pow3A_193, %reduce_sum3A_194 [0] : vector<128x128xf32> to vector<128xf32>
    %broadcast_in_dim3A_196 = vector.shape_cast %reduce_sum3A_195 : vector<128xf32> to vector<1x128xf32>
    %div3A_197 = arith.constant 1.280000e+02 : f32
    %div3A_198 = vector.broadcast %div3A_197 : f32 to vector<1x128xf32>
    %div3A_199 = arith.divf %broadcast_in_dim3A_196, %div3A_198 : vector<1x128xf32>
    %sub3A_200 = vector.broadcast %div3A_190 : vector<1x128xf32> to vector<128x128xf32>
    %sub3A_201 = arith.subf %max3A_178, %sub3A_200 : vector<128x128xf32>
    %add3A_202 = arith.constant 9.99999974E-6 : f32
    %add3A_203 = vector.broadcast %add3A_202 : f32 to vector<1x128xf32>
    %add3A_204 = arith.addf %div3A_199, %add3A_203 : vector<1x128xf32>
    %rsqrt3A_205 = math.rsqrt %add3A_204 : vector<1x128xf32>
    %mul3A_206 = vector.broadcast %rsqrt3A_205 : vector<1x128xf32> to vector<128x128xf32>
    %mul3A_207 = arith.mulf %sub3A_201, %mul3A_206 : vector<128x128xf32>
    %mul3A_208 = vector.broadcast %get3A_181 : vector<1x128xf32> to vector<128x128xf32>
    %mul3A_209 = arith.mulf %mul3A_207, %mul3A_208 : vector<128x128xf32>
    %add3A_210 = vector.broadcast %get3A_184 : vector<1x128xf32> to vector<128x128xf32>
    %add3A_211 = arith.addf %mul3A_209, %add3A_210 : vector<128x128xf32>
    %swap3A_212 = arith.constant 0 : index
    %swap3A_213 = arith.constant 0 : index
    %swap3A_214 = vector.load %arg23[%swap3A_212, %swap3A_213] : memref<128x128xf32, #tpu.memory_space<vmem>>, vector<128x128xf32>
    tpu.vector_store %arg23[%swap3A_212, %swap3A_213], %add3A_211 {strides = array<i32>} : memref<128x128xf32, #tpu.memory_space<vmem>>, vector<128x128xf32>,
    return
  }
}

</mosaic_0001>

<sc_bundles>
// kernel: kernel.12.cloned.1.call-start
scs
__scs_entry_jumppad:
0x0: {  	(pc) =	sbr.rel $0x88, $3  }
0x1: {  	(tag) =	ssettag $0x0;
	lr =	simm.s32 $0x1  }
0x2: {  	[smem:$0x3F7A] =	sst lr;
	_ =	strace $0xD0000000  }
0x3: {  	_ = 	snop  }
0x4: {  	_ = 	snop  }
0x5: {  	_ = 	snop  }
0x6: {  	_ = 	snop  }
0x7: {  	_ = 	snop  }
__scs_overlays_trampoline_lowered:
0x8: {  	[smem:$0x3F89] =	sst s0  }
0x9: {  	[smem:$0x3F8A] =	sst s1  }
0xa: {  	[smem:$0x3F8B] =	sst s2  }
0xb: {  	[smem:$0x3F8C] =	sst s3  }
0xc: {  	[smem:$0x3F8D] =	sst s4  }
0xd: {  	[smem:$0x3F8E] =	sst s5  }
0xe: {  	[smem:$0x3F8F] =	sst s6  }
0xf: {  	[smem:$0x3F90] =	sst s7  }
0x10: {  	[smem:$0x3F91] =	sst s8  }
0x11: {  	[smem:$0x3F92] =	sst s9;
	s0 =	simm.s32 @!p0 $0x0  }
0x12: {  	s1 =	sld [smem:$0x3F78];
	s0 =	simm.s32 @p0 $0x1  }
0x13: {  	[smem:$0x3F93] =	sst s0;
	s0 =	simm.s32 @!p1 $0x0  }
0x14: {  	s2 =	sld [smem:$0x3F77];
	s0 =	simm.s32 @p1 $0x1  }
0x15: {  	[smem:$0x3F94] =	sst s0;
	s0 =	simm.s32 @!p2 $0x0  }
0x16: {  	s3 =	sld [smem:$0x3FDB];
	s0 =	simm.s32 @p2 $0x1  }
0x17: {  	s4 =	simm.s32 $0x1BF5;
	[smem:$0x3F96] =	sst s0  }
0x18: {  	s0 =	sld [smem:$0x3F79];
	_ =	swait.ge [sflag:s4], $0x0  }
0x19: {  	s7 =	sld [smem:$0x3F7A]  }
0x1a: {  	s8 =	sadd.s32 $0xFFFFE003, lr  }
0x1b: {  	s9 =	sadd.s32 $0xFFFFFEF7, lr;
	s5 =	simm.s32 $0xFFFFFFFF;
	p2 =	slt.u32 s8, $0xFFFFF086  }
0x1c: {  	p1 =	slt.u32 s9, $0xF7A;
	s5 =	simm.s32 @!p2 $0x0  }
0x1d: {  	s5 =	simm.s32 @p1 $0x1;
	p0 =	seq.s32 s7, s2  }
0x1e: {  	s7 =	smul.u32 @!p0 $0xF7A, s2;
	p2 =	seq.s32 @!p0 s5, $0x0  }
0x1f: {  	s9 =	smul.u32 $0xF7A, s1;
	s8 =	simm.s32 @!p0 $0x1BF5;
	p2 =	por !p2, p0  }
0x20: {  	[sflag:s8] =	ssyncset.s32 @!p0 $0xFFFFF086;
	s6 =	sadd.s32 @!p0 s3, s7;
	s7 =	simm.s32 @!p0 $0x108  }
0x21: {  	s3 =	sadd.s32 s3, s9;
	s6 =	sadd.s32 @!p0 $0x88, s6;
	s7 =	simm.s32 @p2 $0x1082  }
0x22: {  	[simem:s7], [sflag:s8] =	dma.local @!p0 [hbm:s6], $0xF7A  }
0x23: {  	s9 =	sor.u32 $0xD0000000, s2;
	s6 =	simm.s32 $0x108;
	_ =	swait.ge @!p0 [sflag:s8], $0x0  }
0x24: {  	s3 =	sadd.s32 $0x88, s3;
	s6 =	simm.s32 @!p1 $0x1082;
	[sflag:s4] =	ssyncset.s32 $0xFFFFF086  }
0x25: {  	[simem:s6], [sflag:s4] =	dma.local [hbm:s3], $0xF7A  }
0x26: {  	[smem:$0x3F7A] =	sst s1;
	(tag) =	ssettag s2;
	_ =	strace s9  }
0x27: {  	s1 =	sld [smem:$0x3F8A]  }
0x28: {  	s2 =	sld [smem:$0x3F8B]  }
0x29: {  	s4 =	sld [smem:$0x3F8D]  }
0x2a: {  	p0 =	seq.s32 s5, $0x0;
	s5 =	sld [smem:$0x3F8E]  }
0x2b: {  	s6 =	sld [smem:$0x3F8F]  }
0x2c: {  	s7 =	sld [smem:$0x3F90]  }
0x2d: {  	s3 =	simm.s32 $0x108;
	s8 =	sld [smem:$0x3F91]  }
0x2e: {  	s3 =	simm.s32 @!p0 $0x1082;
	s9 =	sld [smem:$0x3F92]  }
0x2f: {  	lr =	sadd.s32 s0, s3;
	s0 =	sld [smem:$0x3F89]  }
0x30: {  	s3 =	sld [smem:$0x3F8C]  }
0x31: {  	[smem:$0x3F95] =	sst s10  }
0x32: {  	s10 =	sld [smem:$0x3F93];
	_ =	sdelay $0x3  }
0x33: {  	p0 =	seq.s32 s10, $0x1;
	s10 =	sld [smem:$0x3F95];
	_ =	sdelay $0x3  }
0x34: {  	[smem:$0x3F95] =	sst s10  }
0x35: {  	s10 =	sld [smem:$0x3F94];
	_ =	sdelay $0x3  }
0x36: {  	p1 =	seq.s32 s10, $0x1;
	s10 =	sld [smem:$0x3F95];
	_ =	sdelay $0x3  }
0x37: {  	[smem:$0x3F95] =	sst s10  }
0x38: {  	s10 =	sld [smem:$0x3F96]  }
0x39: {  	_ = 	snop;
	(pc) =	sbr.ind lr, $3  }
0x3a: {  	_ = 	snop  }
0x3b: {  	_ = 	snop  }
0x3c: {  	p2 =	seq.s32 s10, $0x1;
	s10 =	sld [smem:$0x3F95]  }
0x3d: {  	_ =	shalt  }
0x3e: {  	_ =	shalt  }
0x3f: {  	_ =	shalt  }
0x40: {  	_ =	shalt  }
0x41: {  	_ =	shalt  }
0x42: {  	_ =	shalt  }
0x43: {  	_ =	shalt  }
0x44: {  	_ =	shalt  }
0x45: {  	_ =	shalt  }
0x46: {  	_ =	shalt  }
0x47: {  	_ =	shalt  }
0x48: {  	_ =	shalt  }
0x49: {  	_ =	shalt  }
0x4a: {  	_ =	shalt  }
0x4b: {  	_ =	shalt  }
0x4c: {  	_ =	shalt  }
0x4d: {  	_ =	shalt  }
0x4e: {  	_ =	shalt  }
0x4f: {  	_ =	shalt  }
0x50: {  	_ =	shalt  }
0x51: {  	_ =	shalt  }
0x52: {  	_ =	shalt  }
0x53: {  	_ =	shalt  }
0x54: {  	_ =	shalt  }
0x55: {  	_ =	shalt  }
0x56: {  	_ =	shalt  }
0x57: {  	_ =	shalt  }
0x58: {  	_ =	shalt  }
0x59: {  	_ =	shalt  }
0x5a: {  	_ =	shalt  }
0x5b: {  	_ =	shalt  }
0x5c: {  	_ =	shalt  }
0x5d: {  	_ =	shalt  }
0x5e: {  	_ =	shalt  }
0x5f: {  	_ =	shalt  }
0x60: {  	_ =	shalt  }
0x61: {  	_ =	shalt  }
0x62: {  	_ =	shalt  }
0x63: {  	_ =	shalt  }
0x64: {  	_ =	shalt  }
0x65: {  	_ =	shalt  }
0x66: {  	_ =	shalt  }
0x67: {  	_ =	shalt  }
0x68: {  	_ =	shalt  }
0x69: {  	_ =	shalt  }
0x6a: {  	_ =	shalt  }
0x6b: {  	_ =	shalt  }
0x6c: {  	_ =	shalt  }
0x6d: {  	_ =	shalt  }
0x6e: {  	_ =	shalt  }
0x6f: {  	_ =	shalt  }
0x70: {  	_ =	shalt  }
0x71: {  	_ =	shalt  }
0x72: {  	_ =	shalt  }
0x73: {  	_ =	shalt  }
0x74: {  	_ =	shalt  }
0x75: {  	_ =	shalt  }
0x76: {  	_ =	shalt  }
0x77: {  	_ =	shalt  }
0x78: {  	_ =	shalt  }
0x79: {  	_ =	shalt  }
0x7a: {  	_ =	shalt  }
0x7b: {  	_ =	shalt  }
0x7c: {  	_ =	shalt  }
0x7d: {  	_ =	shalt  }
0x7e: {  	_ =	shalt  }
0x7f: {  	_ =	shalt  }
0x80: {  	_ =	shalt  }
0x81: {  	_ =	shalt  }
0x82: {  	_ =	shalt  }
0x83: {  	_ =	shalt  }
0x84: {  	_ =	shalt  }
0x85: {  	_ =	shalt  }
0x86: {  	_ =	shalt  }
0x87: {  	_ =	shalt  }
.Lfunc_end0:
.L_simem_size_0:
called_computation.1_lowered:
.L_overlay_start_0:
0x88: {  	s2 =	sld [smem:$0x3FD9]  }
0x89: {  	s3 =	sld [smem:$0x3FFE];
	_ =	sdelay $0x1  }
0x8a: {  	s1 =	srdreg.scid  }
0x8b: {  	s0 =	sand.u32 $0x1, s1  }
0x8c: {  	s14 =	sshll.u32 s0, $0xA;
	s2 =	sadd.s32 s3, s2  }
0x8d: {  	s2 =	sadd.s32 s2, s14  }
0x8e: {  	[smem:$0x3FA1] =	sst s2  }
0x8f: {  	_ = 	snop  }
0x90: {  	s2 =	sld [smem:$0x3FD0];
	_ =	sdelay $0x2  }
0x91: {  	s15 =	simm.s32 $0xA;
	s4 =	simm.s32 $0x10  }
0x92: {  	[smem:s4], [sflag:s15] =	dma.local [hbm:s2], $0x1  }
0x93: {  	_ =	swait.eq [sflag:s15], $0x1  }
0x94: {  	[sflag:s15] =	ssyncset.done $0x0  }
0x95: {  	s16 =	sld [smem:$0x10];
	[sflag:s15] =	ssyncadd.s32 $0xFFFFFFFF  }
0x96: {  	s17 =	sld [smem:$0x11];
	(tm) =	ssettm $0x1  }
0x97: {  	s18 =	sld [smem:$0x3FFB];
	_ =	sdelay $0x3  }
0x98: {  	_ =	strace s18  }
0x99: {  	s4 =	sld [smem:$0x3FFC];
	_ =	sdelay $0x3  }
0x9a: {  	_ =	strace s4  }
0x9b: {  	s4 =	sld [smem:$0x3FFD];
	_ =	sdelay $0x3  }
0x9c: {  	_ =	strace s4  }
0x9d: {  	_ =	strace $0x8FFFFFFF  }
0x9e: {  	s19 =	sld [smem:$0x3FDB];
	_ =	sdelay $0x1  }
0x9f: {  	s5 =	simm.s32 $_scs_section_size  }
0xa0: {  	s6 =	simm.s32 $_size__tile_overlayer_lowered;
	s7 =	simm.s32 $_tile_overlayer_lowered  }
0xa1: {  	s22 =	simm.s32 $0x1BFF;
	s21 =	sshll.u32 s7, $0x1;
	s4 =	sadd.s32 s5, s19  }
0xa2: {  	s8 =	simm.s32 $0x0;
	s20 =	sshll.u32 s6, $0x1;
	s6 =	sadd.s32 s21, s4  }
0xa3: {  	[timem:s8], [sflag:s22] =	dma.local [hbm:s6], s20  }
0xa4: {  	_ =	swait.ge [sflag:s22], s20  }
0xa5: {  	s5 =	ssub.s32 $0x0, s20;
	[sflag:s22] =	ssyncset.done $0x0  }
0xa6: {  	[sflag:s22] =	ssyncadd.s32 s5;
	_ =	sdelay $0x1  }
0xa7: {  	s23 =	simm.s32 $0x1B8B  }
0xa8: {  	_ =	swait.ge [sflag:s23], $0x1  }
0xa9: {  	[sflag:s23] =	ssyncset.done $0x0  }
0xaa: {  	s25 =	simm.s32 $0x1B8E;
	s24 =	sld [smem:$0x3FFE];
	[sflag:s23] =	ssyncadd.s32 $0xFFFFFFFF  }
0xab: {  	s26 =	simm.s32 $execute0_lowered;
	[smem:$0x3FD2] =	sst s25  }
0xac: {  	s6 =	sshll.u32 s26, $0x1;
	_ =	strace $0x80000049;
	[dreg:$0x1] =	wrdreg $0xFFFFFFFF  }
0xad: {  	s28 =	simm.s32 $_size_execute0_lowered;
	s4 =	sadd.s32 s4, s6;
	[dreg:$0x0] =	wrdreg $0x0  }
0xae: {  	s6 =	sshll.u32 s28, $0x1;
	[dreg:$0x2] =	wrdreg s4  }
0xaf: {  	[dreg:$0x3] =	wrdreg s6  }
0xb0: {  	[dreg:$0x4] =	wrdreg $0xC0  }
0xb1: {  	_ =	task [dreg:s8], $0x5FFFF  }
0xb2: {  	[dreg:$0x1] =	wrdreg $0xFFFFFFFF  }
0xb3: {  	[dreg:$0x0] =	wrdreg $0x60  }
0xb4: {  	[dreg:$0x2] =	wrdreg s17  }
0xb5: {  	[dreg:$0x3] =	wrdreg s16  }
0xb6: {  	[dreg:$0x4] =	wrdreg s24  }
0xb7: {  	[dreg:$0x5] =	wrdreg $0xB8000  }
0xb8: {  	[dreg:$0x6] =	wrdreg $0x9  }
0xb9: {  	_ =	task.clear_ibuf [dreg:s8], $0x7FFFF;
	_ =	strace $0x90000049  }
0xba: {  	s29 =	simm.s32 $0x9;
	_ =	strace $0x8000004B  }
0xbb: {  	_ =	swait.ge [sflag:s29], $0x1  }
0xbc: {  	[sflag:s29] =	ssyncadd.s32 $0xFFFFFFFF  }
0xbd: {  	_ =	strace $0x9000004B  }
0xbe: {  	_ =	sfence  }
0xbf: {  	s30 =	sld [smem:$0x0];
	_ =	sdelay $0x2  }
0xc0: {  	s31 =	sshll.u32 s1, $0xD;
	s1 =	sshrl.u32 s1, $0x2  }
0xc1: {  	s3 =	sand.u32 $0x4000, s31;
	s1 =	sadd.s32 s1, s30  }
0xc2: {  	s0 =	sor.u32 s3, s0;
	s1 =	sshll.u32 s1, $0x11  }
0xc3: {  	s0 =	sor.u32 s1, s0  }
0xc4: {  	s0 =	sadd.s32 $0x8F2B, s0  }
0xc5: {  	[sflag:s0] =	ssyncadd.remote.s32 $0x1  }
0xc6: {  	_ =	sfence.sel $0xFFFF  }
0xc7: {  	[dreg:$0x0] =	wrdreg $0xFFFFFFFF;
	(pc) =	sbr.abs _section_cstart, $3  }
0xc8: {  	[dreg:$0x1] =	wrdreg $0xFFFFFFFF  }
0xc9: {  	_ =	task.clear_ibuf [dreg:s8], $0x2FFFF;
	_ =	strace $0x9FFFFFFF  }
0xca: {  	(tm) =	ssettm $0x7FFFFFFF  }
0xcb: {  	_ =	shalt  }
tec
execute0_lowered:
.L_overlay_start_1:
0x0: {  	(tag) =	ssettag $0x1  }
0x1: {  	s0 =	rddreg [dreg:$0x0]  }
0x2: {  	s1 =	rddreg [dreg:$0x1]  }
0x3: {  	s2 =	srdreg.scid;
	s6 =	rddreg [dreg:$0x2]  }
0x4: {  	s10 =	stileid.u32;
	s3 =	rddreg [dreg:$0x3];
	s4 =	simm.s32 $0x0  }
0x5: {  	s14 =	simm.s32 $0x4;
	s15 =	simm.s32 $0x2000;
	s16 =	simm.s32 $0x50  }
0x6: {  	s17 =	simm.s32 $0x4000;
	s18 =	simm.s32 $0x80;
	s19 =	simm.s32 $0x6800  }
0x7: {  	s20 =	simm.s32 $0x100;
	s21 =	simm.s32 $0x9000;
	s28 =	simm.s32 $0x3E80  }
0x8: {  	s29 =	simm.s32 $0x3F00;
	s30 =	simm.s32 $0x3F80;
	s31 =	simm.s32 $0x0  }
0x9: {  	s2 =	sand.u32 $0x1, s2;
	s7 =	smul.u32 $0x14000, s10;
	[smem:$0x7FF] =	sst s4  }
0xa: {  	s22 =	sadd.s32 $0x6A00, s6;
	s24 =	smul.u32 $0x50000, s10;
	s9 =	sshll.u32 s10, $0xC  }
0xb: {  	s26 =	sshll.u32 s10, $0x6;
	s5 =	smul.u32 $0x140000, s2;
	_ =	strace $0x8000004A  }
0xc: {  	[dreg:$0x5] =	wrdreg s22;
	s23 =	ssub.s32 $0x2, s2;
	s2 =	sshll.u32 s2, $0xB  }
0xd: {  	s22 =	simm.s32 $0x1;
	s8 =	sshrl.u32 s23, $0x1;
	s25 =	sshrl.u32 s24, $0x2  }
0xe: {  	s2 =	sor.u32 s2, s9;
	s24 =	simm.s32 $0x3;
	s7 =	sadd.s32 s7, s5  }
0xf: {  	s12 =	ssub.s32 s23, s8;
	s13 =	sadd.s32 s25, s3;
	s23 =	simm.s32 $0x2  }
0x10: {  	s25 =	simm.s32 $0x3E00;
	s7 =	sshrl.u32 s7, $0x3;
	s12 =	smax.u32 s12, $0x1  }
0x11: {  	s13 =	sshrl.u32 s13, $0x3;
	s11 =	sadd.s32 s7, s6;
	s6 =	sadd.s32 s1, s2  }
0x12: {  	s7 =	sor.u32 $0x1C04, s26;
	s26 =	simm.s32 $0x1F80;
	s8 =	sadd.s32 $0x10000, s6  }
0x13: {  	s9 =	sadd.s32 $0x400, s6;
	s10 =	sadd.s32 $0x10400, s6;
	s11 =	sadd.s32 $0x9200, s11  }
.LBB2_1:
0x14: {  	s1 =	rddreg [dreg:$0x5]  }
0x15: {  	[spmem:s13], [sflag:s7] =	dma.local [hbm:s1], $0x2800  }
0x16: {  	_ =	swait.ge [sflag:s14], $0x2800  }
0x17: {  	[sflag:s14] =	ssyncset.done $0x0  }
0x18: {  	[sflag:s14] =	ssyncadd.s32 $0xFFFFD800  }
0x19: {  	[bflag:$0x0] =	sbarrier.arrive $0xFFFF  }
0x1a: {  	[tilespmem:s4], [sflag:$0x4] =	stream.linear.gather [hbm4b:s6+s4], $0x2000, $0x38;
	[tilespmem:$0x1F800] =	vst v63  }
0x1b: {  	_ =	swait.ge [sflag:s14], $0x2000  }
0x1c: {  	[sflag:s14] =	ssyncset.done $0x0  }
0x1d: {  	[sflag:s14] =	ssyncadd.s32 $0xFFFFE000  }
0x1e: {  	[tilespmem:s15], [sflag:$0x4] =	stream.linear.gather [hbm4b:s8+s4], $0x2000, $0x38;
	[tilespmem:$0x1F800] =	vst v63  }
0x1f: {  	_ =	swait.ge [sflag:s14], $0x2000  }
0x20: {  	[sflag:s14] =	ssyncset.done $0x0  }
0x21: {  	[sflag:s14] =	ssyncadd.s32 $0xFFFFE000  }
0x22: {  	[tilespmem:s17], [sflag:$0x1] =	stream.indirect.gather [hbm4b:s0+s16], $0x80, s4, s16, $0xb8;
	[tilespmem:$0x1F800] =	vst v63  }
0x23: {  	_ = 	snop  }
0x24: {  	[tilespmem:s19], [sflag:$0x2] =	stream.indirect.gather [hbm4b:s0+s16], $0x80, s18, s16, $0xb8;
	[tilespmem:$0x1F800] =	vst v63  }
0x25: {  	_ = 	snop  }
0x26: {  	[tilespmem:s21], [sflag:$0x3] =	stream.indirect.gather [hbm4b:s0+s16], $0x80, s20, s16, $0xb8;
	[tilespmem:$0x1F800] =	vst v63  }
0x27: {  	_ =	swait.ge [sflag:s22], $0x2800  }
0x28: {  	[sflag:s22] =	ssyncset.done $0x0  }
0x29: {  	s5 =	simm.s32 $0x2000;
	[sflag:s22] =	ssyncadd.s32 $0xFFFFD800  }
0x2a: {  	[spmem:s3] =	stream.indirect.scatter.add.f32 [tilespmem:s17], [sflag:$0x4], $0x80, s5, s16, $0xb8;
	[tilespmem:$0x1F800] =	vst v63  }
0x2b: {  	_ =	swait.ge [sflag:s14], $0x2800  }
0x2c: {  	[sflag:s14] =	ssyncset.done $0x0  }
0x2d: {  	s2 =	simm.s32 $0x180;
	[sflag:s14] =	ssyncadd.s32 $0xFFFFD800  }
0x2e: {  	[tilespmem:s17], [sflag:$0x1] =	stream.indirect.gather [hbm4b:s0+s16], $0x80, s2, s16, $0xb8;
	[tilespmem:$0x1F800] =	vst v63  }
0x2f: {  	_ =	swait.ge [sflag:s23], $0x2800  }
0x30: {  	[sflag:s23] =	ssyncset.done $0x0  }
0x31: {  	s5 =	simm.s32 $0x2080;
	[sflag:s23] =	ssyncadd.s32 $0xFFFFD800  }
0x32: {  	[spmem:s3] =	stream.indirect.scatter.add.f32 [tilespmem:s19], [sflag:$0x4], $0x80, s5, s16, $0xb8;
	[tilespmem:$0x1F800] =	vst v63  }
0x33: {  	_ =	swait.ge [sflag:s14], $0x2800  }
0x34: {  	[sflag:s14] =	ssyncset.done $0x0  }
0x35: {  	s2 =	simm.s32 $0x200;
	[sflag:s14] =	ssyncadd.s32 $0xFFFFD800  }
0x36: {  	[tilespmem:s19], [sflag:$0x2] =	stream.indirect.gather [hbm4b:s0+s16], $0x80, s2, s16, $0xb8;
	[tilespmem:$0x1F800] =	vst v63  }
0x37: {  	_ =	swait.ge [sflag:s24], $0x2800  }
0x38: {  	[sflag:s24] =	ssyncset.done $0x0  }
0x39: {  	s5 =	simm.s32 $0x2100;
	[sflag:s24] =	ssyncadd.s32 $0xFFFFD800  }
0x3a: {  	[spmem:s3] =	stream.indirect.scatter.add.f32 [tilespmem:s21], [sflag:$0x4], $0x80, s5, s16, $0xb8;
	[tilespmem:$0x1F800] =	vst v63  }
0x3b: {  	_ =	swait.ge [sflag:s14], $0x2800  }
0x3c: {  	[sflag:s14] =	ssyncset.done $0x0  }
0x3d: {  	s1 =	simm.s32 $0x280;
	s2 =	simm.s32 $0x600;
	[sflag:s14] =	ssyncadd.s32 $0xFFFFD800  }
.LBB2_2:
0x3e: {  	[tilespmem:s21], [sflag:$0x3] =	stream.indirect.gather [hbm4b:s0+s16], $0x80, s1, s16, $0xb8;
	[tilespmem:$0x1F800] =	vst v63  }
0x3f: {  	s1 =	smov.u32 s2  }
0x40: {  	p0 =	sne.s32 s2, $0x7200;
	s2 =	sadd.s32 $0x600, s2;
	_ =	swait.ge [sflag:s22], $0x2800  }
0x41: {  	s1 =	sshra.s32 s1, $0x2;
	[sflag:s22] =	ssyncset.done $0x0  }
0x42: {  	s5 =	sadd.s32 $0x2000, s1;
	[sflag:s22] =	ssyncadd.s32 $0xFFFFD800  }
0x43: {  	[spmem:s3] =	stream.indirect.scatter.add.f32 [tilespmem:s17], [sflag:$0x4], $0x80, s5, s16, $0xb8;
	[tilespmem:$0x1F800] =	vst v63  }
0x44: {  	_ =	swait.ge [sflag:s14], $0x2800  }
0x45: {  	[sflag:s14] =	ssyncset.done $0x0  }
0x46: {  	s5 =	sadd.s32 $0x180, s1;
	[sflag:s14] =	ssyncadd.s32 $0xFFFFD800  }
0x47: {  	[tilespmem:s17], [sflag:$0x1] =	stream.indirect.gather [hbm4b:s0+s16], $0x80, s5, s16, $0xb8;
	[tilespmem:$0x1F800] =	vst v63  }
0x48: {  	_ =	swait.ge [sflag:s23], $0x2800  }
0x49: {  	[sflag:s23] =	ssyncset.done $0x0  }
0x4a: {  	s5 =	sadd.s32 $0x2080, s1;
	[sflag:s23] =	ssyncadd.s32 $0xFFFFD800  }
0x4b: {  	[spmem:s3] =	stream.indirect.scatter.add.f32 [tilespmem:s19], [sflag:$0x4], $0x80, s5, s16, $0xb8;
	[tilespmem:$0x1F800] =	vst v63  }
0x4c: {  	_ =	swait.ge [sflag:s14], $0x2800  }
0x4d: {  	[sflag:s14] =	ssyncset.done $0x0  }
0x4e: {  	s5 =	sadd.s32 $0x200, s1;
	[sflag:s14] =	ssyncadd.s32 $0xFFFFD800  }
0x4f: {  	[tilespmem:s19], [sflag:$0x2] =	stream.indirect.gather [hbm4b:s0+s16], $0x80, s5, s16, $0xb8;
	[tilespmem:$0x1F800] =	vst v63  }
0x50: {  	_ =	swait.ge [sflag:s24], $0x2800  }
0x51: {  	[sflag:s24] =	ssyncset.done $0x0  }
.Ltmp0:
0x52: {  	s5 =	sadd.s32 $0x2100, s1;
	[sflag:s24] =	ssyncadd.s32 $0xFFFFD800;
	(pc) =	sbr.rel @p0 .LBB2_2-.Ltmp0, $4  }
0x53: {  	[spmem:s3] =	stream.indirect.scatter.add.f32 [tilespmem:s21], [sflag:$0x4], $0x80, s5, s16, $0xb8;
	[tilespmem:$0x1F800] =	vst v63  }
0x54: {  	_ =	swait.ge [sflag:s14], $0x2800  }
0x55: {  	[sflag:s14] =	ssyncset.done $0x0  }
0x56: {  	s1 =	sadd.s32 $0x280, s1;
	[sflag:s14] =	ssyncadd.s32 $0xFFFFD800  }
0x57: {  	[tilespmem:s21], [sflag:$0x3] =	stream.indirect.gather [hbm4b:s0+s16], $0x80, s1, s16, $0xb8;
	[tilespmem:$0x1F800] =	vst v63  }
0x58: {  	_ =	swait.ge [sflag:s22], $0x2800  }
0x59: {  	[sflag:s22] =	ssyncset.done $0x0  }
0x5a: {  	[sflag:s22] =	ssyncadd.s32 $0xFFFFD800  }
0x5b: {  	[spmem:s3] =	stream.indirect.scatter.add.f32 [tilespmem:s17], [sflag:$0x4], $0x80, s25, s16, $0xb8;
	[tilespmem:$0x1F800] =	vst v63  }
0x5c: {  	_ =	swait.ge [sflag:s14], $0x2800  }
0x5d: {  	[sflag:s14] =	ssyncset.done $0x0  }
0x5e: {  	[sflag:s14] =	ssyncadd.s32 $0xFFFFD800  }
0x5f: {  	[tilespmem:s17], [sflag:$0x1] =	stream.indirect.gather [hbm4b:s0+s16], $0x80, s26, s16, $0xb8;
	[tilespmem:$0x1F800] =	vst v63  }
0x60: {  	_ =	swait.ge [sflag:s23], $0x2800  }
0x61: {  	[sflag:s23] =	ssyncset.done $0x0  }
0x62: {  	[sflag:s23] =	ssyncadd.s32 $0xFFFFD800  }
0x63: {  	[spmem:s3] =	stream.indirect.scatter.add.f32 [tilespmem:s19], [sflag:$0x4], $0x80, s28, s16, $0xb8;
	[tilespmem:$0x1F800] =	vst v63  }
0x64: {  	_ =	swait.ge [sflag:s14], $0x2800  }
0x65: {  	[sflag:s14] =	ssyncset.done $0x0  }
0x66: {  	[sflag:s14] =	ssyncadd.s32 $0xFFFFD800  }
0x67: {  	_ =	swait.ge [sflag:s24], $0x2800  }
0x68: {  	[sflag:s24] =	ssyncset.done $0x0  }
0x69: {  	[sflag:s24] =	ssyncadd.s32 $0xFFFFD800  }
0x6a: {  	[spmem:s3] =	stream.indirect.scatter.add.f32 [tilespmem:s21], [sflag:$0x4], $0x80, s29, s16, $0xb8;
	[tilespmem:$0x1F800] =	vst v63  }
0x6b: {  	_ =	swait.ge [sflag:s14], $0x2800  }
0x6c: {  	[sflag:s14] =	ssyncset.done $0x0  }
0x6d: {  	[sflag:s14] =	ssyncadd.s32 $0xFFFFD800  }
0x6e: {  	_ =	swait.ge [sflag:s22], $0x2800  }
0x6f: {  	[sflag:s22] =	ssyncset.done $0x0  }
0x70: {  	[sflag:s22] =	ssyncadd.s32 $0xFFFFD800  }
0x71: {  	[spmem:s3] =	stream.indirect.scatter.add.f32 [tilespmem:s17], [sflag:$0x4], $0x80, s30, s16, $0xb8;
	[tilespmem:$0x1F800] =	vst v63  }
0x72: {  	_ =	swait.ge [sflag:s14], $0x2800  }
0x73: {  	[sflag:s14] =	ssyncset.done $0x0  }
0x74: {  	s2 =	simm.s32 $0x0;
	[sflag:s14] =	ssyncadd.s32 $0xFFFFD800  }
0x75: {  	[tilespmem:s2], [sflag:$0x4] =	stream.linear.gather [hbm4b:s9+s2], $0x2000, $0x38;
	[tilespmem:$0x1F800] =	vst v63  }
0x76: {  	_ =	swait.ge [sflag:s14], $0x2000  }
0x77: {  	[sflag:s14] =	ssyncset.done $0x0  }
0x78: {  	[sflag:s14] =	ssyncadd.s32 $0xFFFFE000  }
0x79: {  	[tilespmem:s15], [sflag:$0x4] =	stream.linear.gather [hbm4b:s10+s2], $0x2000, $0x38;
	[tilespmem:$0x1F800] =	vst v63  }
0x7a: {  	_ =	swait.ge [sflag:s14], $0x2000  }
0x7b: {  	[sflag:s14] =	ssyncset.done $0x0  }
0x7c: {  	[sflag:s14] =	ssyncadd.s32 $0xFFFFE000  }
0x7d: {  	[tilespmem:s17], [sflag:$0x1] =	stream.indirect.gather [hbm4b:s0+s16], $0x80, s2, s16, $0xb8;
	[tilespmem:$0x1F800] =	vst v63  }
0x7e: {  	_ = 	snop  }
0x7f: {  	[tilespmem:s19], [sflag:$0x2] =	stream.indirect.gather [hbm4b:s0+s16], $0x80, s18, s16, $0xb8;
	[tilespmem:$0x1F800] =	vst v63  }
0x80: {  	_ = 	snop  }
0x81: {  	[tilespmem:s21], [sflag:$0x3] =	stream.indirect.gather [hbm4b:s0+s16], $0x80, s20, s16, $0xb8;
	[tilespmem:$0x1F800] =	vst v63  }
0x82: {  	_ =	swait.ge [sflag:s22], $0x2800  }
0x83: {  	[sflag:s22] =	ssyncset.done $0x0  }
0x84: {  	s5 =	simm.s32 $0x2000;
	[sflag:s22] =	ssyncadd.s32 $0xFFFFD800  }
0x85: {  	[spmem:s3] =	stream.indirect.scatter.add.f32 [tilespmem:s17], [sflag:$0x4], $0x80, s5, s16, $0xb8;
	[tilespmem:$0x1F800] =	vst v63  }
0x86: {  	_ =	swait.ge [sflag:s14], $0x2800  }
0x87: {  	[sflag:s14] =	ssyncset.done $0x0  }
0x88: {  	s2 =	simm.s32 $0x180;
	[sflag:s14] =	ssyncadd.s32 $0xFFFFD800  }
0x89: {  	[tilespmem:s17], [sflag:$0x1] =	stream.indirect.gather [hbm4b:s0+s16], $0x80, s2, s16, $0xb8;
	[tilespmem:$0x1F800] =	vst v63  }
0x8a: {  	_ =	swait.ge [sflag:s23], $0x2800  }
0x8b: {  	[sflag:s23] =	ssyncset.done $0x0  }
0x8c: {  	s5 =	simm.s32 $0x2080;
	[sflag:s23] =	ssyncadd.s32 $0xFFFFD800  }
0x8d: {  	[spmem:s3] =	stream.indirect.scatter.add.f32 [tilespmem:s19], [sflag:$0x4], $0x80, s5, s16, $0xb8;
	[tilespmem:$0x1F800] =	vst v63  }
0x8e: {  	_ =	swait.ge [sflag:s14], $0x2800  }
0x8f: {  	[sflag:s14] =	ssyncset.done $0x0  }
0x90: {  	s2 =	simm.s32 $0x200;
	[sflag:s14] =	ssyncadd.s32 $0xFFFFD800  }
0x91: {  	[tilespmem:s19], [sflag:$0x2] =	stream.indirect.gather [hbm4b:s0+s16], $0x80, s2, s16, $0xb8;
	[tilespmem:$0x1F800] =	vst v63  }
0x92: {  	_ =	swait.ge [sflag:s24], $0x2800  }
0x93: {  	[sflag:s24] =	ssyncset.done $0x0  }
0x94: {  	s5 =	simm.s32 $0x2100;
	[sflag:s24] =	ssyncadd.s32 $0xFFFFD800  }
0x95: {  	[spmem:s3] =	stream.indirect.scatter.add.f32 [tilespmem:s21], [sflag:$0x4], $0x80, s5, s16, $0xb8;
	[tilespmem:$0x1F800] =	vst v63  }
0x96: {  	_ =	swait.ge [sflag:s14], $0x2800  }
0x97: {  	[sflag:s14] =	ssyncset.done $0x0  }
0x98: {  	s1 =	simm.s32 $0x280;
	s2 =	simm.s32 $0x600;
	[sflag:s14] =	ssyncadd.s32 $0xFFFFD800  }
.LBB2_4:
0x99: {  	[tilespmem:s21], [sflag:$0x3] =	stream.indirect.gather [hbm4b:s0+s16], $0x80, s1, s16, $0xb8;
	[tilespmem:$0x1F800] =	vst v63  }
0x9a: {  	s1 =	smov.u32 s2  }
0x9b: {  	p0 =	sne.s32 s2, $0x7200;
	s2 =	sadd.s32 $0x600, s2;
	_ =	swait.ge [sflag:s22], $0x2800  }
0x9c: {  	s1 =	sshra.s32 s1, $0x2;
	[sflag:s22] =	ssyncset.done $0x0  }
0x9d: {  	s5 =	sadd.s32 $0x2000, s1;
	[sflag:s22] =	ssyncadd.s32 $0xFFFFD800  }
0x9e: {  	[spmem:s3] =	stream.indirect.scatter.add.f32 [tilespmem:s17], [sflag:$0x4], $0x80, s5, s16, $0xb8;
	[tilespmem:$0x1F800] =	vst v63  }
0x9f: {  	_ =	swait.ge [sflag:s14], $0x2800  }
0xa0: {  	[sflag:s14] =	ssyncset.done $0x0  }
0xa1: {  	s5 =	sadd.s32 $0x180, s1;
	[sflag:s14] =	ssyncadd.s32 $0xFFFFD800  }
0xa2: {  	[tilespmem:s17], [sflag:$0x1] =	stream.indirect.gather [hbm4b:s0+s16], $0x80, s5, s16, $0xb8;
	[tilespmem:$0x1F800] =	vst v63  }
0xa3: {  	_ =	swait.ge [sflag:s23], $0x2800  }
0xa4: {  	[sflag:s23] =	ssyncset.done $0x0  }
0xa5: {  	s5 =	sadd.s32 $0x2080, s1;
	[sflag:s23] =	ssyncadd.s32 $0xFFFFD800  }
0xa6: {  	[spmem:s3] =	stream.indirect.scatter.add.f32 [tilespmem:s19], [sflag:$0x4], $0x80, s5, s16, $0xb8;
	[tilespmem:$0x1F800] =	vst v63  }
0xa7: {  	_ =	swait.ge [sflag:s14], $0x2800  }
0xa8: {  	[sflag:s14] =	ssyncset.done $0x0  }
0xa9: {  	s5 =	sadd.s32 $0x200, s1;
	[sflag:s14] =	ssyncadd.s32 $0xFFFFD800  }
0xaa: {  	[tilespmem:s19], [sflag:$0x2] =	stream.indirect.gather [hbm4b:s0+s16], $0x80, s5, s16, $0xb8;
	[tilespmem:$0x1F800] =	vst v63  }
0xab: {  	_ =	swait.ge [sflag:s24], $0x2800  }
0xac: {  	[sflag:s24] =	ssyncset.done $0x0  }
.Ltmp1:
0xad: {  	s5 =	sadd.s32 $0x2100, s1;
	[sflag:s24] =	ssyncadd.s32 $0xFFFFD800;
	(pc) =	sbr.rel @p0 .LBB2_4-.Ltmp1, $4  }
0xae: {  	[spmem:s3] =	stream.indirect.scatter.add.f32 [tilespmem:s21], [sflag:$0x4], $0x80, s5, s16, $0xb8;
	[tilespmem:$0x1F800] =	vst v63  }
0xaf: {  	_ =	swait.ge [sflag:s14], $0x2800  }
0xb0: {  	[sflag:s14] =	ssyncset.done $0x0  }
0xb1: {  	s1 =	sadd.s32 $0x280, s1;
	[sflag:s14] =	ssyncadd.s32 $0xFFFFD800  }
0xb2: {  	[tilespmem:s21], [sflag:$0x3] =	stream.indirect.gather [hbm4b:s0+s16], $0x80, s1, s16, $0xb8;
	[tilespmem:$0x1F800] =	vst v63  }
0xb3: {  	_ =	swait.ge [sflag:s22], $0x2800  }
0xb4: {  	[sflag:s22] =	ssyncset.done $0x0  }
0xb5: {  	[sflag:s22] =	ssyncadd.s32 $0xFFFFD800  }
0xb6: {  	[spmem:s3] =	stream.indirect.scatter.add.f32 [tilespmem:s17], [sflag:$0x4], $0x80, s25, s16, $0xb8;
	[tilespmem:$0x1F800] =	vst v63  }
0xb7: {  	_ =	swait.ge [sflag:s14], $0x2800  }
0xb8: {  	[sflag:s14] =	ssyncset.done $0x0  }
0xb9: {  	[sflag:s14] =	ssyncadd.s32 $0xFFFFD800  }
0xba: {  	[tilespmem:s17], [sflag:$0x1] =	stream.indirect.gather [hbm4b:s0+s16], $0x80, s26, s16, $0xb8;
	[tilespmem:$0x1F800] =	vst v63  }
0xbb: {  	_ =	swait.ge [sflag:s23], $0x2800  }
0xbc: {  	[sflag:s23] =	ssyncset.done $0x0  }
0xbd: {  	[sflag:s23] =	ssyncadd.s32 $0xFFFFD800  }
0xbe: {  	[spmem:s3] =	stream.indirect.scatter.add.f32 [tilespmem:s19], [sflag:$0x4], $0x80, s28, s16, $0xb8;
	[tilespmem:$0x1F800] =	vst v63  }
0xbf: {  	_ =	swait.ge [sflag:s14], $0x2800  }
0xc0: {  	[sflag:s14] =	ssyncset.done $0x0  }
0xc1: {  	[sflag:s14] =	ssyncadd.s32 $0xFFFFD800  }
0xc2: {  	_ =	swait.ge [sflag:s24], $0x2800  }
0xc3: {  	[sflag:s24] =	ssyncset.done $0x0  }
0xc4: {  	[sflag:s24] =	ssyncadd.s32 $0xFFFFD800  }
0xc5: {  	[spmem:s3] =	stream.indirect.scatter.add.f32 [tilespmem:s21], [sflag:$0x4], $0x80, s29, s16, $0xb8;
	[tilespmem:$0x1F800] =	vst v63  }
0xc6: {  	_ =	swait.ge [sflag:s14], $0x2800  }
0xc7: {  	[sflag:s14] =	ssyncset.done $0x0  }
0xc8: {  	[sflag:s14] =	ssyncadd.s32 $0xFFFFD800  }
0xc9: {  	_ =	swait.ge [sflag:s22], $0x2800  }
0xca: {  	[sflag:s22] =	ssyncset.done $0x0  }
0xcb: {  	[sflag:s22] =	ssyncadd.s32 $0xFFFFD800  }
0xcc: {  	[spmem:s3] =	stream.indirect.scatter.add.f32 [tilespmem:s17], [sflag:$0x4], $0x80, s30, s16, $0xb8;
	[tilespmem:$0x1F800] =	vst v63  }
0xcd: {  	_ =	swait.ge [sflag:s14], $0x2800  }
0xce: {  	s31 =	sadd.s32 $0x1, s31;
	[sflag:s14] =	ssyncset.done $0x0  }
0xcf: {  	p0 =	sne.s32 s31, s12;
	[sflag:s14] =	ssyncadd.s32 $0xFFFFD800  }
.Ltmp2:
0xd0: {  	[bflag:$0x0] =	sbarrier.arrive $0xFFFF;
	(pc) =	sbr.rel @p0 .LBB2_1-.Ltmp2, $4  }
0xd1: {  	[hbm:s11], [sflag:s7] =	dma.local [spmem:s13], $0x2800  }
0xd2: {  	_ =	swait.ge [sflag:s14], $0x2800  }
0xd3: {  	[sflag:s14] =	ssyncset.done $0x0  }
0xd4: {  	[sflag:s14] =	ssyncadd.s32 $0xFFFFD800  }
0xd5: {  	_ =	sfence.sel $0x180000  }
0xd6: {  	[bflag:$0x0] =	sbarrier.arrive $0xFFFF  }
0xd7: {  	_ =	strace $0x9000004A  }
0xd8: {  	s0 =	stileid.u32;
	[bflag:$0x2] =	sbarrier.arrive $0xFFFF  }
0xd9: {  	p0 =	sne.s32 s0, $0x0;
	s0 =	rddreg [dreg:$0x4]  }
0xda: {  	s0 =	sadd.s32 @!p0 $0x100000, s0  }
0xdb: {  	[sflag:s0] =	ssyncadd.tile.s32 @!p0 $0x1;
	_ =	shalt  }
.Lfunc_end2:
_tile_overlayer_lowered:
.L_overlay_start_2:
0xdc: {  	(tag) =	ssettag $0x2  }
0xdd: {  	s0 =	rddreg [dreg:$0x0];
	s2 =	stileid.u32  }
0xde: {  	s1 =	rddreg [dreg:$0x1];
	p0 =	sne.s32 s2, $0x0  }
0xdf: {  	s3 =	rddreg [dreg:$0x2];
	[bflag:$0x3] =	sbarrier.arrive $0xFFFF;
	s2 =	simm.s32 @!p0 $0x1C04  }
0xe0: {  	[timem:s3], [sflag:s2] =	dma.local @!p0 [hbm:s0], s1  }
0xe1: {  	s0 =	simm.s32 @!p0 $0x4  }
0xe2: {  	_ =	swait.ge @!p0 [sflag:s0], s1  }
0xe3: {  	s1 =	ssub.s32 @!p0 $0x0, s1;
	[sflag:s0] =	ssyncset.done @!p0 $0x0  }
0xe4: {  	[sflag:s0] =	ssyncadd.s32 @!p0 s1  }
0xe5: {  	[bflag:$0x3] =	sbarrier.arrive $0xFFFF  }
0xe6: {  	_ =	shalt  }

// kernel: kernel.15.cloned.1.call-start
scs
__scs_entry_jumppad:
0x0: {  	(pc) =	sbr.rel $0x88, $3  }
0x1: {  	(tag) =	ssettag $0x0;
	lr =	simm.s32 $0x1  }
0x2: {  	[smem:$0x3F7A] =	sst lr;
	_ =	strace $0xD0000000  }
0x3: {  	_ = 	snop  }
0x4: {  	_ = 	snop  }
0x5: {  	_ = 	snop  }
0x6: {  	_ = 	snop  }
0x7: {  	_ = 	snop  }
__scs_overlays_trampoline_lowered:
0x8: {  	[smem:$0x3F89] =	sst s0  }
0x9: {  	[smem:$0x3F8A] =	sst s1  }
0xa: {  	[smem:$0x3F8B] =	sst s2  }
0xb: {  	[smem:$0x3F8C] =	sst s3  }
0xc: {  	[smem:$0x3F8D] =	sst s4  }
0xd: {  	[smem:$0x3F8E] =	sst s5  }
0xe: {  	[smem:$0x3F8F] =	sst s6  }
0xf: {  	[smem:$0x3F90] =	sst s7  }
0x10: {  	[smem:$0x3F91] =	sst s8  }
0x11: {  	[smem:$0x3F92] =	sst s9;
	s0 =	simm.s32 @!p0 $0x0  }
0x12: {  	s1 =	sld [smem:$0x3F78];
	s0 =	simm.s32 @p0 $0x1  }
0x13: {  	[smem:$0x3F93] =	sst s0;
	s0 =	simm.s32 @!p1 $0x0  }
0x14: {  	s2 =	sld [smem:$0x3F77];
	s0 =	simm.s32 @p1 $0x1  }
0x15: {  	[smem:$0x3F94] =	sst s0;
	s0 =	simm.s32 @!p2 $0x0  }
0x16: {  	s3 =	sld [smem:$0x3FDB];
	s0 =	simm.s32 @p2 $0x1  }
0x17: {  	s4 =	simm.s32 $0x1BF5;
	[smem:$0x3F96] =	sst s0  }
0x18: {  	s0 =	sld [smem:$0x3F79];
	_ =	swait.ge [sflag:s4], $0x0  }
0x19: {  	s7 =	sld [smem:$0x3F7A]  }
0x1a: {  	s8 =	sadd.s32 $0xFFFFE003, lr  }
0x1b: {  	s9 =	sadd.s32 $0xFFFFFEF7, lr;
	s5 =	simm.s32 $0xFFFFFFFF;
	p2 =	slt.u32 s8, $0xFFFFF086  }
0x1c: {  	p1 =	slt.u32 s9, $0xF7A;
	s5 =	simm.s32 @!p2 $0x0  }
0x1d: {  	s5 =	simm.s32 @p1 $0x1;
	p0 =	seq.s32 s7, s2  }
0x1e: {  	s7 =	smul.u32 @!p0 $0xF7A, s2;
	p2 =	seq.s32 @!p0 s5, $0x0  }
0x1f: {  	s9 =	smul.u32 $0xF7A, s1;
	s8 =	simm.s32 @!p0 $0x1BF5;
	p2 =	por !p2, p0  }
0x20: {  	[sflag:s8] =	ssyncset.s32 @!p0 $0xFFFFF086;
	s6 =	sadd.s32 @!p0 s3, s7;
	s7 =	simm.s32 @!p0 $0x108  }
0x21: {  	s3 =	sadd.s32 s3, s9;
	s6 =	sadd.s32 @!p0 $0x88, s6;
	s7 =	simm.s32 @p2 $0x1082  }
0x22: {  	[simem:s7], [sflag:s8] =	dma.local @!p0 [hbm:s6], $0xF7A  }
0x23: {  	s9 =	sor.u32 $0xD0000000, s2;
	s6 =	simm.s32 $0x108;
	_ =	swait.ge @!p0 [sflag:s8], $0x0  }
0x24: {  	s3 =	sadd.s32 $0x88, s3;
	s6 =	simm.s32 @!p1 $0x1082;
	[sflag:s4] =	ssyncset.s32 $0xFFFFF086  }
0x25: {  	[simem:s6], [sflag:s4] =	dma.local [hbm:s3], $0xF7A  }
0x26: {  	[smem:$0x3F7A] =	sst s1;
	(tag) =	ssettag s2;
	_ =	strace s9  }
0x27: {  	s1 =	sld [smem:$0x3F8A]  }
0x28: {  	s2 =	sld [smem:$0x3F8B]  }
0x29: {  	s4 =	sld [smem:$0x3F8D]  }
0x2a: {  	p0 =	seq.s32 s5, $0x0;
	s5 =	sld [smem:$0x3F8E]  }
0x2b: {  	s6 =	sld [smem:$0x3F8F]  }
0x2c: {  	s7 =	sld [smem:$0x3F90]  }
0x2d: {  	s3 =	simm.s32 $0x108;
	s8 =	sld [smem:$0x3F91]  }
0x2e: {  	s3 =	simm.s32 @!p0 $0x1082;
	s9 =	sld [smem:$0x3F92]  }
0x2f: {  	lr =	sadd.s32 s0, s3;
	s0 =	sld [smem:$0x3F89]  }
0x30: {  	s3 =	sld [smem:$0x3F8C]  }
0x31: {  	[smem:$0x3F95] =	sst s10  }
0x32: {  	s10 =	sld [smem:$0x3F93];
	_ =	sdelay $0x3  }
0x33: {  	p0 =	seq.s32 s10, $0x1;
	s10 =	sld [smem:$0x3F95];
	_ =	sdelay $0x3  }
0x34: {  	[smem:$0x3F95] =	sst s10  }
0x35: {  	s10 =	sld [smem:$0x3F94];
	_ =	sdelay $0x3  }
0x36: {  	p1 =	seq.s32 s10, $0x1;
	s10 =	sld [smem:$0x3F95];
	_ =	sdelay $0x3  }
0x37: {  	[smem:$0x3F95] =	sst s10  }
0x38: {  	s10 =	sld [smem:$0x3F96]  }
0x39: {  	_ = 	snop;
	(pc) =	sbr.ind lr, $3  }
0x3a: {  	_ = 	snop  }
0x3b: {  	_ = 	snop  }
0x3c: {  	p2 =	seq.s32 s10, $0x1;
	s10 =	sld [smem:$0x3F95]  }
0x3d: {  	_ =	shalt  }
0x3e: {  	_ =	shalt  }
0x3f: {  	_ =	shalt  }
0x40: {  	_ =	shalt  }
0x41: {  	_ =	shalt  }
0x42: {  	_ =	shalt  }
0x43: {  	_ =	shalt  }
0x44: {  	_ =	shalt  }
0x45: {  	_ =	shalt  }
0x46: {  	_ =	shalt  }
0x47: {  	_ =	shalt  }
0x48: {  	_ =	shalt  }
0x49: {  	_ =	shalt  }
0x4a: {  	_ =	shalt  }
0x4b: {  	_ =	shalt  }
0x4c: {  	_ =	shalt  }
0x4d: {  	_ =	shalt  }
0x4e: {  	_ =	shalt  }
0x4f: {  	_ =	shalt  }
0x50: {  	_ =	shalt  }
0x51: {  	_ =	shalt  }
0x52: {  	_ =	shalt  }
0x53: {  	_ =	shalt  }
0x54: {  	_ =	shalt  }
0x55: {  	_ =	shalt  }
0x56: {  	_ =	shalt  }
0x57: {  	_ =	shalt  }
0x58: {  	_ =	shalt  }
0x59: {  	_ =	shalt  }
0x5a: {  	_ =	shalt  }
0x5b: {  	_ =	shalt  }
0x5c: {  	_ =	shalt  }
0x5d: {  	_ =	shalt  }
0x5e: {  	_ =	shalt  }
0x5f: {  	_ =	shalt  }
0x60: {  	_ =	shalt  }
0x61: {  	_ =	shalt  }
0x62: {  	_ =	shalt  }
0x63: {  	_ =	shalt  }
0x64: {  	_ =	shalt  }
0x65: {  	_ =	shalt  }
0x66: {  	_ =	shalt  }
0x67: {  	_ =	shalt  }
0x68: {  	_ =	shalt  }
0x69: {  	_ =	shalt  }
0x6a: {  	_ =	shalt  }
0x6b: {  	_ =	shalt  }
0x6c: {  	_ =	shalt  }
0x6d: {  	_ =	shalt  }
0x6e: {  	_ =	shalt  }
0x6f: {  	_ =	shalt  }
0x70: {  	_ =	shalt  }
0x71: {  	_ =	shalt  }
0x72: {  	_ =	shalt  }
0x73: {  	_ =	shalt  }
0x74: {  	_ =	shalt  }
0x75: {  	_ =	shalt  }
0x76: {  	_ =	shalt  }
0x77: {  	_ =	shalt  }
0x78: {  	_ =	shalt  }
0x79: {  	_ =	shalt  }
0x7a: {  	_ =	shalt  }
0x7b: {  	_ =	shalt  }
0x7c: {  	_ =	shalt  }
0x7d: {  	_ =	shalt  }
0x7e: {  	_ =	shalt  }
0x7f: {  	_ =	shalt  }
0x80: {  	_ =	shalt  }
0x81: {  	_ =	shalt  }
0x82: {  	_ =	shalt  }
0x83: {  	_ =	shalt  }
0x84: {  	_ =	shalt  }
0x85: {  	_ =	shalt  }
0x86: {  	_ =	shalt  }
0x87: {  	_ =	shalt  }
.Lfunc_end0:
.L_simem_size_0:
called_computation.2_lowered:
.L_overlay_start_0:
0x88: {  	s2 =	sld [smem:$0x3FD9]  }
0x89: {  	s3 =	sld [smem:$0x3FFE];
	_ =	sdelay $0x1  }
0x8a: {  	s1 =	srdreg.scid  }
0x8b: {  	s0 =	sand.u32 $0x1, s1  }
0x8c: {  	s14 =	sshll.u32 s0, $0xA;
	s2 =	sadd.s32 s3, s2  }
0x8d: {  	s2 =	sadd.s32 s2, s14  }
0x8e: {  	[smem:$0x3FA1] =	sst s2  }
0x8f: {  	_ = 	snop  }
0x90: {  	s2 =	sld [smem:$0x3FD0];
	_ =	sdelay $0x2  }
0x91: {  	s15 =	simm.s32 $0xA;
	s4 =	simm.s32 $0x10  }
0x92: {  	[smem:s4], [sflag:s15] =	dma.local [hbm:s2], $0x1  }
0x93: {  	_ =	swait.eq [sflag:s15], $0x1  }
0x94: {  	[sflag:s15] =	ssyncset.done $0x0  }
0x95: {  	s16 =	sld [smem:$0x10];
	[sflag:s15] =	ssyncadd.s32 $0xFFFFFFFF  }
0x96: {  	s17 =	sld [smem:$0x11];
	(tm) =	ssettm $0x1  }
0x97: {  	s18 =	sld [smem:$0x3FFB];
	_ =	sdelay $0x3  }
0x98: {  	_ =	strace s18  }
0x99: {  	s4 =	sld [smem:$0x3FFC];
	_ =	sdelay $0x3  }
0x9a: {  	_ =	strace s4  }
0x9b: {  	s4 =	sld [smem:$0x3FFD];
	_ =	sdelay $0x3  }
0x9c: {  	_ =	strace s4  }
0x9d: {  	_ =	strace $0x8FFFFFFF  }
0x9e: {  	s19 =	sld [smem:$0x3FDB];
	_ =	sdelay $0x1  }
0x9f: {  	s5 =	simm.s32 $_scs_section_size  }
0xa0: {  	s6 =	simm.s32 $_size__tile_overlayer_lowered;
	s7 =	simm.s32 $_tile_overlayer_lowered  }
0xa1: {  	s22 =	simm.s32 $0x1BFF;
	s21 =	sshll.u32 s7, $0x1;
	s4 =	sadd.s32 s5, s19  }
0xa2: {  	s8 =	simm.s32 $0x0;
	s20 =	sshll.u32 s6, $0x1;
	s6 =	sadd.s32 s21, s4  }
0xa3: {  	[timem:s8], [sflag:s22] =	dma.local [hbm:s6], s20  }
0xa4: {  	_ =	swait.ge [sflag:s22], s20  }
0xa5: {  	s5 =	ssub.s32 $0x0, s20;
	[sflag:s22] =	ssyncset.done $0x0  }
0xa6: {  	[sflag:s22] =	ssyncadd.s32 s5;
	_ =	sdelay $0x1  }
0xa7: {  	s23 =	simm.s32 $0x1B8B  }
0xa8: {  	_ =	swait.ge [sflag:s23], $0x1  }
0xa9: {  	[sflag:s23] =	ssyncset.done $0x0  }
0xaa: {  	s25 =	simm.s32 $0x1B8E;
	s24 =	sld [smem:$0x3FFE];
	[sflag:s23] =	ssyncadd.s32 $0xFFFFFFFF  }
0xab: {  	s26 =	simm.s32 $execute0_lowered;
	[smem:$0x3FD2] =	sst s25  }
0xac: {  	s6 =	sshll.u32 s26, $0x1;
	_ =	strace $0x8000004C;
	[dreg:$0x1] =	wrdreg $0xFFFFFFFF  }
0xad: {  	s28 =	simm.s32 $_size_execute0_lowered;
	s4 =	sadd.s32 s4, s6;
	[dreg:$0x0] =	wrdreg $0x0  }
0xae: {  	s6 =	sshll.u32 s28, $0x1;
	[dreg:$0x2] =	wrdreg s4  }
0xaf: {  	[dreg:$0x3] =	wrdreg s6  }
0xb0: {  	[dreg:$0x4] =	wrdreg $0xC0  }
0xb1: {  	_ =	task [dreg:s8], $0x5FFFF  }
0xb2: {  	[dreg:$0x1] =	wrdreg $0xFFFFFFFF  }
0xb3: {  	[dreg:$0x0] =	wrdreg $0x60  }
0xb4: {  	[dreg:$0x2] =	wrdreg s17  }
0xb5: {  	[dreg:$0x3] =	wrdreg s16  }
0xb6: {  	[dreg:$0x4] =	wrdreg s24  }
0xb7: {  	[dreg:$0x5] =	wrdreg $0xB8000  }
0xb8: {  	[dreg:$0x6] =	wrdreg $0x9  }
0xb9: {  	_ =	task.clear_ibuf [dreg:s8], $0x7FFFF;
	_ =	strace $0x9000004C  }
0xba: {  	s29 =	simm.s32 $0x9;
	_ =	strace $0x8000004E  }
0xbb: {  	_ =	swait.ge [sflag:s29], $0x1  }
0xbc: {  	[sflag:s29] =	ssyncadd.s32 $0xFFFFFFFF  }
0xbd: {  	_ =	strace $0x9000004E  }
0xbe: {  	_ =	sfence  }
0xbf: {  	s30 =	sld [smem:$0x0];
	_ =	sdelay $0x2  }
0xc0: {  	s31 =	sshll.u32 s1, $0xD;
	s1 =	sshrl.u32 s1, $0x2  }
0xc1: {  	s3 =	sand.u32 $0x4000, s31;
	s1 =	sadd.s32 s1, s30  }
0xc2: {  	s0 =	sor.u32 s3, s0;
	s1 =	sshll.u32 s1, $0x11  }
0xc3: {  	s0 =	sor.u32 s1, s0  }
0xc4: {  	s0 =	sadd.s32 $0x8F2B, s0  }
0xc5: {  	[sflag:s0] =	ssyncadd.remote.s32 $0x1  }
0xc6: {  	_ =	sfence.sel $0xFFFF  }
0xc7: {  	[dreg:$0x0] =	wrdreg $0xFFFFFFFF;
	(pc) =	sbr.abs _section_cstart, $3  }
0xc8: {  	[dreg:$0x1] =	wrdreg $0xFFFFFFFF  }
0xc9: {  	_ =	task.clear_ibuf [dreg:s8], $0x2FFFF;
	_ =	strace $0x9FFFFFFF  }
0xca: {  	(tm) =	ssettm $0x7FFFFFFF  }
0xcb: {  	_ =	shalt  }
tec
execute0_lowered:
.L_overlay_start_1:
0x0: {  	(tag) =	ssettag $0x1  }
0x1: {  	s0 =	rddreg [dreg:$0x0]  }
0x2: {  	s1 =	rddreg [dreg:$0x1]  }
0x3: {  	s2 =	srdreg.scid;
	s6 =	rddreg [dreg:$0x2]  }
0x4: {  	s10 =	stileid.u32;
	s3 =	rddreg [dreg:$0x3];
	s4 =	simm.s32 $0x0  }
0x5: {  	s14 =	simm.s32 $0x4;
	s15 =	simm.s32 $0x2000;
	s16 =	simm.s32 $0x50  }
0x6: {  	s17 =	simm.s32 $0x4000;
	s18 =	simm.s32 $0x80;
	s19 =	simm.s32 $0x6800  }
0x7: {  	s20 =	simm.s32 $0x100;
	s21 =	simm.s32 $0x9000;
	s28 =	simm.s32 $0x3E80  }
0x8: {  	s29 =	simm.s32 $0x3F00;
	s30 =	simm.s32 $0x3F80;
	s31 =	simm.s32 $0x0  }
0x9: {  	s2 =	sand.u32 $0x1, s2;
	s7 =	smul.u32 $0x14000, s10;
	[smem:$0x7FF] =	sst s4  }
0xa: {  	s22 =	sadd.s32 $0x6A00, s6;
	s24 =	smul.u32 $0x50000, s10;
	s9 =	sshll.u32 s10, $0xC  }
0xb: {  	s26 =	sshll.u32 s10, $0x6;
	s5 =	smul.u32 $0x140000, s2;
	_ =	strace $0x8000004D  }
0xc: {  	[dreg:$0x5] =	wrdreg s22;
	s23 =	ssub.s32 $0x2, s2;
	s2 =	sshll.u32 s2, $0xB  }
0xd: {  	s22 =	simm.s32 $0x1;
	s8 =	sshrl.u32 s23, $0x1;
	s25 =	sshrl.u32 s24, $0x2  }
0xe: {  	s2 =	sor.u32 s2, s9;
	s24 =	simm.s32 $0x3;
	s7 =	sadd.s32 s7, s5  }
0xf: {  	s12 =	ssub.s32 s23, s8;
	s13 =	sadd.s32 s25, s3;
	s23 =	simm.s32 $0x2  }
0x10: {  	s25 =	simm.s32 $0x3E00;
	s7 =	sshrl.u32 s7, $0x3;
	s12 =	smax.u32 s12, $0x1  }
0x11: {  	s13 =	sshrl.u32 s13, $0x3;
	s11 =	sadd.s32 s7, s6;
	s6 =	sadd.s32 s1, s2  }
0x12: {  	s7 =	sor.u32 $0x1C04, s26;
	s26 =	simm.s32 $0x1F80;
	s8 =	sadd.s32 $0x10000, s6  }
0x13: {  	s9 =	sadd.s32 $0x400, s6;
	s10 =	sadd.s32 $0x10400, s6;
	s11 =	sadd.s32 $0x9200, s11  }
.LBB2_1:
0x14: {  	s1 =	rddreg [dreg:$0x5]  }
0x15: {  	[spmem:s13], [sflag:s7] =	dma.local [hbm:s1], $0x2800  }
0x16: {  	_ =	swait.ge [sflag:s14], $0x2800  }
0x17: {  	[sflag:s14] =	ssyncset.done $0x0  }
0x18: {  	[sflag:s14] =	ssyncadd.s32 $0xFFFFD800  }
0x19: {  	[bflag:$0x0] =	sbarrier.arrive $0xFFFF  }
0x1a: {  	[tilespmem:s4], [sflag:$0x4] =	stream.linear.gather [hbm4b:s6+s4], $0x2000, $0x38;
	[tilespmem:$0x1F800] =	vst v63  }
0x1b: {  	_ =	swait.ge [sflag:s14], $0x2000  }
0x1c: {  	[sflag:s14] =	ssyncset.done $0x0  }
0x1d: {  	[sflag:s14] =	ssyncadd.s32 $0xFFFFE000  }
0x1e: {  	[tilespmem:s15], [sflag:$0x4] =	stream.linear.gather [hbm4b:s8+s4], $0x2000, $0x38;
	[tilespmem:$0x1F800] =	vst v63  }
0x1f: {  	_ =	swait.ge [sflag:s14], $0x2000  }
0x20: {  	[sflag:s14] =	ssyncset.done $0x0  }
0x21: {  	[sflag:s14] =	ssyncadd.s32 $0xFFFFE000  }
0x22: {  	[tilespmem:s17], [sflag:$0x1] =	stream.indirect.gather [hbm4b:s0+s16], $0x80, s4, s16, $0xb8;
	[tilespmem:$0x1F800] =	vst v63  }
0x23: {  	_ = 	snop  }
0x24: {  	[tilespmem:s19], [sflag:$0x2] =	stream.indirect.gather [hbm4b:s0+s16], $0x80, s18, s16, $0xb8;
	[tilespmem:$0x1F800] =	vst v63  }
0x25: {  	_ = 	snop  }
0x26: {  	[tilespmem:s21], [sflag:$0x3] =	stream.indirect.gather [hbm4b:s0+s16], $0x80, s20, s16, $0xb8;
	[tilespmem:$0x1F800] =	vst v63  }
0x27: {  	_ =	swait.ge [sflag:s22], $0x2800  }
0x28: {  	[sflag:s22] =	ssyncset.done $0x0  }
0x29: {  	s5 =	simm.s32 $0x2000;
	[sflag:s22] =	ssyncadd.s32 $0xFFFFD800  }
0x2a: {  	[spmem:s3] =	stream.indirect.scatter.add.f32 [tilespmem:s17], [sflag:$0x4], $0x80, s5, s16, $0xb8;
	[tilespmem:$0x1F800] =	vst v63  }
0x2b: {  	_ =	swait.ge [sflag:s14], $0x2800  }
0x2c: {  	[sflag:s14] =	ssyncset.done $0x0  }
0x2d: {  	s2 =	simm.s32 $0x180;
	[sflag:s14] =	ssyncadd.s32 $0xFFFFD800  }
0x2e: {  	[tilespmem:s17], [sflag:$0x1] =	stream.indirect.gather [hbm4b:s0+s16], $0x80, s2, s16, $0xb8;
	[tilespmem:$0x1F800] =	vst v63  }
0x2f: {  	_ =	swait.ge [sflag:s23], $0x2800  }
0x30: {  	[sflag:s23] =	ssyncset.done $0x0  }
0x31: {  	s5 =	simm.s32 $0x2080;
	[sflag:s23] =	ssyncadd.s32 $0xFFFFD800  }
0x32: {  	[spmem:s3] =	stream.indirect.scatter.add.f32 [tilespmem:s19], [sflag:$0x4], $0x80, s5, s16, $0xb8;
	[tilespmem:$0x1F800] =	vst v63  }
0x33: {  	_ =	swait.ge [sflag:s14], $0x2800  }
0x34: {  	[sflag:s14] =	ssyncset.done $0x0  }
0x35: {  	s2 =	simm.s32 $0x200;
	[sflag:s14] =	ssyncadd.s32 $0xFFFFD800  }
0x36: {  	[tilespmem:s19], [sflag:$0x2] =	stream.indirect.gather [hbm4b:s0+s16], $0x80, s2, s16, $0xb8;
	[tilespmem:$0x1F800] =	vst v63  }
0x37: {  	_ =	swait.ge [sflag:s24], $0x2800  }
0x38: {  	[sflag:s24] =	ssyncset.done $0x0  }
0x39: {  	s5 =	simm.s32 $0x2100;
	[sflag:s24] =	ssyncadd.s32 $0xFFFFD800  }
0x3a: {  	[spmem:s3] =	stream.indirect.scatter.add.f32 [tilespmem:s21], [sflag:$0x4], $0x80, s5, s16, $0xb8;
	[tilespmem:$0x1F800] =	vst v63  }
0x3b: {  	_ =	swait.ge [sflag:s14], $0x2800  }
0x3c: {  	[sflag:s14] =	ssyncset.done $0x0  }
0x3d: {  	s1 =	simm.s32 $0x280;
	s2 =	simm.s32 $0x600;
	[sflag:s14] =	ssyncadd.s32 $0xFFFFD800  }
.LBB2_2:
0x3e: {  	[tilespmem:s21], [sflag:$0x3] =	stream.indirect.gather [hbm4b:s0+s16], $0x80, s1, s16, $0xb8;
	[tilespmem:$0x1F800] =	vst v63  }
0x3f: {  	s1 =	smov.u32 s2  }
0x40: {  	p0 =	sne.s32 s2, $0x7200;
	s2 =	sadd.s32 $0x600, s2;
	_ =	swait.ge [sflag:s22], $0x2800  }
0x41: {  	s1 =	sshra.s32 s1, $0x2;
	[sflag:s22] =	ssyncset.done $0x0  }
0x42: {  	s5 =	sadd.s32 $0x2000, s1;
	[sflag:s22] =	ssyncadd.s32 $0xFFFFD800  }
0x43: {  	[spmem:s3] =	stream.indirect.scatter.add.f32 [tilespmem:s17], [sflag:$0x4], $0x80, s5, s16, $0xb8;
	[tilespmem:$0x1F800] =	vst v63  }
0x44: {  	_ =	swait.ge [sflag:s14], $0x2800  }
0x45: {  	[sflag:s14] =	ssyncset.done $0x0  }
0x46: {  	s5 =	sadd.s32 $0x180, s1;
	[sflag:s14] =	ssyncadd.s32 $0xFFFFD800  }
0x47: {  	[tilespmem:s17], [sflag:$0x1] =	stream.indirect.gather [hbm4b:s0+s16], $0x80, s5, s16, $0xb8;
	[tilespmem:$0x1F800] =	vst v63  }
0x48: {  	_ =	swait.ge [sflag:s23], $0x2800  }
0x49: {  	[sflag:s23] =	ssyncset.done $0x0  }
0x4a: {  	s5 =	sadd.s32 $0x2080, s1;
	[sflag:s23] =	ssyncadd.s32 $0xFFFFD800  }
0x4b: {  	[spmem:s3] =	stream.indirect.scatter.add.f32 [tilespmem:s19], [sflag:$0x4], $0x80, s5, s16, $0xb8;
	[tilespmem:$0x1F800] =	vst v63  }
0x4c: {  	_ =	swait.ge [sflag:s14], $0x2800  }
0x4d: {  	[sflag:s14] =	ssyncset.done $0x0  }
0x4e: {  	s5 =	sadd.s32 $0x200, s1;
	[sflag:s14] =	ssyncadd.s32 $0xFFFFD800  }
0x4f: {  	[tilespmem:s19], [sflag:$0x2] =	stream.indirect.gather [hbm4b:s0+s16], $0x80, s5, s16, $0xb8;
	[tilespmem:$0x1F800] =	vst v63  }
0x50: {  	_ =	swait.ge [sflag:s24], $0x2800  }
0x51: {  	[sflag:s24] =	ssyncset.done $0x0  }
.Ltmp0:
0x52: {  	s5 =	sadd.s32 $0x2100, s1;
	[sflag:s24] =	ssyncadd.s32 $0xFFFFD800;
	(pc) =	sbr.rel @p0 .LBB2_2-.Ltmp0, $4  }
0x53: {  	[spmem:s3] =	stream.indirect.scatter.add.f32 [tilespmem:s21], [sflag:$0x4], $0x80, s5, s16, $0xb8;
	[tilespmem:$0x1F800] =	vst v63  }
0x54: {  	_ =	swait.ge [sflag:s14], $0x2800  }
0x55: {  	[sflag:s14] =	ssyncset.done $0x0  }
0x56: {  	s1 =	sadd.s32 $0x280, s1;
	[sflag:s14] =	ssyncadd.s32 $0xFFFFD800  }
0x57: {  	[tilespmem:s21], [sflag:$0x3] =	stream.indirect.gather [hbm4b:s0+s16], $0x80, s1, s16, $0xb8;
	[tilespmem:$0x1F800] =	vst v63  }
0x58: {  	_ =	swait.ge [sflag:s22], $0x2800  }
0x59: {  	[sflag:s22] =	ssyncset.done $0x0  }
0x5a: {  	[sflag:s22] =	ssyncadd.s32 $0xFFFFD800  }
0x5b: {  	[spmem:s3] =	stream.indirect.scatter.add.f32 [tilespmem:s17], [sflag:$0x4], $0x80, s25, s16, $0xb8;
	[tilespmem:$0x1F800] =	vst v63  }
0x5c: {  	_ =	swait.ge [sflag:s14], $0x2800  }
0x5d: {  	[sflag:s14] =	ssyncset.done $0x0  }
0x5e: {  	[sflag:s14] =	ssyncadd.s32 $0xFFFFD800  }
0x5f: {  	[tilespmem:s17], [sflag:$0x1] =	stream.indirect.gather [hbm4b:s0+s16], $0x80, s26, s16, $0xb8;
	[tilespmem:$0x1F800] =	vst v63  }
0x60: {  	_ =	swait.ge [sflag:s23], $0x2800  }
0x61: {  	[sflag:s23] =	ssyncset.done $0x0  }
0x62: {  	[sflag:s23] =	ssyncadd.s32 $0xFFFFD800  }
0x63: {  	[spmem:s3] =	stream.indirect.scatter.add.f32 [tilespmem:s19], [sflag:$0x4], $0x80, s28, s16, $0xb8;
	[tilespmem:$0x1F800] =	vst v63  }
0x64: {  	_ =	swait.ge [sflag:s14], $0x2800  }
0x65: {  	[sflag:s14] =	ssyncset.done $0x0  }
0x66: {  	[sflag:s14] =	ssyncadd.s32 $0xFFFFD800  }
0x67: {  	_ =	swait.ge [sflag:s24], $0x2800  }
0x68: {  	[sflag:s24] =	ssyncset.done $0x0  }
0x69: {  	[sflag:s24] =	ssyncadd.s32 $0xFFFFD800  }
0x6a: {  	[spmem:s3] =	stream.indirect.scatter.add.f32 [tilespmem:s21], [sflag:$0x4], $0x80, s29, s16, $0xb8;
	[tilespmem:$0x1F800] =	vst v63  }
0x6b: {  	_ =	swait.ge [sflag:s14], $0x2800  }
0x6c: {  	[sflag:s14] =	ssyncset.done $0x0  }
0x6d: {  	[sflag:s14] =	ssyncadd.s32 $0xFFFFD800  }
0x6e: {  	_ =	swait.ge [sflag:s22], $0x2800  }
0x6f: {  	[sflag:s22] =	ssyncset.done $0x0  }
0x70: {  	[sflag:s22] =	ssyncadd.s32 $0xFFFFD800  }
0x71: {  	[spmem:s3] =	stream.indirect.scatter.add.f32 [tilespmem:s17], [sflag:$0x4], $0x80, s30, s16, $0xb8;
	[tilespmem:$0x1F800] =	vst v63  }
0x72: {  	_ =	swait.ge [sflag:s14], $0x2800  }
0x73: {  	[sflag:s14] =	ssyncset.done $0x0  }
0x74: {  	s2 =	simm.s32 $0x0;
	[sflag:s14] =	ssyncadd.s32 $0xFFFFD800  }
0x75: {  	[tilespmem:s2], [sflag:$0x4] =	stream.linear.gather [hbm4b:s9+s2], $0x2000, $0x38;
	[tilespmem:$0x1F800] =	vst v63  }
0x76: {  	_ =	swait.ge [sflag:s14], $0x2000  }
0x77: {  	[sflag:s14] =	ssyncset.done $0x0  }
0x78: {  	[sflag:s14] =	ssyncadd.s32 $0xFFFFE000  }
0x79: {  	[tilespmem:s15], [sflag:$0x4] =	stream.linear.gather [hbm4b:s10+s2], $0x2000, $0x38;
	[tilespmem:$0x1F800] =	vst v63  }
0x7a: {  	_ =	swait.ge [sflag:s14], $0x2000  }
0x7b: {  	[sflag:s14] =	ssyncset.done $0x0  }
0x7c: {  	[sflag:s14] =	ssyncadd.s32 $0xFFFFE000  }
0x7d: {  	[tilespmem:s17], [sflag:$0x1] =	stream.indirect.gather [hbm4b:s0+s16], $0x80, s2, s16, $0xb8;
	[tilespmem:$0x1F800] =	vst v63  }
0x7e: {  	_ = 	snop  }
0x7f: {  	[tilespmem:s19], [sflag:$0x2] =	stream.indirect.gather [hbm4b:s0+s16], $0x80, s18, s16, $0xb8;
	[tilespmem:$0x1F800] =	vst v63  }
0x80: {  	_ = 	snop  }
0x81: {  	[tilespmem:s21], [sflag:$0x3] =	stream.indirect.gather [hbm4b:s0+s16], $0x80, s20, s16, $0xb8;
	[tilespmem:$0x1F800] =	vst v63  }
0x82: {  	_ =	swait.ge [sflag:s22], $0x2800  }
0x83: {  	[sflag:s22] =	ssyncset.done $0x0  }
0x84: {  	s5 =	simm.s32 $0x2000;
	[sflag:s22] =	ssyncadd.s32 $0xFFFFD800  }
0x85: {  	[spmem:s3] =	stream.indirect.scatter.add.f32 [tilespmem:s17], [sflag:$0x4], $0x80, s5, s16, $0xb8;
	[tilespmem:$0x1F800] =	vst v63  }
0x86: {  	_ =	swait.ge [sflag:s14], $0x2800  }
0x87: {  	[sflag:s14] =	ssyncset.done $0x0  }
0x88: {  	s2 =	simm.s32 $0x180;
	[sflag:s14] =	ssyncadd.s32 $0xFFFFD800  }
0x89: {  	[tilespmem:s17], [sflag:$0x1] =	stream.indirect.gather [hbm4b:s0+s16], $0x80, s2, s16, $0xb8;
	[tilespmem:$0x1F800] =	vst v63  }
0x8a: {  	_ =	swait.ge [sflag:s23], $0x2800  }
0x8b: {  	[sflag:s23] =	ssyncset.done $0x0  }
0x8c: {  	s5 =	simm.s32 $0x2080;
	[sflag:s23] =	ssyncadd.s32 $0xFFFFD800  }
0x8d: {  	[spmem:s3] =	stream.indirect.scatter.add.f32 [tilespmem:s19], [sflag:$0x4], $0x80, s5, s16, $0xb8;
	[tilespmem:$0x1F800] =	vst v63  }
0x8e: {  	_ =	swait.ge [sflag:s14], $0x2800  }
0x8f: {  	[sflag:s14] =	ssyncset.done $0x0  }
0x90: {  	s2 =	simm.s32 $0x200;
	[sflag:s14] =	ssyncadd.s32 $0xFFFFD800  }
0x91: {  	[tilespmem:s19], [sflag:$0x2] =	stream.indirect.gather [hbm4b:s0+s16], $0x80, s2, s16, $0xb8;
	[tilespmem:$0x1F800] =	vst v63  }
0x92: {  	_ =	swait.ge [sflag:s24], $0x2800  }
0x93: {  	[sflag:s24] =	ssyncset.done $0x0  }
0x94: {  	s5 =	simm.s32 $0x2100;
	[sflag:s24] =	ssyncadd.s32 $0xFFFFD800  }
0x95: {  	[spmem:s3] =	stream.indirect.scatter.add.f32 [tilespmem:s21], [sflag:$0x4], $0x80, s5, s16, $0xb8;
	[tilespmem:$0x1F800] =	vst v63  }
0x96: {  	_ =	swait.ge [sflag:s14], $0x2800  }
0x97: {  	[sflag:s14] =	ssyncset.done $0x0  }
0x98: {  	s1 =	simm.s32 $0x280;
	s2 =	simm.s32 $0x600;
	[sflag:s14] =	ssyncadd.s32 $0xFFFFD800  }
.LBB2_4:
0x99: {  	[tilespmem:s21], [sflag:$0x3] =	stream.indirect.gather [hbm4b:s0+s16], $0x80, s1, s16, $0xb8;
	[tilespmem:$0x1F800] =	vst v63  }
0x9a: {  	s1 =	smov.u32 s2  }
0x9b: {  	p0 =	sne.s32 s2, $0x7200;
	s2 =	sadd.s32 $0x600, s2;
	_ =	swait.ge [sflag:s22], $0x2800  }
0x9c: {  	s1 =	sshra.s32 s1, $0x2;
	[sflag:s22] =	ssyncset.done $0x0  }
0x9d: {  	s5 =	sadd.s32 $0x2000, s1;
	[sflag:s22] =	ssyncadd.s32 $0xFFFFD800  }
0x9e: {  	[spmem:s3] =	stream.indirect.scatter.add.f32 [tilespmem:s17], [sflag:$0x4], $0x80, s5, s16, $0xb8;
	[tilespmem:$0x1F800] =	vst v63  }
0x9f: {  	_ =	swait.ge [sflag:s14], $0x2800  }
0xa0: {  	[sflag:s14] =	ssyncset.done $0x0  }
0xa1: {  	s5 =	sadd.s32 $0x180, s1;
	[sflag:s14] =	ssyncadd.s32 $0xFFFFD800  }
0xa2: {  	[tilespmem:s17], [sflag:$0x1] =	stream.indirect.gather [hbm4b:s0+s16], $0x80, s5, s16, $0xb8;
	[tilespmem:$0x1F800] =	vst v63  }
0xa3: {  	_ =	swait.ge [sflag:s23], $0x2800  }
0xa4: {  	[sflag:s23] =	ssyncset.done $0x0  }
0xa5: {  	s5 =	sadd.s32 $0x2080, s1;
	[sflag:s23] =	ssyncadd.s32 $0xFFFFD800  }
0xa6: {  	[spmem:s3] =	stream.indirect.scatter.add.f32 [tilespmem:s19], [sflag:$0x4], $0x80, s5, s16, $0xb8;
	[tilespmem:$0x1F800] =	vst v63  }
0xa7: {  	_ =	swait.ge [sflag:s14], $0x2800  }
0xa8: {  	[sflag:s14] =	ssyncset.done $0x0  }
0xa9: {  	s5 =	sadd.s32 $0x200, s1;
	[sflag:s14] =	ssyncadd.s32 $0xFFFFD800  }
0xaa: {  	[tilespmem:s19], [sflag:$0x2] =	stream.indirect.gather [hbm4b:s0+s16], $0x80, s5, s16, $0xb8;
	[tilespmem:$0x1F800] =	vst v63  }
0xab: {  	_ =	swait.ge [sflag:s24], $0x2800  }
0xac: {  	[sflag:s24] =	ssyncset.done $0x0  }
.Ltmp1:
0xad: {  	s5 =	sadd.s32 $0x2100, s1;
	[sflag:s24] =	ssyncadd.s32 $0xFFFFD800;
	(pc) =	sbr.rel @p0 .LBB2_4-.Ltmp1, $4  }
0xae: {  	[spmem:s3] =	stream.indirect.scatter.add.f32 [tilespmem:s21], [sflag:$0x4], $0x80, s5, s16, $0xb8;
	[tilespmem:$0x1F800] =	vst v63  }
0xaf: {  	_ =	swait.ge [sflag:s14], $0x2800  }
0xb0: {  	[sflag:s14] =	ssyncset.done $0x0  }
0xb1: {  	s1 =	sadd.s32 $0x280, s1;
	[sflag:s14] =	ssyncadd.s32 $0xFFFFD800  }
0xb2: {  	[tilespmem:s21], [sflag:$0x3] =	stream.indirect.gather [hbm4b:s0+s16], $0x80, s1, s16, $0xb8;
	[tilespmem:$0x1F800] =	vst v63  }
0xb3: {  	_ =	swait.ge [sflag:s22], $0x2800  }
0xb4: {  	[sflag:s22] =	ssyncset.done $0x0  }
0xb5: {  	[sflag:s22] =	ssyncadd.s32 $0xFFFFD800  }
0xb6: {  	[spmem:s3] =	stream.indirect.scatter.add.f32 [tilespmem:s17], [sflag:$0x4], $0x80, s25, s16, $0xb8;
	[tilespmem:$0x1F800] =	vst v63  }
0xb7: {  	_ =	swait.ge [sflag:s14], $0x2800  }
0xb8: {  	[sflag:s14] =	ssyncset.done $0x0  }
0xb9: {  	[sflag:s14] =	ssyncadd.s32 $0xFFFFD800  }
0xba: {  	[tilespmem:s17], [sflag:$0x1] =	stream.indirect.gather [hbm4b:s0+s16], $0x80, s26, s16, $0xb8;
	[tilespmem:$0x1F800] =	vst v63  }
0xbb: {  	_ =	swait.ge [sflag:s23], $0x2800  }
0xbc: {  	[sflag:s23] =	ssyncset.done $0x0  }
0xbd: {  	[sflag:s23] =	ssyncadd.s32 $0xFFFFD800  }
0xbe: {  	[spmem:s3] =	stream.indirect.scatter.add.f32 [tilespmem:s19], [sflag:$0x4], $0x80, s28, s16, $0xb8;
	[tilespmem:$0x1F800] =	vst v63  }
0xbf: {  	_ =	swait.ge [sflag:s14], $0x2800  }
0xc0: {  	[sflag:s14] =	ssyncset.done $0x0  }
0xc1: {  	[sflag:s14] =	ssyncadd.s32 $0xFFFFD800  }
0xc2: {  	_ =	swait.ge [sflag:s24], $0x2800  }
0xc3: {  	[sflag:s24] =	ssyncset.done $0x0  }
0xc4: {  	[sflag:s24] =	ssyncadd.s32 $0xFFFFD800  }
0xc5: {  	[spmem:s3] =	stream.indirect.scatter.add.f32 [tilespmem:s21], [sflag:$0x4], $0x80, s29, s16, $0xb8;
	[tilespmem:$0x1F800] =	vst v63  }
0xc6: {  	_ =	swait.ge [sflag:s14], $0x2800  }
0xc7: {  	[sflag:s14] =	ssyncset.done $0x0  }
0xc8: {  	[sflag:s14] =	ssyncadd.s32 $0xFFFFD800  }
0xc9: {  	_ =	swait.ge [sflag:s22], $0x2800  }
0xca: {  	[sflag:s22] =	ssyncset.done $0x0  }
0xcb: {  	[sflag:s22] =	ssyncadd.s32 $0xFFFFD800  }
0xcc: {  	[spmem:s3] =	stream.indirect.scatter.add.f32 [tilespmem:s17], [sflag:$0x4], $0x80, s30, s16, $0xb8;
	[tilespmem:$0x1F800] =	vst v63  }
0xcd: {  	_ =	swait.ge [sflag:s14], $0x2800  }
0xce: {  	s31 =	sadd.s32 $0x1, s31;
	[sflag:s14] =	ssyncset.done $0x0  }
0xcf: {  	p0 =	sne.s32 s31, s12;
	[sflag:s14] =	ssyncadd.s32 $0xFFFFD800  }
.Ltmp2:
0xd0: {  	[bflag:$0x0] =	sbarrier.arrive $0xFFFF;
	(pc) =	sbr.rel @p0 .LBB2_1-.Ltmp2, $4  }
0xd1: {  	[hbm:s11], [sflag:s7] =	dma.local [spmem:s13], $0x2800  }
0xd2: {  	_ =	swait.ge [sflag:s14], $0x2800  }
0xd3: {  	[sflag:s14] =	ssyncset.done $0x0  }
0xd4: {  	[sflag:s14] =	ssyncadd.s32 $0xFFFFD800  }
0xd5: {  	_ =	sfence.sel $0x180000  }
0xd6: {  	[bflag:$0x0] =	sbarrier.arrive $0xFFFF  }
0xd7: {  	_ =	strace $0x9000004D  }
0xd8: {  	s0 =	stileid.u32;
	[bflag:$0x2] =	sbarrier.arrive $0xFFFF  }
0xd9: {  	p0 =	sne.s32 s0, $0x0;
	s0 =	rddreg [dreg:$0x4]  }
0xda: {  	s0 =	sadd.s32 @!p0 $0x100000, s0  }
0xdb: {  	[sflag:s0] =	ssyncadd.tile.s32 @!p0 $0x1;
	_ =	shalt  }
.Lfunc_end2:
_tile_overlayer_lowered:
.L_overlay_start_2:
0xdc: {  	(tag) =	ssettag $0x2  }
0xdd: {  	s0 =	rddreg [dreg:$0x0];
	s2 =	stileid.u32  }
0xde: {  	s1 =	rddreg [dreg:$0x1];
	p0 =	sne.s32 s2, $0x0  }
0xdf: {  	s3 =	rddreg [dreg:$0x2];
	[bflag:$0x3] =	sbarrier.arrive $0xFFFF;
	s2 =	simm.s32 @!p0 $0x1C04  }
0xe0: {  	[timem:s3], [sflag:s2] =	dma.local @!p0 [hbm:s0], s1  }
0xe1: {  	s0 =	simm.s32 @!p0 $0x4  }
0xe2: {  	_ =	swait.ge @!p0 [sflag:s0], s1  }
0xe3: {  	s1 =	ssub.s32 @!p0 $0x0, s1;
	[sflag:s0] =	ssyncset.done @!p0 $0x0  }
0xe4: {  	[sflag:s0] =	ssyncadd.s32 @!p0 s1  }
0xe5: {  	[bflag:$0x3] =	sbarrier.arrive $0xFFFF  }
0xe6: {  	_ =	shalt  }

// kernel: kernel.9.cloned.1.call-start
scs
__scs_entry_jumppad:
0x0: {  	(pc) =	sbr.rel $0x88, $3  }
0x1: {  	(tag) =	ssettag $0x0;
	lr =	simm.s32 $0x1  }
0x2: {  	[smem:$0x3F7A] =	sst lr;
	_ =	strace $0xD0000000  }
0x3: {  	_ = 	snop  }
0x4: {  	_ = 	snop  }
0x5: {  	_ = 	snop  }
0x6: {  	_ = 	snop  }
0x7: {  	_ = 	snop  }
__scs_overlays_trampoline_lowered:
0x8: {  	[smem:$0x3F89] =	sst s0  }
0x9: {  	[smem:$0x3F8A] =	sst s1  }
0xa: {  	[smem:$0x3F8B] =	sst s2  }
0xb: {  	[smem:$0x3F8C] =	sst s3  }
0xc: {  	[smem:$0x3F8D] =	sst s4  }
0xd: {  	[smem:$0x3F8E] =	sst s5  }
0xe: {  	[smem:$0x3F8F] =	sst s6  }
0xf: {  	[smem:$0x3F90] =	sst s7  }
0x10: {  	[smem:$0x3F91] =	sst s8  }
0x11: {  	[smem:$0x3F92] =	sst s9;
	s0 =	simm.s32 @!p0 $0x0  }
0x12: {  	s1 =	sld [smem:$0x3F78];
	s0 =	simm.s32 @p0 $0x1  }
0x13: {  	[smem:$0x3F93] =	sst s0;
	s0 =	simm.s32 @!p1 $0x0  }
0x14: {  	s2 =	sld [smem:$0x3F77];
	s0 =	simm.s32 @p1 $0x1  }
0x15: {  	[smem:$0x3F94] =	sst s0;
	s0 =	simm.s32 @!p2 $0x0  }
0x16: {  	s3 =	sld [smem:$0x3FDB];
	s0 =	simm.s32 @p2 $0x1  }
0x17: {  	s4 =	simm.s32 $0x1BF5;
	[smem:$0x3F96] =	sst s0  }
0x18: {  	s0 =	sld [smem:$0x3F79];
	_ =	swait.ge [sflag:s4], $0x0  }
0x19: {  	s7 =	sld [smem:$0x3F7A]  }
0x1a: {  	s8 =	sadd.s32 $0xFFFFE003, lr  }
0x1b: {  	s9 =	sadd.s32 $0xFFFFFEF7, lr;
	s5 =	simm.s32 $0xFFFFFFFF;
	p2 =	slt.u32 s8, $0xFFFFF086  }
0x1c: {  	p1 =	slt.u32 s9, $0xF7A;
	s5 =	simm.s32 @!p2 $0x0  }
0x1d: {  	s5 =	simm.s32 @p1 $0x1;
	p0 =	seq.s32 s7, s2  }
0x1e: {  	s7 =	smul.u32 @!p0 $0xF7A, s2;
	p2 =	seq.s32 @!p0 s5, $0x0  }
0x1f: {  	s9 =	smul.u32 $0xF7A, s1;
	s8 =	simm.s32 @!p0 $0x1BF5;
	p2 =	por !p2, p0  }
0x20: {  	[sflag:s8] =	ssyncset.s32 @!p0 $0xFFFFF086;
	s6 =	sadd.s32 @!p0 s3, s7;
	s7 =	simm.s32 @!p0 $0x108  }
0x21: {  	s3 =	sadd.s32 s3, s9;
	s6 =	sadd.s32 @!p0 $0x88, s6;
	s7 =	simm.s32 @p2 $0x1082  }
0x22: {  	[simem:s7], [sflag:s8] =	dma.local @!p0 [hbm:s6], $0xF7A  }
0x23: {  	s9 =	sor.u32 $0xD0000000, s2;
	s6 =	simm.s32 $0x108;
	_ =	swait.ge @!p0 [sflag:s8], $0x0  }
0x24: {  	s3 =	sadd.s32 $0x88, s3;
	s6 =	simm.s32 @!p1 $0x1082;
	[sflag:s4] =	ssyncset.s32 $0xFFFFF086  }
0x25: {  	[simem:s6], [sflag:s4] =	dma.local [hbm:s3], $0xF7A  }
0x26: {  	[smem:$0x3F7A] =	sst s1;
	(tag) =	ssettag s2;
	_ =	strace s9  }
0x27: {  	s1 =	sld [smem:$0x3F8A]  }
0x28: {  	s2 =	sld [smem:$0x3F8B]  }
0x29: {  	s4 =	sld [smem:$0x3F8D]  }
0x2a: {  	p0 =	seq.s32 s5, $0x0;
	s5 =	sld [smem:$0x3F8E]  }
0x2b: {  	s6 =	sld [smem:$0x3F8F]  }
0x2c: {  	s7 =	sld [smem:$0x3F90]  }
0x2d: {  	s3 =	simm.s32 $0x108;
	s8 =	sld [smem:$0x3F91]  }
0x2e: {  	s3 =	simm.s32 @!p0 $0x1082;
	s9 =	sld [smem:$0x3F92]  }
0x2f: {  	lr =	sadd.s32 s0, s3;
	s0 =	sld [smem:$0x3F89]  }
0x30: {  	s3 =	sld [smem:$0x3F8C]  }
0x31: {  	[smem:$0x3F95] =	sst s10  }
0x32: {  	s10 =	sld [smem:$0x3F93];
	_ =	sdelay $0x3  }
0x33: {  	p0 =	seq.s32 s10, $0x1;
	s10 =	sld [smem:$0x3F95];
	_ =	sdelay $0x3  }
0x34: {  	[smem:$0x3F95] =	sst s10  }
0x35: {  	s10 =	sld [smem:$0x3F94];
	_ =	sdelay $0x3  }
0x36: {  	p1 =	seq.s32 s10, $0x1;
	s10 =	sld [smem:$0x3F95];
	_ =	sdelay $0x3  }
0x37: {  	[smem:$0x3F95] =	sst s10  }
0x38: {  	s10 =	sld [smem:$0x3F96]  }
0x39: {  	_ = 	snop;
	(pc) =	sbr.ind lr, $3  }
0x3a: {  	_ = 	snop  }
0x3b: {  	_ = 	snop  }
0x3c: {  	p2 =	seq.s32 s10, $0x1;
	s10 =	sld [smem:$0x3F95]  }
0x3d: {  	_ =	shalt  }
0x3e: {  	_ =	shalt  }
0x3f: {  	_ =	shalt  }
0x40: {  	_ =	shalt  }
0x41: {  	_ =	shalt  }
0x42: {  	_ =	shalt  }
0x43: {  	_ =	shalt  }
0x44: {  	_ =	shalt  }
0x45: {  	_ =	shalt  }
0x46: {  	_ =	shalt  }
0x47: {  	_ =	shalt  }
0x48: {  	_ =	shalt  }
0x49: {  	_ =	shalt  }
0x4a: {  	_ =	shalt  }
0x4b: {  	_ =	shalt  }
0x4c: {  	_ =	shalt  }
0x4d: {  	_ =	shalt  }
0x4e: {  	_ =	shalt  }
0x4f: {  	_ =	shalt  }
0x50: {  	_ =	shalt  }
0x51: {  	_ =	shalt  }
0x52: {  	_ =	shalt  }
0x53: {  	_ =	shalt  }
0x54: {  	_ =	shalt  }
0x55: {  	_ =	shalt  }
0x56: {  	_ =	shalt  }
0x57: {  	_ =	shalt  }
0x58: {  	_ =	shalt  }
0x59: {  	_ =	shalt  }
0x5a: {  	_ =	shalt  }
0x5b: {  	_ =	shalt  }
0x5c: {  	_ =	shalt  }
0x5d: {  	_ =	shalt  }
0x5e: {  	_ =	shalt  }
0x5f: {  	_ =	shalt  }
0x60: {  	_ =	shalt  }
0x61: {  	_ =	shalt  }
0x62: {  	_ =	shalt  }
0x63: {  	_ =	shalt  }
0x64: {  	_ =	shalt  }
0x65: {  	_ =	shalt  }
0x66: {  	_ =	shalt  }
0x67: {  	_ =	shalt  }
0x68: {  	_ =	shalt  }
0x69: {  	_ =	shalt  }
0x6a: {  	_ =	shalt  }
0x6b: {  	_ =	shalt  }
0x6c: {  	_ =	shalt  }
0x6d: {  	_ =	shalt  }
0x6e: {  	_ =	shalt  }
0x6f: {  	_ =	shalt  }
0x70: {  	_ =	shalt  }
0x71: {  	_ =	shalt  }
0x72: {  	_ =	shalt  }
0x73: {  	_ =	shalt  }
0x74: {  	_ =	shalt  }
0x75: {  	_ =	shalt  }
0x76: {  	_ =	shalt  }
0x77: {  	_ =	shalt  }
0x78: {  	_ =	shalt  }
0x79: {  	_ =	shalt  }
0x7a: {  	_ =	shalt  }
0x7b: {  	_ =	shalt  }
0x7c: {  	_ =	shalt  }
0x7d: {  	_ =	shalt  }
0x7e: {  	_ =	shalt  }
0x7f: {  	_ =	shalt  }
0x80: {  	_ =	shalt  }
0x81: {  	_ =	shalt  }
0x82: {  	_ =	shalt  }
0x83: {  	_ =	shalt  }
0x84: {  	_ =	shalt  }
0x85: {  	_ =	shalt  }
0x86: {  	_ =	shalt  }
0x87: {  	_ =	shalt  }
.Lfunc_end0:
.L_simem_size_0:
called_computation_lowered:
.L_overlay_start_0:
0x88: {  	s2 =	sld [smem:$0x3FD9]  }
0x89: {  	s3 =	sld [smem:$0x3FFE];
	_ =	sdelay $0x1  }
0x8a: {  	s1 =	srdreg.scid  }
0x8b: {  	s0 =	sand.u32 $0x1, s1  }
0x8c: {  	s14 =	sshll.u32 s0, $0xA;
	s2 =	sadd.s32 s3, s2  }
0x8d: {  	s2 =	sadd.s32 s2, s14  }
0x8e: {  	[smem:$0x3FA1] =	sst s2  }
0x8f: {  	_ = 	snop  }
0x90: {  	s2 =	sld [smem:$0x3FD0];
	_ =	sdelay $0x2  }
0x91: {  	s4 =	simm.s32 $0xA;
	s5 =	simm.s32 $0x10;
	s15 =	sld [smem:$0x3FC9]  }
0x92: {  	[smem:s5], [sflag:s4] =	dma.local [hbm:s2], $0x1  }
0x93: {  	_ =	swait.eq [sflag:s4], $0x1  }
0x94: {  	[sflag:s4] =	ssyncset.done $0x0  }
0x95: {  	[sflag:s4] =	ssyncadd.s32 $0xFFFFFFFF  }
0x96: {  	s16 =	sld [smem:$0x10];
	(tm) =	ssettm $0x1  }
0x97: {  	s17 =	sld [smem:$0x3FFB];
	_ =	sdelay $0x3  }
0x98: {  	_ =	strace s17  }
0x99: {  	s4 =	sld [smem:$0x3FFC];
	_ =	sdelay $0x3  }
0x9a: {  	_ =	strace s4  }
0x9b: {  	s4 =	sld [smem:$0x3FFD];
	_ =	sdelay $0x3  }
0x9c: {  	_ =	strace s4  }
0x9d: {  	_ =	strace $0x8FFFFFFF  }
0x9e: {  	s18 =	sld [smem:$0x3FDB];
	_ =	sdelay $0x1  }
0x9f: {  	s19 =	simm.s32 $_scs_section_size  }
0xa0: {  	s6 =	simm.s32 $_size__tile_overlayer_lowered;
	s7 =	simm.s32 $_tile_overlayer_lowered  }
0xa1: {  	s22 =	simm.s32 $0x1BFF;
	s21 =	sshll.u32 s7, $0x1;
	s4 =	sadd.s32 s19, s18  }
0xa2: {  	s8 =	simm.s32 $0x0;
	s20 =	sshll.u32 s6, $0x1;
	s6 =	sadd.s32 s21, s4  }
0xa3: {  	[timem:s8], [sflag:s22] =	dma.local [hbm:s6], s20  }
0xa4: {  	_ =	swait.ge [sflag:s22], s20  }
0xa5: {  	s5 =	ssub.s32 $0x0, s20;
	[sflag:s22] =	ssyncset.done $0x0  }
0xa6: {  	[sflag:s22] =	ssyncadd.s32 s5;
	_ =	sdelay $0x1  }
0xa7: {  	s23 =	simm.s32 $0x1B8B  }
0xa8: {  	_ =	swait.ge [sflag:s23], $0x1  }
0xa9: {  	[sflag:s23] =	ssyncset.done $0x0  }
0xaa: {  	s25 =	simm.s32 $0x1B8E;
	s24 =	sld [smem:$0x3FFE];
	[sflag:s23] =	ssyncadd.s32 $0xFFFFFFFF  }
0xab: {  	s26 =	simm.s32 $execute0_lowered;
	[smem:$0x3FD2] =	sst s25  }
0xac: {  	s6 =	sshll.u32 s26, $0x1;
	_ =	strace $0x80000046;
	[dreg:$0x1] =	wrdreg $0xFFFFFFFF  }
0xad: {  	s28 =	simm.s32 $_size_execute0_lowered;
	s4 =	sadd.s32 s4, s6;
	[dreg:$0x0] =	wrdreg $0x0  }
0xae: {  	s6 =	sshll.u32 s28, $0x1;
	[dreg:$0x2] =	wrdreg s4  }
0xaf: {  	[dreg:$0x3] =	wrdreg s6  }
0xb0: {  	[dreg:$0x4] =	wrdreg $0xC0  }
0xb1: {  	_ =	task [dreg:s8], $0x5FFFF  }
0xb2: {  	[dreg:$0x1] =	wrdreg $0xFFFFFFFF  }
0xb3: {  	[dreg:$0x0] =	wrdreg $0x60  }
0xb4: {  	[dreg:$0x2] =	wrdreg s15  }
0xb5: {  	[dreg:$0x3] =	wrdreg s16  }
0xb6: {  	[dreg:$0x4] =	wrdreg s24  }
0xb7: {  	[dreg:$0x5] =	wrdreg $0xB8000  }
0xb8: {  	[dreg:$0x6] =	wrdreg $0x9  }
0xb9: {  	_ =	task.clear_ibuf [dreg:s8], $0x7FFFF;
	_ =	strace $0x90000046  }
0xba: {  	s29 =	simm.s32 $0x9;
	_ =	strace $0x80000048  }
0xbb: {  	_ =	swait.ge [sflag:s29], $0x1  }
0xbc: {  	[sflag:s29] =	ssyncadd.s32 $0xFFFFFFFF  }
0xbd: {  	_ =	strace $0x90000048  }
0xbe: {  	_ =	sfence  }
0xbf: {  	s30 =	sld [smem:$0x0];
	_ =	sdelay $0x2  }
0xc0: {  	s31 =	sshll.u32 s1, $0xD;
	s1 =	sshrl.u32 s1, $0x2  }
0xc1: {  	s3 =	sand.u32 $0x4000, s31;
	s1 =	sadd.s32 s1, s30  }
0xc2: {  	s0 =	sor.u32 s3, s0;
	s1 =	sshll.u32 s1, $0x11  }
0xc3: {  	s0 =	sor.u32 s1, s0  }
0xc4: {  	s0 =	sadd.s32 $0x8F2B, s0  }
0xc5: {  	[sflag:s0] =	ssyncadd.remote.s32 $0x1  }
0xc6: {  	_ =	sfence.sel $0xFFFF  }
0xc7: {  	[dreg:$0x0] =	wrdreg $0xFFFFFFFF;
	(pc) =	sbr.abs _section_cstart, $3  }
0xc8: {  	[dreg:$0x1] =	wrdreg $0xFFFFFFFF  }
0xc9: {  	_ =	task.clear_ibuf [dreg:s8], $0x2FFFF;
	_ =	strace $0x9FFFFFFF  }
0xca: {  	(tm) =	ssettm $0x7FFFFFFF  }
0xcb: {  	_ =	shalt  }
tec
execute0_lowered:
.L_overlay_start_1:
0x0: {  	(tag) =	ssettag $0x1  }
0x1: {  	s0 =	rddreg [dreg:$0x0]  }
0x2: {  	s1 =	rddreg [dreg:$0x1]  }
0x3: {  	s2 =	srdreg.scid;
	s6 =	rddreg [dreg:$0x2]  }
0x4: {  	s10 =	stileid.u32;
	s3 =	rddreg [dreg:$0x3];
	s4 =	simm.s32 $0x0  }
0x5: {  	s14 =	simm.s32 $0x4;
	s15 =	simm.s32 $0x2000;
	s16 =	simm.s32 $0x50  }
0x6: {  	s17 =	simm.s32 $0x4000;
	s18 =	simm.s32 $0x80;
	s19 =	simm.s32 $0x6800  }
0x7: {  	s20 =	simm.s32 $0x100;
	s21 =	simm.s32 $0x9000;
	s28 =	simm.s32 $0x3E80  }
0x8: {  	s29 =	simm.s32 $0x3F00;
	s30 =	simm.s32 $0x3F80;
	s31 =	simm.s32 $0x0  }
0x9: {  	s2 =	sand.u32 $0x1, s2;
	s7 =	smul.u32 $0x14000, s10;
	[smem:$0x7FF] =	sst s4  }
0xa: {  	s22 =	sadd.s32 $0x6A00, s6;
	s24 =	smul.u32 $0x50000, s10;
	s9 =	sshll.u32 s10, $0xC  }
0xb: {  	s26 =	sshll.u32 s10, $0x6;
	s5 =	smul.u32 $0x140000, s2;
	_ =	strace $0x80000047  }
0xc: {  	[dreg:$0x5] =	wrdreg s22;
	s23 =	ssub.s32 $0x2, s2;
	s2 =	sshll.u32 s2, $0xB  }
0xd: {  	s22 =	simm.s32 $0x1;
	s8 =	sshrl.u32 s23, $0x1;
	s25 =	sshrl.u32 s24, $0x2  }
0xe: {  	s2 =	sor.u32 s2, s9;
	s24 =	simm.s32 $0x3;
	s7 =	sadd.s32 s7, s5  }
0xf: {  	s12 =	ssub.s32 s23, s8;
	s13 =	sadd.s32 s25, s3;
	s23 =	simm.s32 $0x2  }
0x10: {  	s25 =	simm.s32 $0x3E00;
	s7 =	sshrl.u32 s7, $0x3;
	s12 =	smax.u32 s12, $0x1  }
0x11: {  	s13 =	sshrl.u32 s13, $0x3;
	s11 =	sadd.s32 s7, s6;
	s6 =	sadd.s32 s1, s2  }
0x12: {  	s7 =	sor.u32 $0x1C04, s26;
	s26 =	simm.s32 $0x1F80;
	s8 =	sadd.s32 $0x10000, s6  }
0x13: {  	s9 =	sadd.s32 $0x400, s6;
	s10 =	sadd.s32 $0x10400, s6;
	s11 =	sadd.s32 $0x9200, s11  }
.LBB2_1:
0x14: {  	s1 =	rddreg [dreg:$0x5]  }
0x15: {  	[spmem:s13], [sflag:s7] =	dma.local [hbm:s1], $0x2800  }
0x16: {  	_ =	swait.ge [sflag:s14], $0x2800  }
0x17: {  	[sflag:s14] =	ssyncset.done $0x0  }
0x18: {  	[sflag:s14] =	ssyncadd.s32 $0xFFFFD800  }
0x19: {  	[bflag:$0x0] =	sbarrier.arrive $0xFFFF  }
0x1a: {  	[tilespmem:s4], [sflag:$0x4] =	stream.linear.gather [hbm4b:s6+s4], $0x2000, $0x38;
	[tilespmem:$0x1F800] =	vst v63  }
0x1b: {  	_ =	swait.ge [sflag:s14], $0x2000  }
0x1c: {  	[sflag:s14] =	ssyncset.done $0x0  }
0x1d: {  	[sflag:s14] =	ssyncadd.s32 $0xFFFFE000  }
0x1e: {  	[tilespmem:s15], [sflag:$0x4] =	stream.linear.gather [hbm4b:s8+s4], $0x2000, $0x38;
	[tilespmem:$0x1F800] =	vst v63  }
0x1f: {  	_ =	swait.ge [sflag:s14], $0x2000  }
0x20: {  	[sflag:s14] =	ssyncset.done $0x0  }
0x21: {  	[sflag:s14] =	ssyncadd.s32 $0xFFFFE000  }
0x22: {  	[tilespmem:s17], [sflag:$0x1] =	stream.indirect.gather [hbm4b:s0+s16], $0x80, s4, s16, $0xb8;
	[tilespmem:$0x1F800] =	vst v63  }
0x23: {  	_ = 	snop  }
0x24: {  	[tilespmem:s19], [sflag:$0x2] =	stream.indirect.gather [hbm4b:s0+s16], $0x80, s18, s16, $0xb8;
	[tilespmem:$0x1F800] =	vst v63  }
0x25: {  	_ = 	snop  }
0x26: {  	[tilespmem:s21], [sflag:$0x3] =	stream.indirect.gather [hbm4b:s0+s16], $0x80, s20, s16, $0xb8;
	[tilespmem:$0x1F800] =	vst v63  }
0x27: {  	_ =	swait.ge [sflag:s22], $0x2800  }
0x28: {  	[sflag:s22] =	ssyncset.done $0x0  }
0x29: {  	s5 =	simm.s32 $0x2000;
	[sflag:s22] =	ssyncadd.s32 $0xFFFFD800  }
0x2a: {  	[spmem:s3] =	stream.indirect.scatter.add.f32 [tilespmem:s17], [sflag:$0x4], $0x80, s5, s16, $0xb8;
	[tilespmem:$0x1F800] =	vst v63  }
0x2b: {  	_ =	swait.ge [sflag:s14], $0x2800  }
0x2c: {  	[sflag:s14] =	ssyncset.done $0x0  }
0x2d: {  	s2 =	simm.s32 $0x180;
	[sflag:s14] =	ssyncadd.s32 $0xFFFFD800  }
0x2e: {  	[tilespmem:s17], [sflag:$0x1] =	stream.indirect.gather [hbm4b:s0+s16], $0x80, s2, s16, $0xb8;
	[tilespmem:$0x1F800] =	vst v63  }
0x2f: {  	_ =	swait.ge [sflag:s23], $0x2800  }
0x30: {  	[sflag:s23] =	ssyncset.done $0x0  }
0x31: {  	s5 =	simm.s32 $0x2080;
	[sflag:s23] =	ssyncadd.s32 $0xFFFFD800  }
0x32: {  	[spmem:s3] =	stream.indirect.scatter.add.f32 [tilespmem:s19], [sflag:$0x4], $0x80, s5, s16, $0xb8;
	[tilespmem:$0x1F800] =	vst v63  }
0x33: {  	_ =	swait.ge [sflag:s14], $0x2800  }
0x34: {  	[sflag:s14] =	ssyncset.done $0x0  }
0x35: {  	s2 =	simm.s32 $0x200;
	[sflag:s14] =	ssyncadd.s32 $0xFFFFD800  }
0x36: {  	[tilespmem:s19], [sflag:$0x2] =	stream.indirect.gather [hbm4b:s0+s16], $0x80, s2, s16, $0xb8;
	[tilespmem:$0x1F800] =	vst v63  }
0x37: {  	_ =	swait.ge [sflag:s24], $0x2800  }
0x38: {  	[sflag:s24] =	ssyncset.done $0x0  }
0x39: {  	s5 =	simm.s32 $0x2100;
	[sflag:s24] =	ssyncadd.s32 $0xFFFFD800  }
0x3a: {  	[spmem:s3] =	stream.indirect.scatter.add.f32 [tilespmem:s21], [sflag:$0x4], $0x80, s5, s16, $0xb8;
	[tilespmem:$0x1F800] =	vst v63  }
0x3b: {  	_ =	swait.ge [sflag:s14], $0x2800  }
0x3c: {  	[sflag:s14] =	ssyncset.done $0x0  }
0x3d: {  	s1 =	simm.s32 $0x280;
	s2 =	simm.s32 $0x600;
	[sflag:s14] =	ssyncadd.s32 $0xFFFFD800  }
.LBB2_2:
0x3e: {  	[tilespmem:s21], [sflag:$0x3] =	stream.indirect.gather [hbm4b:s0+s16], $0x80, s1, s16, $0xb8;
	[tilespmem:$0x1F800] =	vst v63  }
0x3f: {  	s1 =	smov.u32 s2  }
0x40: {  	p0 =	sne.s32 s2, $0x7200;
	s2 =	sadd.s32 $0x600, s2;
	_ =	swait.ge [sflag:s22], $0x2800  }
0x41: {  	s1 =	sshra.s32 s1, $0x2;
	[sflag:s22] =	ssyncset.done $0x0  }
0x42: {  	s5 =	sadd.s32 $0x2000, s1;
	[sflag:s22] =	ssyncadd.s32 $0xFFFFD800  }
0x43: {  	[spmem:s3] =	stream.indirect.scatter.add.f32 [tilespmem:s17], [sflag:$0x4], $0x80, s5, s16, $0xb8;
	[tilespmem:$0x1F800] =	vst v63  }
0x44: {  	_ =	swait.ge [sflag:s14], $0x2800  }
0x45: {  	[sflag:s14] =	ssyncset.done $0x0  }
0x46: {  	s5 =	sadd.s32 $0x180, s1;
	[sflag:s14] =	ssyncadd.s32 $0xFFFFD800  }
0x47: {  	[tilespmem:s17], [sflag:$0x1] =	stream.indirect.gather [hbm4b:s0+s16], $0x80, s5, s16, $0xb8;
	[tilespmem:$0x1F800] =	vst v63  }
0x48: {  	_ =	swait.ge [sflag:s23], $0x2800  }
0x49: {  	[sflag:s23] =	ssyncset.done $0x0  }
0x4a: {  	s5 =	sadd.s32 $0x2080, s1;
	[sflag:s23] =	ssyncadd.s32 $0xFFFFD800  }
0x4b: {  	[spmem:s3] =	stream.indirect.scatter.add.f32 [tilespmem:s19], [sflag:$0x4], $0x80, s5, s16, $0xb8;
	[tilespmem:$0x1F800] =	vst v63  }
0x4c: {  	_ =	swait.ge [sflag:s14], $0x2800  }
0x4d: {  	[sflag:s14] =	ssyncset.done $0x0  }
0x4e: {  	s5 =	sadd.s32 $0x200, s1;
	[sflag:s14] =	ssyncadd.s32 $0xFFFFD800  }
0x4f: {  	[tilespmem:s19], [sflag:$0x2] =	stream.indirect.gather [hbm4b:s0+s16], $0x80, s5, s16, $0xb8;
	[tilespmem:$0x1F800] =	vst v63  }
0x50: {  	_ =	swait.ge [sflag:s24], $0x2800  }
0x51: {  	[sflag:s24] =	ssyncset.done $0x0  }
.Ltmp0:
0x52: {  	s5 =	sadd.s32 $0x2100, s1;
	[sflag:s24] =	ssyncadd.s32 $0xFFFFD800;
	(pc) =	sbr.rel @p0 .LBB2_2-.Ltmp0, $4  }
0x53: {  	[spmem:s3] =	stream.indirect.scatter.add.f32 [tilespmem:s21], [sflag:$0x4], $0x80, s5, s16, $0xb8;
	[tilespmem:$0x1F800] =	vst v63  }
0x54: {  	_ =	swait.ge [sflag:s14], $0x2800  }
0x55: {  	[sflag:s14] =	ssyncset.done $0x0  }
0x56: {  	s1 =	sadd.s32 $0x280, s1;
	[sflag:s14] =	ssyncadd.s32 $0xFFFFD800  }
0x57: {  	[tilespmem:s21], [sflag:$0x3] =	stream.indirect.gather [hbm4b:s0+s16], $0x80, s1, s16, $0xb8;
	[tilespmem:$0x1F800] =	vst v63  }
0x58: {  	_ =	swait.ge [sflag:s22], $0x2800  }
0x59: {  	[sflag:s22] =	ssyncset.done $0x0  }
0x5a: {  	[sflag:s22] =	ssyncadd.s32 $0xFFFFD800  }
0x5b: {  	[spmem:s3] =	stream.indirect.scatter.add.f32 [tilespmem:s17], [sflag:$0x4], $0x80, s25, s16, $0xb8;
	[tilespmem:$0x1F800] =	vst v63  }
0x5c: {  	_ =	swait.ge [sflag:s14], $0x2800  }
0x5d: {  	[sflag:s14] =	ssyncset.done $0x0  }
0x5e: {  	[sflag:s14] =	ssyncadd.s32 $0xFFFFD800  }
0x5f: {  	[tilespmem:s17], [sflag:$0x1] =	stream.indirect.gather [hbm4b:s0+s16], $0x80, s26, s16, $0xb8;
	[tilespmem:$0x1F800] =	vst v63  }
0x60: {  	_ =	swait.ge [sflag:s23], $0x2800  }
0x61: {  	[sflag:s23] =	ssyncset.done $0x0  }
0x62: {  	[sflag:s23] =	ssyncadd.s32 $0xFFFFD800  }
0x63: {  	[spmem:s3] =	stream.indirect.scatter.add.f32 [tilespmem:s19], [sflag:$0x4], $0x80, s28, s16, $0xb8;
	[tilespmem:$0x1F800] =	vst v63  }
0x64: {  	_ =	swait.ge [sflag:s14], $0x2800  }
0x65: {  	[sflag:s14] =	ssyncset.done $0x0  }
0x66: {  	[sflag:s14] =	ssyncadd.s32 $0xFFFFD800  }
0x67: {  	_ =	swait.ge [sflag:s24], $0x2800  }
0x68: {  	[sflag:s24] =	ssyncset.done $0x0  }
0x69: {  	[sflag:s24] =	ssyncadd.s32 $0xFFFFD800  }
0x6a: {  	[spmem:s3] =	stream.indirect.scatter.add.f32 [tilespmem:s21], [sflag:$0x4], $0x80, s29, s16, $0xb8;
	[tilespmem:$0x1F800] =	vst v63  }
0x6b: {  	_ =	swait.ge [sflag:s14], $0x2800  }
0x6c: {  	[sflag:s14] =	ssyncset.done $0x0  }
0x6d: {  	[sflag:s14] =	ssyncadd.s32 $0xFFFFD800  }
0x6e: {  	_ =	swait.ge [sflag:s22], $0x2800  }
0x6f: {  	[sflag:s22] =	ssyncset.done $0x0  }
0x70: {  	[sflag:s22] =	ssyncadd.s32 $0xFFFFD800  }
0x71: {  	[spmem:s3] =	stream.indirect.scatter.add.f32 [tilespmem:s17], [sflag:$0x4], $0x80, s30, s16, $0xb8;
	[tilespmem:$0x1F800] =	vst v63  }
0x72: {  	_ =	swait.ge [sflag:s14], $0x2800  }
0x73: {  	[sflag:s14] =	ssyncset.done $0x0  }
0x74: {  	s2 =	simm.s32 $0x0;
	[sflag:s14] =	ssyncadd.s32 $0xFFFFD800  }
0x75: {  	[tilespmem:s2], [sflag:$0x4] =	stream.linear.gather [hbm4b:s9+s2], $0x2000, $0x38;
	[tilespmem:$0x1F800] =	vst v63  }
0x76: {  	_ =	swait.ge [sflag:s14], $0x2000  }
0x77: {  	[sflag:s14] =	ssyncset.done $0x0  }
0x78: {  	[sflag:s14] =	ssyncadd.s32 $0xFFFFE000  }
0x79: {  	[tilespmem:s15], [sflag:$0x4] =	stream.linear.gather [hbm4b:s10+s2], $0x2000, $0x38;
	[tilespmem:$0x1F800] =	vst v63  }
0x7a: {  	_ =	swait.ge [sflag:s14], $0x2000  }
0x7b: {  	[sflag:s14] =	ssyncset.done $0x0  }
0x7c: {  	[sflag:s14] =	ssyncadd.s32 $0xFFFFE000  }
0x7d: {  	[tilespmem:s17], [sflag:$0x1] =	stream.indirect.gather [hbm4b:s0+s16], $0x80, s2, s16, $0xb8;
	[tilespmem:$0x1F800] =	vst v63  }
0x7e: {  	_ = 	snop  }
0x7f: {  	[tilespmem:s19], [sflag:$0x2] =	stream.indirect.gather [hbm4b:s0+s16], $0x80, s18, s16, $0xb8;
	[tilespmem:$0x1F800] =	vst v63  }
0x80: {  	_ = 	snop  }
0x81: {  	[tilespmem:s21], [sflag:$0x3] =	stream.indirect.gather [hbm4b:s0+s16], $0x80, s20, s16, $0xb8;
	[tilespmem:$0x1F800] =	vst v63  }
0x82: {  	_ =	swait.ge [sflag:s22], $0x2800  }
0x83: {  	[sflag:s22] =	ssyncset.done $0x0  }
0x84: {  	s5 =	simm.s32 $0x2000;
	[sflag:s22] =	ssyncadd.s32 $0xFFFFD800  }
0x85: {  	[spmem:s3] =	stream.indirect.scatter.add.f32 [tilespmem:s17], [sflag:$0x4], $0x80, s5, s16, $0xb8;
	[tilespmem:$0x1F800] =	vst v63  }
0x86: {  	_ =	swait.ge [sflag:s14], $0x2800  }
0x87: {  	[sflag:s14] =	ssyncset.done $0x0  }
0x88: {  	s2 =	simm.s32 $0x180;
	[sflag:s14] =	ssyncadd.s32 $0xFFFFD800  }
0x89: {  	[tilespmem:s17], [sflag:$0x1] =	stream.indirect.gather [hbm4b:s0+s16], $0x80, s2, s16, $0xb8;
	[tilespmem:$0x1F800] =	vst v63  }
0x8a: {  	_ =	swait.ge [sflag:s23], $0x2800  }
0x8b: {  	[sflag:s23] =	ssyncset.done $0x0  }
0x8c: {  	s5 =	simm.s32 $0x2080;
	[sflag:s23] =	ssyncadd.s32 $0xFFFFD800  }
0x8d: {  	[spmem:s3] =	stream.indirect.scatter.add.f32 [tilespmem:s19], [sflag:$0x4], $0x80, s5, s16, $0xb8;
	[tilespmem:$0x1F800] =	vst v63  }
0x8e: {  	_ =	swait.ge [sflag:s14], $0x2800  }
0x8f: {  	[sflag:s14] =	ssyncset.done $0x0  }
0x90: {  	s2 =	simm.s32 $0x200;
	[sflag:s14] =	ssyncadd.s32 $0xFFFFD800  }
0x91: {  	[tilespmem:s19], [sflag:$0x2] =	stream.indirect.gather [hbm4b:s0+s16], $0x80, s2, s16, $0xb8;
	[tilespmem:$0x1F800] =	vst v63  }
0x92: {  	_ =	swait.ge [sflag:s24], $0x2800  }
0x93: {  	[sflag:s24] =	ssyncset.done $0x0  }
0x94: {  	s5 =	simm.s32 $0x2100;
	[sflag:s24] =	ssyncadd.s32 $0xFFFFD800  }
0x95: {  	[spmem:s3] =	stream.indirect.scatter.add.f32 [tilespmem:s21], [sflag:$0x4], $0x80, s5, s16, $0xb8;
	[tilespmem:$0x1F800] =	vst v63  }
0x96: {  	_ =	swait.ge [sflag:s14], $0x2800  }
0x97: {  	[sflag:s14] =	ssyncset.done $0x0  }
0x98: {  	s1 =	simm.s32 $0x280;
	s2 =	simm.s32 $0x600;
	[sflag:s14] =	ssyncadd.s32 $0xFFFFD800  }
.LBB2_4:
0x99: {  	[tilespmem:s21], [sflag:$0x3] =	stream.indirect.gather [hbm4b:s0+s16], $0x80, s1, s16, $0xb8;
	[tilespmem:$0x1F800] =	vst v63  }
0x9a: {  	s1 =	smov.u32 s2  }
0x9b: {  	p0 =	sne.s32 s2, $0x7200;
	s2 =	sadd.s32 $0x600, s2;
	_ =	swait.ge [sflag:s22], $0x2800  }
0x9c: {  	s1 =	sshra.s32 s1, $0x2;
	[sflag:s22] =	ssyncset.done $0x0  }
0x9d: {  	s5 =	sadd.s32 $0x2000, s1;
	[sflag:s22] =	ssyncadd.s32 $0xFFFFD800  }
0x9e: {  	[spmem:s3] =	stream.indirect.scatter.add.f32 [tilespmem:s17], [sflag:$0x4], $0x80, s5, s16, $0xb8;
	[tilespmem:$0x1F800] =	vst v63  }
0x9f: {  	_ =	swait.ge [sflag:s14], $0x2800  }
0xa0: {  	[sflag:s14] =	ssyncset.done $0x0  }
0xa1: {  	s5 =	sadd.s32 $0x180, s1;
	[sflag:s14] =	ssyncadd.s32 $0xFFFFD800  }
0xa2: {  	[tilespmem:s17], [sflag:$0x1] =	stream.indirect.gather [hbm4b:s0+s16], $0x80, s5, s16, $0xb8;
	[tilespmem:$0x1F800] =	vst v63  }
0xa3: {  	_ =	swait.ge [sflag:s23], $0x2800  }
0xa4: {  	[sflag:s23] =	ssyncset.done $0x0  }
0xa5: {  	s5 =	sadd.s32 $0x2080, s1;
	[sflag:s23] =	ssyncadd.s32 $0xFFFFD800  }
0xa6: {  	[spmem:s3] =	stream.indirect.scatter.add.f32 [tilespmem:s19], [sflag:$0x4], $0x80, s5, s16, $0xb8;
	[tilespmem:$0x1F800] =	vst v63  }
0xa7: {  	_ =	swait.ge [sflag:s14], $0x2800  }
0xa8: {  	[sflag:s14] =	ssyncset.done $0x0  }
0xa9: {  	s5 =	sadd.s32 $0x200, s1;
	[sflag:s14] =	ssyncadd.s32 $0xFFFFD800  }
0xaa: {  	[tilespmem:s19], [sflag:$0x2] =	stream.indirect.gather [hbm4b:s0+s16], $0x80, s5, s16, $0xb8;
	[tilespmem:$0x1F800] =	vst v63  }
0xab: {  	_ =	swait.ge [sflag:s24], $0x2800  }
0xac: {  	[sflag:s24] =	ssyncset.done $0x0  }
.Ltmp1:
0xad: {  	s5 =	sadd.s32 $0x2100, s1;
	[sflag:s24] =	ssyncadd.s32 $0xFFFFD800;
	(pc) =	sbr.rel @p0 .LBB2_4-.Ltmp1, $4  }
0xae: {  	[spmem:s3] =	stream.indirect.scatter.add.f32 [tilespmem:s21], [sflag:$0x4], $0x80, s5, s16, $0xb8;
	[tilespmem:$0x1F800] =	vst v63  }
0xaf: {  	_ =	swait.ge [sflag:s14], $0x2800  }
0xb0: {  	[sflag:s14] =	ssyncset.done $0x0  }
0xb1: {  	s1 =	sadd.s32 $0x280, s1;
	[sflag:s14] =	ssyncadd.s32 $0xFFFFD800  }
0xb2: {  	[tilespmem:s21], [sflag:$0x3] =	stream.indirect.gather [hbm4b:s0+s16], $0x80, s1, s16, $0xb8;
	[tilespmem:$0x1F800] =	vst v63  }
0xb3: {  	_ =	swait.ge [sflag:s22], $0x2800  }
0xb4: {  	[sflag:s22] =	ssyncset.done $0x0  }
0xb5: {  	[sflag:s22] =	ssyncadd.s32 $0xFFFFD800  }
0xb6: {  	[spmem:s3] =	stream.indirect.scatter.add.f32 [tilespmem:s17], [sflag:$0x4], $0x80, s25, s16, $0xb8;
	[tilespmem:$0x1F800] =	vst v63  }
0xb7: {  	_ =	swait.ge [sflag:s14], $0x2800  }
0xb8: {  	[sflag:s14] =	ssyncset.done $0x0  }
0xb9: {  	[sflag:s14] =	ssyncadd.s32 $0xFFFFD800  }
0xba: {  	[tilespmem:s17], [sflag:$0x1] =	stream.indirect.gather [hbm4b:s0+s16], $0x80, s26, s16, $0xb8;
	[tilespmem:$0x1F800] =	vst v63  }
0xbb: {  	_ =	swait.ge [sflag:s23], $0x2800  }
0xbc: {  	[sflag:s23] =	ssyncset.done $0x0  }
0xbd: {  	[sflag:s23] =	ssyncadd.s32 $0xFFFFD800  }
0xbe: {  	[spmem:s3] =	stream.indirect.scatter.add.f32 [tilespmem:s19], [sflag:$0x4], $0x80, s28, s16, $0xb8;
	[tilespmem:$0x1F800] =	vst v63  }
0xbf: {  	_ =	swait.ge [sflag:s14], $0x2800  }
0xc0: {  	[sflag:s14] =	ssyncset.done $0x0  }
0xc1: {  	[sflag:s14] =	ssyncadd.s32 $0xFFFFD800  }
0xc2: {  	_ =	swait.ge [sflag:s24], $0x2800  }
0xc3: {  	[sflag:s24] =	ssyncset.done $0x0  }
0xc4: {  	[sflag:s24] =	ssyncadd.s32 $0xFFFFD800  }
0xc5: {  	[spmem:s3] =	stream.indirect.scatter.add.f32 [tilespmem:s21], [sflag:$0x4], $0x80, s29, s16, $0xb8;
	[tilespmem:$0x1F800] =	vst v63  }
0xc6: {  	_ =	swait.ge [sflag:s14], $0x2800  }
0xc7: {  	[sflag:s14] =	ssyncset.done $0x0  }
0xc8: {  	[sflag:s14] =	ssyncadd.s32 $0xFFFFD800  }
0xc9: {  	_ =	swait.ge [sflag:s22], $0x2800  }
0xca: {  	[sflag:s22] =	ssyncset.done $0x0  }
0xcb: {  	[sflag:s22] =	ssyncadd.s32 $0xFFFFD800  }
0xcc: {  	[spmem:s3] =	stream.indirect.scatter.add.f32 [tilespmem:s17], [sflag:$0x4], $0x80, s30, s16, $0xb8;
	[tilespmem:$0x1F800] =	vst v63  }
0xcd: {  	_ =	swait.ge [sflag:s14], $0x2800  }
0xce: {  	s31 =	sadd.s32 $0x1, s31;
	[sflag:s14] =	ssyncset.done $0x0  }
0xcf: {  	p0 =	sne.s32 s31, s12;
	[sflag:s14] =	ssyncadd.s32 $0xFFFFD800  }
.Ltmp2:
0xd0: {  	[bflag:$0x0] =	sbarrier.arrive $0xFFFF;
	(pc) =	sbr.rel @p0 .LBB2_1-.Ltmp2, $4  }
0xd1: {  	[hbm:s11], [sflag:s7] =	dma.local [spmem:s13], $0x2800  }
0xd2: {  	_ =	swait.ge [sflag:s14], $0x2800  }
0xd3: {  	[sflag:s14] =	ssyncset.done $0x0  }
0xd4: {  	[sflag:s14] =	ssyncadd.s32 $0xFFFFD800  }
0xd5: {  	_ =	sfence.sel $0x180000  }
0xd6: {  	[bflag:$0x0] =	sbarrier.arrive $0xFFFF  }
0xd7: {  	_ =	strace $0x90000047  }
0xd8: {  	s0 =	stileid.u32;
	[bflag:$0x2] =	sbarrier.arrive $0xFFFF  }
0xd9: {  	p0 =	sne.s32 s0, $0x0;
	s0 =	rddreg [dreg:$0x4]  }
0xda: {  	s0 =	sadd.s32 @!p0 $0x100000, s0  }
0xdb: {  	[sflag:s0] =	ssyncadd.tile.s32 @!p0 $0x1;
	_ =	shalt  }
.Lfunc_end2:
_tile_overlayer_lowered:
.L_overlay_start_2:
0xdc: {  	(tag) =	ssettag $0x2  }
0xdd: {  	s0 =	rddreg [dreg:$0x0];
	s2 =	stileid.u32  }
0xde: {  	s1 =	rddreg [dreg:$0x1];
	p0 =	sne.s32 s2, $0x0  }
0xdf: {  	s3 =	rddreg [dreg:$0x2];
	[bflag:$0x3] =	sbarrier.arrive $0xFFFF;
	s2 =	simm.s32 @!p0 $0x1C04  }
0xe0: {  	[timem:s3], [sflag:s2] =	dma.local @!p0 [hbm:s0], s1  }
0xe1: {  	s0 =	simm.s32 @!p0 $0x4  }
0xe2: {  	_ =	swait.ge @!p0 [sflag:s0], s1  }
0xe3: {  	s1 =	ssub.s32 @!p0 $0x0, s1;
	[sflag:s0] =	ssyncset.done @!p0 $0x0  }
0xe4: {  	[sflag:s0] =	ssyncadd.s32 @!p0 s1  }
0xe5: {  	[bflag:$0x3] =	sbarrier.arrive $0xFFFF  }
0xe6: {  	_ =	shalt  }

</sc_bundles>
